<compile_context>
chip_gen: v7x
topology: tpu7x:2x2x1
jax: 0.10.2.dev20260603
libtpu: 0.0.44.dev20260713+nightly
codegen_flags: <defaults>
</compile_context>

<pallas_src>
import jax
import jax.numpy as jnp
from jax import lax
from jax.experimental import pallas as pl
from jax.experimental.pallas import tpu as pltpu, tpu_sc as plsc

VOCAB = 100000
LENGTH = 200
EMBED_DIM = 64
BATCH = 4096

_TR = LENGTH // 8
_BC = BATCH // 128
_NCH = LENGTH // 2
_OP = 129


def _body(ids_hbm, table_hbm, pos_hbm, out_hbm,
          idx_v, g_v, o_v, pos_v, gsem0, gsem1, osem0, osem1):
    w = lax.axis_index("c") * 16 + lax.axis_index("s")
    gsems = (gsem0, gsem1)
    osems = (osem0, osem1)

    pltpu.sync_copy(ids_hbm.at[:, pl.ds(w, 1), :, :], idx_v)
    pltpu.sync_copy(pos_hbm, pos_v)

    iota = jax.lax.iota(jnp.int32, 16)
    kvecs = [(iota + 16 * k2) // 8 for k2 in range(4)]
    ddvecs = [(iota + 16 * k2) % 8 for k2 in range(4)]
    zvec = jnp.zeros((16,), jnp.int32)

    def issue_gather(q, r):
        for i in range(2):
            l = 2 * q + i
            tr = l // 8
            lr = l % 8
            pltpu.async_copy(table_hbm.at[idx_v.at[tr, 0, lr]],
                             g_v.at[r, pl.ds(i * 128, 128)], gsems[r])

    def wait_gather(r):
        for i in range(2):
            pltpu.make_async_copy(table_hbm.at[idx_v.at[0, 0, 0]],
                                  g_v.at[r, pl.ds(i * 128, 128)],
                                  gsems[r]).wait()

    def compute(q, r):
        for i in range(2):
            l = 2 * q + i
            pvs = [pos_v[l, pl.ds(16 * k2, 16)] for k2 in range(4)]

            @plsc.parallel_loop(0, 128, step=1, unroll=4)
            def _bbloop(bb):
                bbs = jnp.full((16,), bb)
                for k2 in range(4):
                    v = g_v[r, i * 128 + bb, pl.ds(16 * k2, 16)] + pvs[k2]
                    plsc.store_scatter(o_v.at[r, i],
                                       [kvecs[k2], zvec, ddvecs[k2], bbs], v)

    def issue_out(q, r):
        pltpu.async_copy(o_v.at[r, :, :, :, :, pl.ds(0, 128)],
                         out_hbm.at[pl.ds(2 * q, 2), :, pl.ds(w, 1), :, :],
                         osems[r])

    def wait_out(r):
        pltpu.make_async_copy(o_v.at[r, :, :, :, :, pl.ds(0, 128)],
                              out_hbm.at[pl.ds(0, 2), :, pl.ds(0, 1), :, :],
                              osems[r]).wait()

    issue_gather(0, 0)
    issue_gather(1, 1)
    for r in range(2):
        wait_gather(r)
        compute(r, r)
        issue_gather(r + 2, r)
        issue_out(r, r)

    def pair_body(t, carry):
        for r in range(2):
            q = 2 * t + r
            wait_gather(r)
            wait_out(r)
            compute(q, r)

            @pl.when(q + 2 < _NCH)
            def _():
                issue_gather(q + 2, r)

            issue_out(q, r)
        return carry

    lax.fori_loop(1, _NCH // 2, pair_body, 0)
    wait_out(0)
    wait_out(1)


@jax.jit
def _run(ids4, token_table, position_table):
    mesh = plsc.VectorSubcoreMesh(core_axis_name="c", subcore_axis_name="s")
    return pl.kernel(
        _body,
        out_type=jax.ShapeDtypeStruct((LENGTH, 8, _BC, 8, 128), jnp.float32),
        mesh=mesh,
        scratch_types=[
            pltpu.VMEM((_TR, 1, 8, 128), jnp.int32),
            pltpu.VMEM((2, 256, EMBED_DIM), jnp.float32),
            pltpu.VMEM((2, 2, 8, 1, 8, _OP), jnp.float32),
            pltpu.VMEM((LENGTH, EMBED_DIM), jnp.float32),
            pltpu.SemaphoreType.DMA,
            pltpu.SemaphoreType.DMA,
            pltpu.SemaphoreType.DMA,
            pltpu.SemaphoreType.DMA,
        ],
        compiler_params=pltpu.CompilerParams(use_tc_tiling_on_sc=False,
                                             needs_layout_passes=False,
                                             disable_bounds_checks=True),
    )(ids4, token_table, position_table)


def kernel(input_ids, token_table, position_table):
    ids4 = (input_ids.astype(jnp.int32).T
            .reshape(_TR, 8, _BC, 128).transpose(0, 2, 1, 3))
    out5 = _run(ids4, token_table, position_table)
    return out5.transpose(2, 4, 0, 1, 3).reshape(BATCH, LENGTH, EMBED_DIM)

# --- scband reference (transcript-rebuilt; emitter-appended) ---
"""Pipeline reference for scband-bertembedding-65094524339145 (READ-ONLY COPY).

The authoritative reference and input builder live on the scoring server;
editing this copy changes nothing except your own understanding.
"""

import jax, jax.numpy as jnp
import numpy as np

VOCAB = 100000
LENGTH = 200
EMBED_DIM = 64
BATCH = 4096

def setup_inputs(seed: int = 0) -> dict:
    key = jax.random.key(seed)
    k1, k2, k3 = jax.random.split(key, 3)
    input_ids = jax.random.randint(k1, (BATCH, LENGTH), 0, VOCAB, dtype=jnp.int64 if jax.config.jax_enable_x64 else jnp.int32)
    token_table = jax.random.normal(k2, (VOCAB, EMBED_DIM), dtype=jnp.float32)
    position_table = jax.random.normal(k3, (LENGTH, EMBED_DIM), dtype=jnp.float32)
    return {"input_ids": input_ids, "token_table": token_table, "position_table": position_table}

def reference(input_ids, token_table, position_table):
    # token embedding lookup: gather rows from token_table
    token_embedding = jnp.take(token_table, input_ids, axis=0)  # [B, L, D]
    # position embedding: arange over sequence length, broadcast over batch
    position_input = jnp.arange(LENGTH)[None, :]  # [1, L]
    position_embedding = jnp.take(position_table, position_input, axis=0)  # [1, L, D]
    embedding = token_embedding + position_embedding
    # dropout is identity in eval mode
    return embedding

if __name__ == "__main__":
    import jax
    _d = setup_inputs()
    print(jax.jit(kernel)(*tuple(_d.values())))

</pallas_src>

<mosaic_0001>
#map = affine_map<(d0, d1) -> (0, 0, 0, 0)>
#map1 = affine_map<(d0, d1) -> (0, 0)>
#map2 = affine_map<(d0, d1) -> (0, 0, 0, 0, 0)>
module attributes {stable_mosaic.version = 14 : i64} {
  func.func @_body(%arg0: i32, %arg1: i32, %arg2: memref<25x32x8x128xi32, #tpu.memory_space<hbm>>, %arg3: memref<100000x64xf32, #tpu.memory_space<hbm>>, %arg4: memref<200x64xf32, #tpu.memory_space<hbm>>, %arg5: memref<200x8x32x8x128xf32, #tpu.memory_space<hbm>>, %arg6: memref<25x1x8x128xi32, #tpu.memory_space<vmem>>, %arg7: memref<2x256x64xf32, #tpu.memory_space<vmem>>, %arg8: memref<2x2x8x1x8x129xf32, #tpu.memory_space<vmem>>, %arg9: memref<200x64xf32, #tpu.memory_space<vmem>>, %arg10: memref<!tpu.dma_semaphore, #tpu.memory_space<semaphore_mem>>, %arg11: memref<!tpu.dma_semaphore, #tpu.memory_space<semaphore_mem>>, %arg12: memref<!tpu.dma_semaphore, #tpu.memory_space<semaphore_mem>>, %arg13: memref<!tpu.dma_semaphore, #tpu.memory_space<semaphore_mem>>) attributes {dimension_semantics = [#tpu.dimension_semantics<core_parallel>, #tpu.dimension_semantics<subcore_parallel>], iteration_bounds = array<i64: 2, 16>, scalar_prefetch = 0 : i64, scratch_operands = 8 : i64, tpu.core_type = #tpu.core_type<sc_vector_subcore>, window_params = [{transform_indices = #map}, {transform_indices = #map1}, {transform_indices = #map1}, {transform_indices = #map2}]} {
    %mul3A = arith.constant 16 : i32
    %mul3A_0 = arith.muli %arg0, %mul3A : i32
    %add3A = arith.addi %mul3A_0, %arg1 : i32
    "tpu.region"() ({
      %run_scoped3A = tpu.sem_alloc : memref<!tpu.dma_semaphore, #tpu.memory_space<semaphore_mem>>
      %dma_start3A_577 = arith.constant 0 : i32
      %dma_start3A_578 = arith.constant 0 : i32
      %dma_start3A_579 = arith.constant 0 : i32
      %dma_start3A_580 = tpu.memref_slice %arg2[%dma_start3A_577, %add3A, %dma_start3A_578, %dma_start3A_579] : memref<25x32x8x128xi32, #tpu.memory_space<hbm>> -> memref<25x1x8x128xi32, #tpu.memory_space<hbm>>
      %dma_start3A_581 = arith.constant 0 : i32
      %dma_start3A_582 = arith.constant 0 : i32
      %dma_start3A_583 = arith.constant 0 : i32
      %dma_start3A_584 = tpu.memref_slice %arg2[%dma_start3A_581, %add3A, %dma_start3A_582, %dma_start3A_583] : memref<25x32x8x128xi32, #tpu.memory_space<hbm>> -> memref<25x1x8x128xi32, #tpu.memory_space<hbm>>
      tpu.enqueue_dma source(%dma_start3A_584 : memref<25x1x8x128xi32, #tpu.memory_space<hbm>>) target(%arg6 : memref<25x1x8x128xi32, #tpu.memory_space<vmem>>) target_semaphore(%run_scoped3A : memref<!tpu.dma_semaphore, #tpu.memory_space<semaphore_mem>>)
      %dma_wait3A_585 = arith.constant 0 : i32
      %dma_wait3A_586 = arith.constant 0 : i32
      %dma_wait3A_587 = arith.constant 0 : i32
      %dma_wait3A_588 = tpu.memref_slice %arg2[%dma_wait3A_585, %add3A, %dma_wait3A_586, %dma_wait3A_587] : memref<25x32x8x128xi32, #tpu.memory_space<hbm>> -> memref<25x1x8x128xi32, #tpu.memory_space<hbm>>
      %dma_wait3A_589 = arith.constant 0 : i32
      %dma_wait3A_590 = arith.constant 0 : i32
      %dma_wait3A_591 = arith.constant 0 : i32
      %dma_wait3A_592 = tpu.memref_slice %arg2[%dma_wait3A_589, %add3A, %dma_wait3A_590, %dma_wait3A_591] : memref<25x32x8x128xi32, #tpu.memory_space<hbm>> -> memref<25x1x8x128xi32, #tpu.memory_space<hbm>>
      tpu.wait_dma2 semaphore(%run_scoped3A : memref<!tpu.dma_semaphore, #tpu.memory_space<semaphore_mem>>) src(%dma_wait3A_592 : memref<25x1x8x128xi32, #tpu.memory_space<hbm>>) dst(%arg6 : memref<25x1x8x128xi32, #tpu.memory_space<vmem>>)
      tpu.yield
    }) : () -> ()
    "tpu.region"() ({
      %run_scoped3A = tpu.sem_alloc : memref<!tpu.dma_semaphore, #tpu.memory_space<semaphore_mem>>
      tpu.enqueue_dma source(%arg4 : memref<200x64xf32, #tpu.memory_space<hbm>>) target(%arg9 : memref<200x64xf32, #tpu.memory_space<vmem>>) target_semaphore(%run_scoped3A : memref<!tpu.dma_semaphore, #tpu.memory_space<semaphore_mem>>)
      tpu.wait_dma2 semaphore(%run_scoped3A : memref<!tpu.dma_semaphore, #tpu.memory_space<semaphore_mem>>) src(%arg4 : memref<200x64xf32, #tpu.memory_space<hbm>>) dst(%arg9 : memref<200x64xf32, #tpu.memory_space<vmem>>)
      tpu.yield
    }) : () -> ()
    %iota3A = tpu.iota {dimensions = array<i32: 0>} : vector<16xi32>
    %add3A_1 = arith.constant 0 : i32
    %add3A_2 = vector.broadcast %add3A_1 : i32 to vector<16xi32>
    %add3A_3 = arith.addi %iota3A, %add3A_2 : vector<16xi32>
    %jit3A = arith.constant 8 : i32
    %div3A = vector.broadcast %jit3A : i32 to vector<16xi32>
    %div3A_4 = arith.divsi %add3A_3, %div3A : vector<16xi32>
    %sign3A = arith.constant 0 : i32
    %sign3A_5 = vector.broadcast %sign3A : i32 to vector<16xi32>
    %sign3A_6 = arith.cmpi sgt, %add3A_3, %sign3A_5 : vector<16xi32>
    %sign3A_7 = arith.extui %sign3A_6 : vector<16xi1> to vector<16xi32>
    %sign3A_8 = arith.constant 0 : i32
    %sign3A_9 = vector.broadcast %sign3A_8 : i32 to vector<16xi32>
    %sign3A_10 = arith.cmpi slt, %add3A_3, %sign3A_9 : vector<16xi32>
    %sign3A_11 = arith.extui %sign3A_10 : vector<16xi1> to vector<16xi32>
    %sign3A_12 = arith.subi %sign3A_7, %sign3A_11 : vector<16xi32>
    %sign3A_13 = arith.constant 0 : i32
    %sign3A_14 = arith.cmpi sgt, %jit3A, %sign3A_13 : i32
    %sign3A_15 = arith.extui %sign3A_14 : i1 to i32
    %sign3A_16 = arith.constant 0 : i32
    %sign3A_17 = arith.cmpi slt, %jit3A, %sign3A_16 : i32
    %sign3A_18 = arith.extui %sign3A_17 : i1 to i32
    %sign3A_19 = arith.subi %sign3A_15, %sign3A_18 : i32
    %ne3A = vector.broadcast %sign3A_19 : i32 to vector<16xi32>
    %ne3A_20 = arith.cmpi ne, %sign3A_12, %ne3A : vector<16xi32>
    %rem3A = vector.broadcast %jit3A : i32 to vector<16xi32>
    %rem3A_21 = arith.remsi %add3A_3, %rem3A : vector<16xi32>
    %ne3A_22 = arith.constant 0 : i32
    %ne3A_23 = vector.broadcast %ne3A_22 : i32 to vector<16xi32>
    %ne3A_24 = arith.cmpi ne, %rem3A_21, %ne3A_23 : vector<16xi32>
    %and3A = arith.andi %ne3A_20, %ne3A_24 : vector<16xi1>
    %sub3A = arith.constant 1 : i32
    %sub3A_25 = vector.broadcast %sub3A : i32 to vector<16xi32>
    %sub3A_26 = arith.subi %div3A_4, %sub3A_25 : vector<16xi32>
    %select_n3A = arith.select %and3A, %sub3A_26, %div3A_4 : vector<16xi1>, vector<16xi32>
    %add3A_27 = arith.constant 16 : i32
    %add3A_28 = vector.broadcast %add3A_27 : i32 to vector<16xi32>
    %add3A_29 = arith.addi %iota3A, %add3A_28 : vector<16xi32>
    %jit3A_30 = arith.constant 8 : i32
    %div3A_31 = vector.broadcast %jit3A_30 : i32 to vector<16xi32>
    %div3A_32 = arith.divsi %add3A_29, %div3A_31 : vector<16xi32>
    %sign3A_33 = arith.constant 0 : i32
    %sign3A_34 = vector.broadcast %sign3A_33 : i32 to vector<16xi32>
    %sign3A_35 = arith.cmpi sgt, %add3A_29, %sign3A_34 : vector<16xi32>
    %sign3A_36 = arith.extui %sign3A_35 : vector<16xi1> to vector<16xi32>
    %sign3A_37 = arith.constant 0 : i32
    %sign3A_38 = vector.broadcast %sign3A_37 : i32 to vector<16xi32>
    %sign3A_39 = arith.cmpi slt, %add3A_29, %sign3A_38 : vector<16xi32>
    %sign3A_40 = arith.extui %sign3A_39 : vector<16xi1> to vector<16xi32>
    %sign3A_41 = arith.subi %sign3A_36, %sign3A_40 : vector<16xi32>
    %sign3A_42 = arith.constant 0 : i32
    %sign3A_43 = arith.cmpi sgt, %jit3A_30, %sign3A_42 : i32
    %sign3A_44 = arith.extui %sign3A_43 : i1 to i32
    %sign3A_45 = arith.constant 0 : i32
    %sign3A_46 = arith.cmpi slt, %jit3A_30, %sign3A_45 : i32
    %sign3A_47 = arith.extui %sign3A_46 : i1 to i32
    %sign3A_48 = arith.subi %sign3A_44, %sign3A_47 : i32
    %ne3A_49 = vector.broadcast %sign3A_48 : i32 to vector<16xi32>
    %ne3A_50 = arith.cmpi ne, %sign3A_41, %ne3A_49 : vector<16xi32>
    %rem3A_51 = vector.broadcast %jit3A_30 : i32 to vector<16xi32>
    %rem3A_52 = arith.remsi %add3A_29, %rem3A_51 : vector<16xi32>
    %ne3A_53 = arith.constant 0 : i32
    %ne3A_54 = vector.broadcast %ne3A_53 : i32 to vector<16xi32>
    %ne3A_55 = arith.cmpi ne, %rem3A_52, %ne3A_54 : vector<16xi32>
    %and3A_56 = arith.andi %ne3A_50, %ne3A_55 : vector<16xi1>
    %sub3A_57 = arith.constant 1 : i32
    %sub3A_58 = vector.broadcast %sub3A_57 : i32 to vector<16xi32>
    %sub3A_59 = arith.subi %div3A_32, %sub3A_58 : vector<16xi32>
    %select_n3A_60 = arith.select %and3A_56, %sub3A_59, %div3A_32 : vector<16xi1>, vector<16xi32>
    %add3A_61 = arith.constant 32 : i32
    %add3A_62 = vector.broadcast %add3A_61 : i32 to vector<16xi32>
    %add3A_63 = arith.addi %iota3A, %add3A_62 : vector<16xi32>
    %jit3A_64 = arith.constant 8 : i32
    %div3A_65 = vector.broadcast %jit3A_64 : i32 to vector<16xi32>
    %div3A_66 = arith.divsi %add3A_63, %div3A_65 : vector<16xi32>
    %sign3A_67 = arith.constant 0 : i32
    %sign3A_68 = vector.broadcast %sign3A_67 : i32 to vector<16xi32>
    %sign3A_69 = arith.cmpi sgt, %add3A_63, %sign3A_68 : vector<16xi32>
    %sign3A_70 = arith.extui %sign3A_69 : vector<16xi1> to vector<16xi32>
    %sign3A_71 = arith.constant 0 : i32
    %sign3A_72 = vector.broadcast %sign3A_71 : i32 to vector<16xi32>
    %sign3A_73 = arith.cmpi slt, %add3A_63, %sign3A_72 : vector<16xi32>
    %sign3A_74 = arith.extui %sign3A_73 : vector<16xi1> to vector<16xi32>
    %sign3A_75 = arith.subi %sign3A_70, %sign3A_74 : vector<16xi32>
    %sign3A_76 = arith.constant 0 : i32
    %sign3A_77 = arith.cmpi sgt, %jit3A_64, %sign3A_76 : i32
    %sign3A_78 = arith.extui %sign3A_77 : i1 to i32
    %sign3A_79 = arith.constant 0 : i32
    %sign3A_80 = arith.cmpi slt, %jit3A_64, %sign3A_79 : i32
    %sign3A_81 = arith.extui %sign3A_80 : i1 to i32
    %sign3A_82 = arith.subi %sign3A_78, %sign3A_81 : i32
    %ne3A_83 = vector.broadcast %sign3A_82 : i32 to vector<16xi32>
    %ne3A_84 = arith.cmpi ne, %sign3A_75, %ne3A_83 : vector<16xi32>
    %rem3A_85 = vector.broadcast %jit3A_64 : i32 to vector<16xi32>
    %rem3A_86 = arith.remsi %add3A_63, %rem3A_85 : vector<16xi32>
    %ne3A_87 = arith.constant 0 : i32
    %ne3A_88 = vector.broadcast %ne3A_87 : i32 to vector<16xi32>
    %ne3A_89 = arith.cmpi ne, %rem3A_86, %ne3A_88 : vector<16xi32>
    %and3A_90 = arith.andi %ne3A_84, %ne3A_89 : vector<16xi1>
    %sub3A_91 = arith.constant 1 : i32
    %sub3A_92 = vector.broadcast %sub3A_91 : i32 to vector<16xi32>
    %sub3A_93 = arith.subi %div3A_66, %sub3A_92 : vector<16xi32>
    %select_n3A_94 = arith.select %and3A_90, %sub3A_93, %div3A_66 : vector<16xi1>, vector<16xi32>
    %add3A_95 = arith.constant 48 : i32
    %add3A_96 = vector.broadcast %add3A_95 : i32 to vector<16xi32>
    %add3A_97 = arith.addi %iota3A, %add3A_96 : vector<16xi32>
    %jit3A_98 = arith.constant 8 : i32
    %div3A_99 = vector.broadcast %jit3A_98 : i32 to vector<16xi32>
    %div3A_100 = arith.divsi %add3A_97, %div3A_99 : vector<16xi32>
    %sign3A_101 = arith.constant 0 : i32
    %sign3A_102 = vector.broadcast %sign3A_101 : i32 to vector<16xi32>
    %sign3A_103 = arith.cmpi sgt, %add3A_97, %sign3A_102 : vector<16xi32>
    %sign3A_104 = arith.extui %sign3A_103 : vector<16xi1> to vector<16xi32>
    %sign3A_105 = arith.constant 0 : i32
    %sign3A_106 = vector.broadcast %sign3A_105 : i32 to vector<16xi32>
    %sign3A_107 = arith.cmpi slt, %add3A_97, %sign3A_106 : vector<16xi32>
    %sign3A_108 = arith.extui %sign3A_107 : vector<16xi1> to vector<16xi32>
    %sign3A_109 = arith.subi %sign3A_104, %sign3A_108 : vector<16xi32>
    %sign3A_110 = arith.constant 0 : i32
    %sign3A_111 = arith.cmpi sgt, %jit3A_98, %sign3A_110 : i32
    %sign3A_112 = arith.extui %sign3A_111 : i1 to i32
    %sign3A_113 = arith.constant 0 : i32
    %sign3A_114 = arith.cmpi slt, %jit3A_98, %sign3A_113 : i32
    %sign3A_115 = arith.extui %sign3A_114 : i1 to i32
    %sign3A_116 = arith.subi %sign3A_112, %sign3A_115 : i32
    %ne3A_117 = vector.broadcast %sign3A_116 : i32 to vector<16xi32>
    %ne3A_118 = arith.cmpi ne, %sign3A_109, %ne3A_117 : vector<16xi32>
    %rem3A_119 = vector.broadcast %jit3A_98 : i32 to vector<16xi32>
    %rem3A_120 = arith.remsi %add3A_97, %rem3A_119 : vector<16xi32>
    %ne3A_121 = arith.constant 0 : i32
    %ne3A_122 = vector.broadcast %ne3A_121 : i32 to vector<16xi32>
    %ne3A_123 = arith.cmpi ne, %rem3A_120, %ne3A_122 : vector<16xi32>
    %and3A_124 = arith.andi %ne3A_118, %ne3A_123 : vector<16xi1>
    %sub3A_125 = arith.constant 1 : i32
    %sub3A_126 = vector.broadcast %sub3A_125 : i32 to vector<16xi32>
    %sub3A_127 = arith.subi %div3A_100, %sub3A_126 : vector<16xi32>
    %select_n3A_128 = arith.select %and3A_124, %sub3A_127, %div3A_100 : vector<16xi1>, vector<16xi32>
    %add3A_129 = arith.constant 0 : i32
    %add3A_130 = vector.broadcast %add3A_129 : i32 to vector<16xi32>
    %add3A_131 = arith.addi %iota3A, %add3A_130 : vector<16xi32>
    %jit3A_132 = arith.constant 8 : i32
    %eq3A = arith.constant 0 : i32
    %eq3A_133 = arith.cmpi eq, %jit3A_132, %eq3A : i32
    %jit3A_134 = arith.constant 1 : i32
    %select_n3A_135 = arith.select %eq3A_133, %jit3A_134, %jit3A_132 : i32
    %rem3A_136 = vector.broadcast %select_n3A_135 : i32 to vector<16xi32>
    %rem3A_137 = arith.remsi %add3A_131, %rem3A_136 : vector<16xi32>
    %ne3A_138 = arith.constant 0 : i32
    %ne3A_139 = vector.broadcast %ne3A_138 : i32 to vector<16xi32>
    %ne3A_140 = arith.cmpi ne, %rem3A_137, %ne3A_139 : vector<16xi32>
    %lt3A = arith.constant 0 : i32
    %lt3A_141 = vector.broadcast %lt3A : i32 to vector<16xi32>
    %lt3A_142 = arith.cmpi slt, %rem3A_137, %lt3A_141 : vector<16xi32>
    %lt3A_143 = arith.constant 0 : i32
    %lt3A_144 = arith.cmpi slt, %select_n3A_135, %lt3A_143 : i32
    %ne3A_145 = vector.broadcast %lt3A_144 : i1 to vector<16xi1>
    %ne3A_146 = vector.broadcast %ne3A_145 : vector<16xi1> to vector<16xi1>
    %ne3A_147 = arith.xori %lt3A_142, %ne3A_146 : vector<16xi1>
    %and3A_148 = arith.andi %ne3A_147, %ne3A_140 : vector<16xi1>
    %add3A_149 = vector.broadcast %select_n3A_135 : i32 to vector<16xi32>
    %add3A_150 = arith.addi %rem3A_137, %add3A_149 : vector<16xi32>
    %select_n3A_151 = arith.select %and3A_148, %add3A_150, %rem3A_137 : vector<16xi1>, vector<16xi32>
    %add3A_152 = arith.constant 16 : i32
    %add3A_153 = vector.broadcast %add3A_152 : i32 to vector<16xi32>
    %add3A_154 = arith.addi %iota3A, %add3A_153 : vector<16xi32>
    %jit3A_155 = arith.constant 8 : i32
    %eq3A_156 = arith.constant 0 : i32
    %eq3A_157 = arith.cmpi eq, %jit3A_155, %eq3A_156 : i32
    %jit3A_158 = arith.constant 1 : i32
    %select_n3A_159 = arith.select %eq3A_157, %jit3A_158, %jit3A_155 : i32
    %rem3A_160 = vector.broadcast %select_n3A_159 : i32 to vector<16xi32>
    %rem3A_161 = arith.remsi %add3A_154, %rem3A_160 : vector<16xi32>
    %ne3A_162 = arith.constant 0 : i32
    %ne3A_163 = vector.broadcast %ne3A_162 : i32 to vector<16xi32>
    %ne3A_164 = arith.cmpi ne, %rem3A_161, %ne3A_163 : vector<16xi32>
    %lt3A_165 = arith.constant 0 : i32
    %lt3A_166 = vector.broadcast %lt3A_165 : i32 to vector<16xi32>
    %lt3A_167 = arith.cmpi slt, %rem3A_161, %lt3A_166 : vector<16xi32>
    %lt3A_168 = arith.constant 0 : i32
    %lt3A_169 = arith.cmpi slt, %select_n3A_159, %lt3A_168 : i32
    %ne3A_170 = vector.broadcast %lt3A_169 : i1 to vector<16xi1>
    %ne3A_171 = vector.broadcast %ne3A_170 : vector<16xi1> to vector<16xi1>
    %ne3A_172 = arith.xori %lt3A_167, %ne3A_171 : vector<16xi1>
    %and3A_173 = arith.andi %ne3A_172, %ne3A_164 : vector<16xi1>
    %add3A_174 = vector.broadcast %select_n3A_159 : i32 to vector<16xi32>
    %add3A_175 = arith.addi %rem3A_161, %add3A_174 : vector<16xi32>
    %select_n3A_176 = arith.select %and3A_173, %add3A_175, %rem3A_161 : vector<16xi1>, vector<16xi32>
    %add3A_177 = arith.constant 32 : i32
    %add3A_178 = vector.broadcast %add3A_177 : i32 to vector<16xi32>
    %add3A_179 = arith.addi %iota3A, %add3A_178 : vector<16xi32>
    %jit3A_180 = arith.constant 8 : i32
    %eq3A_181 = arith.constant 0 : i32
    %eq3A_182 = arith.cmpi eq, %jit3A_180, %eq3A_181 : i32
    %jit3A_183 = arith.constant 1 : i32
    %select_n3A_184 = arith.select %eq3A_182, %jit3A_183, %jit3A_180 : i32
    %rem3A_185 = vector.broadcast %select_n3A_184 : i32 to vector<16xi32>
    %rem3A_186 = arith.remsi %add3A_179, %rem3A_185 : vector<16xi32>
    %ne3A_187 = arith.constant 0 : i32
    %ne3A_188 = vector.broadcast %ne3A_187 : i32 to vector<16xi32>
    %ne3A_189 = arith.cmpi ne, %rem3A_186, %ne3A_188 : vector<16xi32>
    %lt3A_190 = arith.constant 0 : i32
    %lt3A_191 = vector.broadcast %lt3A_190 : i32 to vector<16xi32>
    %lt3A_192 = arith.cmpi slt, %rem3A_186, %lt3A_191 : vector<16xi32>
    %lt3A_193 = arith.constant 0 : i32
    %lt3A_194 = arith.cmpi slt, %select_n3A_184, %lt3A_193 : i32
    %ne3A_195 = vector.broadcast %lt3A_194 : i1 to vector<16xi1>
    %ne3A_196 = vector.broadcast %ne3A_195 : vector<16xi1> to vector<16xi1>
    %ne3A_197 = arith.xori %lt3A_192, %ne3A_196 : vector<16xi1>
    %and3A_198 = arith.andi %ne3A_197, %ne3A_189 : vector<16xi1>
    %add3A_199 = vector.broadcast %select_n3A_184 : i32 to vector<16xi32>
    %add3A_200 = arith.addi %rem3A_186, %add3A_199 : vector<16xi32>
    %select_n3A_201 = arith.select %and3A_198, %add3A_200, %rem3A_186 : vector<16xi1>, vector<16xi32>
    %add3A_202 = arith.constant 48 : i32
    %add3A_203 = vector.broadcast %add3A_202 : i32 to vector<16xi32>
    %add3A_204 = arith.addi %iota3A, %add3A_203 : vector<16xi32>
    %jit3A_205 = arith.constant 8 : i32
    %eq3A_206 = arith.constant 0 : i32
    %eq3A_207 = arith.cmpi eq, %jit3A_205, %eq3A_206 : i32
    %jit3A_208 = arith.constant 1 : i32
    %select_n3A_209 = arith.select %eq3A_207, %jit3A_208, %jit3A_205 : i32
    %rem3A_210 = vector.broadcast %select_n3A_209 : i32 to vector<16xi32>
    %rem3A_211 = arith.remsi %add3A_204, %rem3A_210 : vector<16xi32>
    %ne3A_212 = arith.constant 0 : i32
    %ne3A_213 = vector.broadcast %ne3A_212 : i32 to vector<16xi32>
    %ne3A_214 = arith.cmpi ne, %rem3A_211, %ne3A_213 : vector<16xi32>
    %lt3A_215 = arith.constant 0 : i32
    %lt3A_216 = vector.broadcast %lt3A_215 : i32 to vector<16xi32>
    %lt3A_217 = arith.cmpi slt, %rem3A_211, %lt3A_216 : vector<16xi32>
    %lt3A_218 = arith.constant 0 : i32
    %lt3A_219 = arith.cmpi slt, %select_n3A_209, %lt3A_218 : i32
    %ne3A_220 = vector.broadcast %lt3A_219 : i1 to vector<16xi1>
    %ne3A_221 = vector.broadcast %ne3A_220 : vector<16xi1> to vector<16xi1>
    %ne3A_222 = arith.xori %lt3A_217, %ne3A_221 : vector<16xi1>
    %and3A_223 = arith.andi %ne3A_222, %ne3A_214 : vector<16xi1>
    %add3A_224 = vector.broadcast %select_n3A_209 : i32 to vector<16xi32>
    %add3A_225 = arith.addi %rem3A_211, %add3A_224 : vector<16xi32>
    %select_n3A_226 = arith.select %and3A_223, %add3A_225, %rem3A_211 : vector<16xi1>, vector<16xi32>
    %broadcast_in_dim3A = arith.constant 0 : i32
    %broadcast_in_dim3A_227 = vector.broadcast %broadcast_in_dim3A : i32 to vector<16xi32>
    %dma_start3A = arith.constant 0 : i32
    %dma_start3A_228 = arith.constant 0 : i32
    %dma_start3A_229 = arith.constant 0 : i32
    %dma_start3A_230 = arith.constant 0 : i32
    %dma_start3A_231 = arith.constant 0 : i32
    %dma_start3A_232 = arith.constant 0 : i32
    %dma_start3A_233 = tpu.memref_slice %arg7[%dma_start3A_230, %dma_start3A_231, %dma_start3A_232] : memref<2x256x64xf32, #tpu.memory_space<vmem>> -> memref<1x128x64xf32, #tpu.memory_space<vmem>>
    %dma_start3A_234 = tpu.memref_squeeze %dma_start3A_233 : memref<1x128x64xf32, #tpu.memory_space<vmem>> -> memref<128x64xf32, #tpu.memory_space<vmem>>
    %dma_start3A_235 = arith.constant 0 : i32
    %dma_start3A_236 = tpu.memref_slice %arg6[%dma_start3A, %dma_start3A_228, %dma_start3A_229, %dma_start3A_235] : memref<25x1x8x128xi32, #tpu.memory_space<vmem>> -> memref<1x1x1x128xi32, #tpu.memory_space<vmem>>
    %dma_start3A_237 = tpu.memref_squeeze %dma_start3A_236 : memref<1x1x1x128xi32, #tpu.memory_space<vmem>> -> memref<128xi32, #tpu.memory_space<vmem>>
    %dma_start3A_238 = arith.constant 0 : i32
    %dma_start3A_239 = arith.constant 0 : i32
    %dma_start3A_240 = tpu.memref_slice %arg3[%dma_start3A_238, %dma_start3A_239] : memref<100000x64xf32, #tpu.memory_space<hbm>> -> memref<100000x64xf32, #tpu.memory_space<hbm>>
    tpu.enqueue_indirect_dma source(%dma_start3A_240 : memref<100000x64xf32, #tpu.memory_space<hbm>>) target(%dma_start3A_234 : memref<128x64xf32, #tpu.memory_space<vmem>>) offsets(%dma_start3A_237 : memref<128xi32, #tpu.memory_space<vmem>>) semaphore(%arg10 : memref<!tpu.dma_semaphore, #tpu.memory_space<semaphore_mem>>)
    %dma_start3A_241 = arith.constant 0 : i32
    %dma_start3A_242 = arith.constant 0 : i32
    %dma_start3A_243 = arith.constant 1 : i32
    %dma_start3A_244 = arith.constant 0 : i32
    %dma_start3A_245 = arith.constant 128 : i32
    %dma_start3A_246 = arith.constant 0 : i32
    %dma_start3A_247 = tpu.memref_slice %arg7[%dma_start3A_244, %dma_start3A_245, %dma_start3A_246] : memref<2x256x64xf32, #tpu.memory_space<vmem>> -> memref<1x128x64xf32, #tpu.memory_space<vmem>>
    %dma_start3A_248 = tpu.memref_squeeze %dma_start3A_247 : memref<1x128x64xf32, #tpu.memory_space<vmem>> -> memref<128x64xf32, #tpu.memory_space<vmem>>
    %dma_start3A_249 = arith.constant 0 : i32
    %dma_start3A_250 = tpu.memref_slice %arg6[%dma_start3A_241, %dma_start3A_242, %dma_start3A_243, %dma_start3A_249] : memref<25x1x8x128xi32, #tpu.memory_space<vmem>> -> memref<1x1x1x128xi32, #tpu.memory_space<vmem>>
    %dma_start3A_251 = tpu.memref_squeeze %dma_start3A_250 : memref<1x1x1x128xi32, #tpu.memory_space<vmem>> -> memref<128xi32, #tpu.memory_space<vmem>>
    %dma_start3A_252 = arith.constant 0 : i32
    %dma_start3A_253 = arith.constant 0 : i32
    %dma_start3A_254 = tpu.memref_slice %arg3[%dma_start3A_252, %dma_start3A_253] : memref<100000x64xf32, #tpu.memory_space<hbm>> -> memref<100000x64xf32, #tpu.memory_space<hbm>>
    tpu.enqueue_indirect_dma source(%dma_start3A_254 : memref<100000x64xf32, #tpu.memory_space<hbm>>) target(%dma_start3A_248 : memref<128x64xf32, #tpu.memory_space<vmem>>) offsets(%dma_start3A_251 : memref<128xi32, #tpu.memory_space<vmem>>) semaphore(%arg10 : memref<!tpu.dma_semaphore, #tpu.memory_space<semaphore_mem>>)
    %dma_start3A_255 = arith.constant 0 : i32
    %dma_start3A_256 = arith.constant 0 : i32
    %dma_start3A_257 = arith.constant 2 : i32
    %dma_start3A_258 = arith.constant 1 : i32
    %dma_start3A_259 = arith.constant 0 : i32
    %dma_start3A_260 = arith.constant 0 : i32
    %dma_start3A_261 = tpu.memref_slice %arg7[%dma_start3A_258, %dma_start3A_259, %dma_start3A_260] : memref<2x256x64xf32, #tpu.memory_space<vmem>> -> memref<1x128x64xf32, #tpu.memory_space<vmem>>
    %dma_start3A_262 = tpu.memref_squeeze %dma_start3A_261 : memref<1x128x64xf32, #tpu.memory_space<vmem>> -> memref<128x64xf32, #tpu.memory_space<vmem>>
    %dma_start3A_263 = arith.constant 0 : i32
    %dma_start3A_264 = tpu.memref_slice %arg6[%dma_start3A_255, %dma_start3A_256, %dma_start3A_257, %dma_start3A_263] : memref<25x1x8x128xi32, #tpu.memory_space<vmem>> -> memref<1x1x1x128xi32, #tpu.memory_space<vmem>>
    %dma_start3A_265 = tpu.memref_squeeze %dma_start3A_264 : memref<1x1x1x128xi32, #tpu.memory_space<vmem>> -> memref<128xi32, #tpu.memory_space<vmem>>
    %dma_start3A_266 = arith.constant 0 : i32
    %dma_start3A_267 = arith.constant 0 : i32
    %dma_start3A_268 = tpu.memref_slice %arg3[%dma_start3A_266, %dma_start3A_267] : memref<100000x64xf32, #tpu.memory_space<hbm>> -> memref<100000x64xf32, #tpu.memory_space<hbm>>
    tpu.enqueue_indirect_dma source(%dma_start3A_268 : memref<100000x64xf32, #tpu.memory_space<hbm>>) target(%dma_start3A_262 : memref<128x64xf32, #tpu.memory_space<vmem>>) offsets(%dma_start3A_265 : memref<128xi32, #tpu.memory_space<vmem>>) semaphore(%arg11 : memref<!tpu.dma_semaphore, #tpu.memory_space<semaphore_mem>>)
    %dma_start3A_269 = arith.constant 0 : i32
    %dma_start3A_270 = arith.constant 0 : i32
    %dma_start3A_271 = arith.constant 3 : i32
    %dma_start3A_272 = arith.constant 1 : i32
    %dma_start3A_273 = arith.constant 128 : i32
    %dma_start3A_274 = arith.constant 0 : i32
    %dma_start3A_275 = tpu.memref_slice %arg7[%dma_start3A_272, %dma_start3A_273, %dma_start3A_274] : memref<2x256x64xf32, #tpu.memory_space<vmem>> -> memref<1x128x64xf32, #tpu.memory_space<vmem>>
    %dma_start3A_276 = tpu.memref_squeeze %dma_start3A_275 : memref<1x128x64xf32, #tpu.memory_space<vmem>> -> memref<128x64xf32, #tpu.memory_space<vmem>>
    %dma_start3A_277 = arith.constant 0 : i32
    %dma_start3A_278 = tpu.memref_slice %arg6[%dma_start3A_269, %dma_start3A_270, %dma_start3A_271, %dma_start3A_277] : memref<25x1x8x128xi32, #tpu.memory_space<vmem>> -> memref<1x1x1x128xi32, #tpu.memory_space<vmem>>
    %dma_start3A_279 = tpu.memref_squeeze %dma_start3A_278 : memref<1x1x1x128xi32, #tpu.memory_space<vmem>> -> memref<128xi32, #tpu.memory_space<vmem>>
    %dma_start3A_280 = arith.constant 0 : i32
    %dma_start3A_281 = arith.constant 0 : i32
    %dma_start3A_282 = tpu.memref_slice %arg3[%dma_start3A_280, %dma_start3A_281] : memref<100000x64xf32, #tpu.memory_space<hbm>> -> memref<100000x64xf32, #tpu.memory_space<hbm>>
    tpu.enqueue_indirect_dma source(%dma_start3A_282 : memref<100000x64xf32, #tpu.memory_space<hbm>>) target(%dma_start3A_276 : memref<128x64xf32, #tpu.memory_space<vmem>>) offsets(%dma_start3A_279 : memref<128xi32, #tpu.memory_space<vmem>>) semaphore(%arg11 : memref<!tpu.dma_semaphore, #tpu.memory_space<semaphore_mem>>)
    %dma_wait3A = arith.constant 0 : i32
    %dma_wait3A_283 = arith.constant 0 : i32
    %dma_wait3A_284 = arith.constant 0 : i32
    %dma_wait3A_285 = arith.constant 0 : i32
    %dma_wait3A_286 = arith.constant 0 : i32
    %dma_wait3A_287 = arith.constant 0 : i32
    %dma_wait3A_288 = tpu.memref_slice %arg7[%dma_wait3A_285, %dma_wait3A_286, %dma_wait3A_287] : memref<2x256x64xf32, #tpu.memory_space<vmem>> -> memref<1x128x64xf32, #tpu.memory_space<vmem>>
    %dma_wait3A_289 = tpu.memref_squeeze %dma_wait3A_288 : memref<1x128x64xf32, #tpu.memory_space<vmem>> -> memref<128x64xf32, #tpu.memory_space<vmem>>
    %dma_wait3A_290 = arith.constant 0 : i32
    %dma_wait3A_291 = tpu.memref_slice %arg6[%dma_wait3A, %dma_wait3A_283, %dma_wait3A_284, %dma_wait3A_290] : memref<25x1x8x128xi32, #tpu.memory_space<vmem>> -> memref<1x1x1x128xi32, #tpu.memory_space<vmem>>
    %dma_wait3A_292 = tpu.memref_squeeze %dma_wait3A_291 : memref<1x1x1x128xi32, #tpu.memory_space<vmem>> -> memref<128xi32, #tpu.memory_space<vmem>>
    %dma_wait3A_293 = arith.constant 0 : i32
    %dma_wait3A_294 = arith.constant 0 : i32
    %dma_wait3A_295 = tpu.memref_slice %arg3[%dma_wait3A_293, %dma_wait3A_294] : memref<100000x64xf32, #tpu.memory_space<hbm>> -> memref<100000x64xf32, #tpu.memory_space<hbm>>
    tpu.wait_indirect_dma semaphore(%arg10 : memref<!tpu.dma_semaphore, #tpu.memory_space<semaphore_mem>>) src(%dma_wait3A_295 : memref<100000x64xf32, #tpu.memory_space<hbm>>) dst(%dma_wait3A_289 : memref<128x64xf32, #tpu.memory_space<vmem>>)
    %dma_wait3A_296 = arith.constant 0 : i32
    %dma_wait3A_297 = arith.constant 0 : i32
    %dma_wait3A_298 = arith.constant 0 : i32
    %dma_wait3A_299 = arith.constant 0 : i32
    %dma_wait3A_300 = arith.constant 128 : i32
    %dma_wait3A_301 = arith.constant 0 : i32
    %dma_wait3A_302 = tpu.memref_slice %arg7[%dma_wait3A_299, %dma_wait3A_300, %dma_wait3A_301] : memref<2x256x64xf32, #tpu.memory_space<vmem>> -> memref<1x128x64xf32, #tpu.memory_space<vmem>>
    %dma_wait3A_303 = tpu.memref_squeeze %dma_wait3A_302 : memref<1x128x64xf32, #tpu.memory_space<vmem>> -> memref<128x64xf32, #tpu.memory_space<vmem>>
    %dma_wait3A_304 = arith.constant 0 : i32
    %dma_wait3A_305 = tpu.memref_slice %arg6[%dma_wait3A_296, %dma_wait3A_297, %dma_wait3A_298, %dma_wait3A_304] : memref<25x1x8x128xi32, #tpu.memory_space<vmem>> -> memref<1x1x1x128xi32, #tpu.memory_space<vmem>>
    %dma_wait3A_306 = tpu.memref_squeeze %dma_wait3A_305 : memref<1x1x1x128xi32, #tpu.memory_space<vmem>> -> memref<128xi32, #tpu.memory_space<vmem>>
    %dma_wait3A_307 = arith.constant 0 : i32
    %dma_wait3A_308 = arith.constant 0 : i32
    %dma_wait3A_309 = tpu.memref_slice %arg3[%dma_wait3A_307, %dma_wait3A_308] : memref<100000x64xf32, #tpu.memory_space<hbm>> -> memref<100000x64xf32, #tpu.memory_space<hbm>>
    tpu.wait_indirect_dma semaphore(%arg10 : memref<!tpu.dma_semaphore, #tpu.memory_space<semaphore_mem>>) src(%dma_wait3A_309 : memref<100000x64xf32, #tpu.memory_space<hbm>>) dst(%dma_wait3A_303 : memref<128x64xf32, #tpu.memory_space<vmem>>)
    %get3A = arith.constant 0 : i32
    %get3A_310 = arith.index_cast %get3A : i32 to index
    %get3A_311 = arith.constant 0 : index
    %get3A_312 = tpu.vector_load %arg9[%get3A_310, %get3A_311] {strides = array<i32>} : memref<200x64xf32, #tpu.memory_space<vmem>>, vector<16xf32>,
    %get3A_313 = arith.constant 0 : i32
    %get3A_314 = arith.index_cast %get3A_313 : i32 to index
    %get3A_315 = arith.constant 16 : index
    %get3A_316 = tpu.vector_load %arg9[%get3A_314, %get3A_315] {strides = array<i32>} : memref<200x64xf32, #tpu.memory_space<vmem>>, vector<16xf32>,
    %get3A_317 = arith.constant 0 : i32
    %get3A_318 = arith.index_cast %get3A_317 : i32 to index
    %get3A_319 = arith.constant 32 : index
    %get3A_320 = tpu.vector_load %arg9[%get3A_318, %get3A_319] {strides = array<i32>} : memref<200x64xf32, #tpu.memory_space<vmem>>, vector<16xf32>,
    %get3A_321 = arith.constant 0 : i32
    %get3A_322 = arith.index_cast %get3A_321 : i32 to index
    %get3A_323 = arith.constant 48 : index
    %get3A_324 = tpu.vector_load %arg9[%get3A_322, %get3A_323] {strides = array<i32>} : memref<200x64xf32, #tpu.memory_space<vmem>>, vector<16xf32>,
    %parallel_loop3A = arith.constant 0 : i32
    %parallel_loop3A_325 = arith.constant 128 : i32
    %parallel_loop3A_326 = arith.constant 1 : i32
    scf.for %parallel_loop3A_577 = %parallel_loop3A to %parallel_loop3A_325 step %parallel_loop3A_326  : i32 {
      %parallel_loop3A_578 = vector.broadcast %parallel_loop3A_577 : i32 to vector<16xi32>
      %parallel_loop3A_579 = arith.constant 0 : i32
      %parallel_loop3A_580 = arith.addi %parallel_loop3A_579, %parallel_loop3A_577 : i32
      %parallel_loop3A_581 = arith.constant 0 : i32
      %parallel_loop3A_582 = arith.index_cast %parallel_loop3A_581 : i32 to index
      %parallel_loop3A_583 = arith.index_cast %parallel_loop3A_580 : i32 to index
      %parallel_loop3A_584 = arith.constant 0 : index
      %parallel_loop3A_585 = tpu.vector_load %arg7[%parallel_loop3A_582, %parallel_loop3A_583, %parallel_loop3A_584] {strides = array<i32>} : memref<2x256x64xf32, #tpu.memory_space<vmem>>, vector<16xf32>,
      %parallel_loop3A_586 = arith.addf %parallel_loop3A_585, %get3A_312 : vector<16xf32>
      %parallel_loop3A_587 = arith.constant 0 : i32
      %parallel_loop3A_588 = arith.constant 0 : i32
      %parallel_loop3A_589 = arith.constant 0 : i32
      %parallel_loop3A_590 = arith.constant 0 : i32
      %parallel_loop3A_591 = arith.constant 0 : i32
      %parallel_loop3A_592 = arith.constant 0 : i32
      %parallel_loop3A_593 = tpu.memref_slice %arg8[%parallel_loop3A_587, %parallel_loop3A_588, %parallel_loop3A_589, %parallel_loop3A_590, %parallel_loop3A_591, %parallel_loop3A_592] : memref<2x2x8x1x8x129xf32, #tpu.memory_space<vmem>> -> memref<1x1x8x1x8x129xf32, #tpu.memory_space<vmem>>
      %parallel_loop3A_594 = tpu.memref_squeeze %parallel_loop3A_593 : memref<1x1x8x1x8x129xf32, #tpu.memory_space<vmem>> -> memref<8x1x8x129xf32, #tpu.memory_space<vmem>>
      tpu.vector_store_idx %parallel_loop3A_594[%select_n3A, %broadcast_in_dim3A_227, %select_n3A_151, %parallel_loop3A_578], %parallel_loop3A_586 : memref<8x1x8x129xf32, #tpu.memory_space<vmem>>[vector<16xi32>, vector<16xi32>, vector<16xi32>, vector<16xi32>], vector<16xf32>,
      %parallel_loop3A_595 = arith.constant 0 : i32
      %parallel_loop3A_596 = arith.addi %parallel_loop3A_595, %parallel_loop3A_577 : i32
      %parallel_loop3A_597 = arith.constant 0 : i32
      %parallel_loop3A_598 = arith.index_cast %parallel_loop3A_597 : i32 to index
      %parallel_loop3A_599 = arith.index_cast %parallel_loop3A_596 : i32 to index
      %parallel_loop3A_600 = arith.constant 16 : index
      %parallel_loop3A_601 = tpu.vector_load %arg7[%parallel_loop3A_598, %parallel_loop3A_599, %parallel_loop3A_600] {strides = array<i32>} : memref<2x256x64xf32, #tpu.memory_space<vmem>>, vector<16xf32>,
      %parallel_loop3A_602 = arith.addf %parallel_loop3A_601, %get3A_316 : vector<16xf32>
      %parallel_loop3A_603 = arith.constant 0 : i32
      %parallel_loop3A_604 = arith.constant 0 : i32
      %parallel_loop3A_605 = arith.constant 0 : i32
      %parallel_loop3A_606 = arith.constant 0 : i32
      %parallel_loop3A_607 = arith.constant 0 : i32
      %parallel_loop3A_608 = arith.constant 0 : i32
      %parallel_loop3A_609 = tpu.memref_slice %arg8[%parallel_loop3A_603, %parallel_loop3A_604, %parallel_loop3A_605, %parallel_loop3A_606, %parallel_loop3A_607, %parallel_loop3A_608] : memref<2x2x8x1x8x129xf32, #tpu.memory_space<vmem>> -> memref<1x1x8x1x8x129xf32, #tpu.memory_space<vmem>>
      %parallel_loop3A_610 = tpu.memref_squeeze %parallel_loop3A_609 : memref<1x1x8x1x8x129xf32, #tpu.memory_space<vmem>> -> memref<8x1x8x129xf32, #tpu.memory_space<vmem>>
      tpu.vector_store_idx %parallel_loop3A_610[%select_n3A_60, %broadcast_in_dim3A_227, %select_n3A_176, %parallel_loop3A_578], %parallel_loop3A_602 : memref<8x1x8x129xf32, #tpu.memory_space<vmem>>[vector<16xi32>, vector<16xi32>, vector<16xi32>, vector<16xi32>], vector<16xf32>,
      %parallel_loop3A_611 = arith.constant 0 : i32
      %parallel_loop3A_612 = arith.addi %parallel_loop3A_611, %parallel_loop3A_577 : i32
      %parallel_loop3A_613 = arith.constant 0 : i32
      %parallel_loop3A_614 = arith.index_cast %parallel_loop3A_613 : i32 to index
      %parallel_loop3A_615 = arith.index_cast %parallel_loop3A_612 : i32 to index
      %parallel_loop3A_616 = arith.constant 32 : index
      %parallel_loop3A_617 = tpu.vector_load %arg7[%parallel_loop3A_614, %parallel_loop3A_615, %parallel_loop3A_616] {strides = array<i32>} : memref<2x256x64xf32, #tpu.memory_space<vmem>>, vector<16xf32>,
      %parallel_loop3A_618 = arith.addf %parallel_loop3A_617, %get3A_320 : vector<16xf32>
      %parallel_loop3A_619 = arith.constant 0 : i32
      %parallel_loop3A_620 = arith.constant 0 : i32
      %parallel_loop3A_621 = arith.constant 0 : i32
      %parallel_loop3A_622 = arith.constant 0 : i32
      %parallel_loop3A_623 = arith.constant 0 : i32
      %parallel_loop3A_624 = arith.constant 0 : i32
      %parallel_loop3A_625 = tpu.memref_slice %arg8[%parallel_loop3A_619, %parallel_loop3A_620, %parallel_loop3A_621, %parallel_loop3A_622, %parallel_loop3A_623, %parallel_loop3A_624] : memref<2x2x8x1x8x129xf32, #tpu.memory_space<vmem>> -> memref<1x1x8x1x8x129xf32, #tpu.memory_space<vmem>>
      %parallel_loop3A_626 = tpu.memref_squeeze %parallel_loop3A_625 : memref<1x1x8x1x8x129xf32, #tpu.memory_space<vmem>> -> memref<8x1x8x129xf32, #tpu.memory_space<vmem>>
      tpu.vector_store_idx %parallel_loop3A_626[%select_n3A_94, %broadcast_in_dim3A_227, %select_n3A_201, %parallel_loop3A_578], %parallel_loop3A_618 : memref<8x1x8x129xf32, #tpu.memory_space<vmem>>[vector<16xi32>, vector<16xi32>, vector<16xi32>, vector<16xi32>], vector<16xf32>,
      %parallel_loop3A_627 = arith.constant 0 : i32
      %parallel_loop3A_628 = arith.addi %parallel_loop3A_627, %parallel_loop3A_577 : i32
      %parallel_loop3A_629 = arith.constant 0 : i32
      %parallel_loop3A_630 = arith.index_cast %parallel_loop3A_629 : i32 to index
      %parallel_loop3A_631 = arith.index_cast %parallel_loop3A_628 : i32 to index
      %parallel_loop3A_632 = arith.constant 48 : index
      %parallel_loop3A_633 = tpu.vector_load %arg7[%parallel_loop3A_630, %parallel_loop3A_631, %parallel_loop3A_632] {strides = array<i32>} : memref<2x256x64xf32, #tpu.memory_space<vmem>>, vector<16xf32>,
      %parallel_loop3A_634 = arith.addf %parallel_loop3A_633, %get3A_324 : vector<16xf32>
      %parallel_loop3A_635 = arith.constant 0 : i32
      %parallel_loop3A_636 = arith.constant 0 : i32
      %parallel_loop3A_637 = arith.constant 0 : i32
      %parallel_loop3A_638 = arith.constant 0 : i32
      %parallel_loop3A_639 = arith.constant 0 : i32
      %parallel_loop3A_640 = arith.constant 0 : i32
      %parallel_loop3A_641 = tpu.memref_slice %arg8[%parallel_loop3A_635, %parallel_loop3A_636, %parallel_loop3A_637, %parallel_loop3A_638, %parallel_loop3A_639, %parallel_loop3A_640] : memref<2x2x8x1x8x129xf32, #tpu.memory_space<vmem>> -> memref<1x1x8x1x8x129xf32, #tpu.memory_space<vmem>>
      %parallel_loop3A_642 = tpu.memref_squeeze %parallel_loop3A_641 : memref<1x1x8x1x8x129xf32, #tpu.memory_space<vmem>> -> memref<8x1x8x129xf32, #tpu.memory_space<vmem>>
      tpu.vector_store_idx %parallel_loop3A_642[%select_n3A_128, %broadcast_in_dim3A_227, %select_n3A_226, %parallel_loop3A_578], %parallel_loop3A_634 : memref<8x1x8x129xf32, #tpu.memory_space<vmem>>[vector<16xi32>, vector<16xi32>, vector<16xi32>, vector<16xi32>], vector<16xf32>,
    } {sc.loop_unroll_factor = 4 : i64, sc.parallel_access}
    %get3A_327 = arith.constant 1 : i32
    %get3A_328 = arith.index_cast %get3A_327 : i32 to index
    %get3A_329 = arith.constant 0 : index
    %get3A_330 = tpu.vector_load %arg9[%get3A_328, %get3A_329] {strides = array<i32>} : memref<200x64xf32, #tpu.memory_space<vmem>>, vector<16xf32>,
    %get3A_331 = arith.constant 1 : i32
    %get3A_332 = arith.index_cast %get3A_331 : i32 to index
    %get3A_333 = arith.constant 16 : index
    %get3A_334 = tpu.vector_load %arg9[%get3A_332, %get3A_333] {strides = array<i32>} : memref<200x64xf32, #tpu.memory_space<vmem>>, vector<16xf32>,
    %get3A_335 = arith.constant 1 : i32
    %get3A_336 = arith.index_cast %get3A_335 : i32 to index
    %get3A_337 = arith.constant 32 : index
    %get3A_338 = tpu.vector_load %arg9[%get3A_336, %get3A_337] {strides = array<i32>} : memref<200x64xf32, #tpu.memory_space<vmem>>, vector<16xf32>,
    %get3A_339 = arith.constant 1 : i32
    %get3A_340 = arith.index_cast %get3A_339 : i32 to index
    %get3A_341 = arith.constant 48 : index
    %get3A_342 = tpu.vector_load %arg9[%get3A_340, %get3A_341] {strides = array<i32>} : memref<200x64xf32, #tpu.memory_space<vmem>>, vector<16xf32>,
    %parallel_loop3A_343 = arith.constant 0 : i32
    %parallel_loop3A_344 = arith.constant 128 : i32
    %parallel_loop3A_345 = arith.constant 1 : i32
    scf.for %parallel_loop3A_577 = %parallel_loop3A_343 to %parallel_loop3A_344 step %parallel_loop3A_345  : i32 {
      %parallel_loop3A_578 = vector.broadcast %parallel_loop3A_577 : i32 to vector<16xi32>
      %parallel_loop3A_579 = arith.constant 128 : i32
      %parallel_loop3A_580 = arith.addi %parallel_loop3A_579, %parallel_loop3A_577 : i32
      %parallel_loop3A_581 = arith.constant 0 : i32
      %parallel_loop3A_582 = arith.index_cast %parallel_loop3A_581 : i32 to index
      %parallel_loop3A_583 = arith.index_cast %parallel_loop3A_580 : i32 to index
      %parallel_loop3A_584 = arith.constant 0 : index
      %parallel_loop3A_585 = tpu.vector_load %arg7[%parallel_loop3A_582, %parallel_loop3A_583, %parallel_loop3A_584] {strides = array<i32>} : memref<2x256x64xf32, #tpu.memory_space<vmem>>, vector<16xf32>,
      %parallel_loop3A_586 = arith.addf %parallel_loop3A_585, %get3A_330 : vector<16xf32>
      %parallel_loop3A_587 = arith.constant 0 : i32
      %parallel_loop3A_588 = arith.constant 1 : i32
      %parallel_loop3A_589 = arith.constant 0 : i32
      %parallel_loop3A_590 = arith.constant 0 : i32
      %parallel_loop3A_591 = arith.constant 0 : i32
      %parallel_loop3A_592 = arith.constant 0 : i32
      %parallel_loop3A_593 = tpu.memref_slice %arg8[%parallel_loop3A_587, %parallel_loop3A_588, %parallel_loop3A_589, %parallel_loop3A_590, %parallel_loop3A_591, %parallel_loop3A_592] : memref<2x2x8x1x8x129xf32, #tpu.memory_space<vmem>> -> memref<1x1x8x1x8x129xf32, #tpu.memory_space<vmem>>
      %parallel_loop3A_594 = tpu.memref_squeeze %parallel_loop3A_593 : memref<1x1x8x1x8x129xf32, #tpu.memory_space<vmem>> -> memref<8x1x8x129xf32, #tpu.memory_space<vmem>>
      tpu.vector_store_idx %parallel_loop3A_594[%select_n3A, %broadcast_in_dim3A_227, %select_n3A_151, %parallel_loop3A_578], %parallel_loop3A_586 : memref<8x1x8x129xf32, #tpu.memory_space<vmem>>[vector<16xi32>, vector<16xi32>, vector<16xi32>, vector<16xi32>], vector<16xf32>,
      %parallel_loop3A_595 = arith.constant 128 : i32
      %parallel_loop3A_596 = arith.addi %parallel_loop3A_595, %parallel_loop3A_577 : i32
      %parallel_loop3A_597 = arith.constant 0 : i32
      %parallel_loop3A_598 = arith.index_cast %parallel_loop3A_597 : i32 to index
      %parallel_loop3A_599 = arith.index_cast %parallel_loop3A_596 : i32 to index
      %parallel_loop3A_600 = arith.constant 16 : index
      %parallel_loop3A_601 = tpu.vector_load %arg7[%parallel_loop3A_598, %parallel_loop3A_599, %parallel_loop3A_600] {strides = array<i32>} : memref<2x256x64xf32, #tpu.memory_space<vmem>>, vector<16xf32>,
      %parallel_loop3A_602 = arith.addf %parallel_loop3A_601, %get3A_334 : vector<16xf32>
      %parallel_loop3A_603 = arith.constant 0 : i32
      %parallel_loop3A_604 = arith.constant 1 : i32
      %parallel_loop3A_605 = arith.constant 0 : i32
      %parallel_loop3A_606 = arith.constant 0 : i32
      %parallel_loop3A_607 = arith.constant 0 : i32
      %parallel_loop3A_608 = arith.constant 0 : i32
      %parallel_loop3A_609 = tpu.memref_slice %arg8[%parallel_loop3A_603, %parallel_loop3A_604, %parallel_loop3A_605, %parallel_loop3A_606, %parallel_loop3A_607, %parallel_loop3A_608] : memref<2x2x8x1x8x129xf32, #tpu.memory_space<vmem>> -> memref<1x1x8x1x8x129xf32, #tpu.memory_space<vmem>>
      %parallel_loop3A_610 = tpu.memref_squeeze %parallel_loop3A_609 : memref<1x1x8x1x8x129xf32, #tpu.memory_space<vmem>> -> memref<8x1x8x129xf32, #tpu.memory_space<vmem>>
      tpu.vector_store_idx %parallel_loop3A_610[%select_n3A_60, %broadcast_in_dim3A_227, %select_n3A_176, %parallel_loop3A_578], %parallel_loop3A_602 : memref<8x1x8x129xf32, #tpu.memory_space<vmem>>[vector<16xi32>, vector<16xi32>, vector<16xi32>, vector<16xi32>], vector<16xf32>,
      %parallel_loop3A_611 = arith.constant 128 : i32
      %parallel_loop3A_612 = arith.addi %parallel_loop3A_611, %parallel_loop3A_577 : i32
      %parallel_loop3A_613 = arith.constant 0 : i32
      %parallel_loop3A_614 = arith.index_cast %parallel_loop3A_613 : i32 to index
      %parallel_loop3A_615 = arith.index_cast %parallel_loop3A_612 : i32 to index
      %parallel_loop3A_616 = arith.constant 32 : index
      %parallel_loop3A_617 = tpu.vector_load %arg7[%parallel_loop3A_614, %parallel_loop3A_615, %parallel_loop3A_616] {strides = array<i32>} : memref<2x256x64xf32, #tpu.memory_space<vmem>>, vector<16xf32>,
      %parallel_loop3A_618 = arith.addf %parallel_loop3A_617, %get3A_338 : vector<16xf32>
      %parallel_loop3A_619 = arith.constant 0 : i32
      %parallel_loop3A_620 = arith.constant 1 : i32
      %parallel_loop3A_621 = arith.constant 0 : i32
      %parallel_loop3A_622 = arith.constant 0 : i32
      %parallel_loop3A_623 = arith.constant 0 : i32
      %parallel_loop3A_624 = arith.constant 0 : i32
      %parallel_loop3A_625 = tpu.memref_slice %arg8[%parallel_loop3A_619, %parallel_loop3A_620, %parallel_loop3A_621, %parallel_loop3A_622, %parallel_loop3A_623, %parallel_loop3A_624] : memref<2x2x8x1x8x129xf32, #tpu.memory_space<vmem>> -> memref<1x1x8x1x8x129xf32, #tpu.memory_space<vmem>>
      %parallel_loop3A_626 = tpu.memref_squeeze %parallel_loop3A_625 : memref<1x1x8x1x8x129xf32, #tpu.memory_space<vmem>> -> memref<8x1x8x129xf32, #tpu.memory_space<vmem>>
      tpu.vector_store_idx %parallel_loop3A_626[%select_n3A_94, %broadcast_in_dim3A_227, %select_n3A_201, %parallel_loop3A_578], %parallel_loop3A_618 : memref<8x1x8x129xf32, #tpu.memory_space<vmem>>[vector<16xi32>, vector<16xi32>, vector<16xi32>, vector<16xi32>], vector<16xf32>,
      %parallel_loop3A_627 = arith.constant 128 : i32
      %parallel_loop3A_628 = arith.addi %parallel_loop3A_627, %parallel_loop3A_577 : i32
      %parallel_loop3A_629 = arith.constant 0 : i32
      %parallel_loop3A_630 = arith.index_cast %parallel_loop3A_629 : i32 to index
      %parallel_loop3A_631 = arith.index_cast %parallel_loop3A_628 : i32 to index
      %parallel_loop3A_632 = arith.constant 48 : index
      %parallel_loop3A_633 = tpu.vector_load %arg7[%parallel_loop3A_630, %parallel_loop3A_631, %parallel_loop3A_632] {strides = array<i32>} : memref<2x256x64xf32, #tpu.memory_space<vmem>>, vector<16xf32>,
      %parallel_loop3A_634 = arith.addf %parallel_loop3A_633, %get3A_342 : vector<16xf32>
      %parallel_loop3A_635 = arith.constant 0 : i32
      %parallel_loop3A_636 = arith.constant 1 : i32
      %parallel_loop3A_637 = arith.constant 0 : i32
      %parallel_loop3A_638 = arith.constant 0 : i32
      %parallel_loop3A_639 = arith.constant 0 : i32
      %parallel_loop3A_640 = arith.constant 0 : i32
      %parallel_loop3A_641 = tpu.memref_slice %arg8[%parallel_loop3A_635, %parallel_loop3A_636, %parallel_loop3A_637, %parallel_loop3A_638, %parallel_loop3A_639, %parallel_loop3A_640] : memref<2x2x8x1x8x129xf32, #tpu.memory_space<vmem>> -> memref<1x1x8x1x8x129xf32, #tpu.memory_space<vmem>>
      %parallel_loop3A_642 = tpu.memref_squeeze %parallel_loop3A_641 : memref<1x1x8x1x8x129xf32, #tpu.memory_space<vmem>> -> memref<8x1x8x129xf32, #tpu.memory_space<vmem>>
      tpu.vector_store_idx %parallel_loop3A_642[%select_n3A_128, %broadcast_in_dim3A_227, %select_n3A_226, %parallel_loop3A_578], %parallel_loop3A_634 : memref<8x1x8x129xf32, #tpu.memory_space<vmem>>[vector<16xi32>, vector<16xi32>, vector<16xi32>, vector<16xi32>], vector<16xf32>,
    } {sc.loop_unroll_factor = 4 : i64, sc.parallel_access}
    %dma_start3A_346 = arith.constant 0 : i32
    %dma_start3A_347 = arith.constant 0 : i32
    %dma_start3A_348 = arith.constant 4 : i32
    %dma_start3A_349 = arith.constant 0 : i32
    %dma_start3A_350 = arith.constant 0 : i32
    %dma_start3A_351 = arith.constant 0 : i32
    %dma_start3A_352 = tpu.memref_slice %arg7[%dma_start3A_349, %dma_start3A_350, %dma_start3A_351] : memref<2x256x64xf32, #tpu.memory_space<vmem>> -> memref<1x128x64xf32, #tpu.memory_space<vmem>>
    %dma_start3A_353 = tpu.memref_squeeze %dma_start3A_352 : memref<1x128x64xf32, #tpu.memory_space<vmem>> -> memref<128x64xf32, #tpu.memory_space<vmem>>
    %dma_start3A_354 = arith.constant 0 : i32
    %dma_start3A_355 = tpu.memref_slice %arg6[%dma_start3A_346, %dma_start3A_347, %dma_start3A_348, %dma_start3A_354] : memref<25x1x8x128xi32, #tpu.memory_space<vmem>> -> memref<1x1x1x128xi32, #tpu.memory_space<vmem>>
    %dma_start3A_356 = tpu.memref_squeeze %dma_start3A_355 : memref<1x1x1x128xi32, #tpu.memory_space<vmem>> -> memref<128xi32, #tpu.memory_space<vmem>>
    %dma_start3A_357 = arith.constant 0 : i32
    %dma_start3A_358 = arith.constant 0 : i32
    %dma_start3A_359 = tpu.memref_slice %arg3[%dma_start3A_357, %dma_start3A_358] : memref<100000x64xf32, #tpu.memory_space<hbm>> -> memref<100000x64xf32, #tpu.memory_space<hbm>>
    tpu.enqueue_indirect_dma source(%dma_start3A_359 : memref<100000x64xf32, #tpu.memory_space<hbm>>) target(%dma_start3A_353 : memref<128x64xf32, #tpu.memory_space<vmem>>) offsets(%dma_start3A_356 : memref<128xi32, #tpu.memory_space<vmem>>) semaphore(%arg10 : memref<!tpu.dma_semaphore, #tpu.memory_space<semaphore_mem>>)
    %dma_start3A_360 = arith.constant 0 : i32
    %dma_start3A_361 = arith.constant 0 : i32
    %dma_start3A_362 = arith.constant 5 : i32
    %dma_start3A_363 = arith.constant 0 : i32
    %dma_start3A_364 = arith.constant 128 : i32
    %dma_start3A_365 = arith.constant 0 : i32
    %dma_start3A_366 = tpu.memref_slice %arg7[%dma_start3A_363, %dma_start3A_364, %dma_start3A_365] : memref<2x256x64xf32, #tpu.memory_space<vmem>> -> memref<1x128x64xf32, #tpu.memory_space<vmem>>
    %dma_start3A_367 = tpu.memref_squeeze %dma_start3A_366 : memref<1x128x64xf32, #tpu.memory_space<vmem>> -> memref<128x64xf32, #tpu.memory_space<vmem>>
    %dma_start3A_368 = arith.constant 0 : i32
    %dma_start3A_369 = tpu.memref_slice %arg6[%dma_start3A_360, %dma_start3A_361, %dma_start3A_362, %dma_start3A_368] : memref<25x1x8x128xi32, #tpu.memory_space<vmem>> -> memref<1x1x1x128xi32, #tpu.memory_space<vmem>>
    %dma_start3A_370 = tpu.memref_squeeze %dma_start3A_369 : memref<1x1x1x128xi32, #tpu.memory_space<vmem>> -> memref<128xi32, #tpu.memory_space<vmem>>
    %dma_start3A_371 = arith.constant 0 : i32
    %dma_start3A_372 = arith.constant 0 : i32
    %dma_start3A_373 = tpu.memref_slice %arg3[%dma_start3A_371, %dma_start3A_372] : memref<100000x64xf32, #tpu.memory_space<hbm>> -> memref<100000x64xf32, #tpu.memory_space<hbm>>
    tpu.enqueue_indirect_dma source(%dma_start3A_373 : memref<100000x64xf32, #tpu.memory_space<hbm>>) target(%dma_start3A_367 : memref<128x64xf32, #tpu.memory_space<vmem>>) offsets(%dma_start3A_370 : memref<128xi32, #tpu.memory_space<vmem>>) semaphore(%arg10 : memref<!tpu.dma_semaphore, #tpu.memory_space<semaphore_mem>>)
    %dma_start3A_374 = arith.constant 0 : i32
    %dma_start3A_375 = arith.constant 0 : i32
    %dma_start3A_376 = arith.constant 0 : i32
    %dma_start3A_377 = arith.constant 0 : i32
    %dma_start3A_378 = arith.constant 0 : i32
    %dma_start3A_379 = arith.constant 0 : i32
    %dma_start3A_380 = tpu.memref_slice %arg8[%dma_start3A_374, %dma_start3A_375, %dma_start3A_376, %dma_start3A_377, %dma_start3A_378, %dma_start3A_379] : memref<2x2x8x1x8x129xf32, #tpu.memory_space<vmem>> -> memref<1x2x8x1x8x128xf32, #tpu.memory_space<vmem>>
    %dma_start3A_381 = tpu.memref_squeeze %dma_start3A_380 : memref<1x2x8x1x8x128xf32, #tpu.memory_space<vmem>> -> memref<2x8x1x8x128xf32, #tpu.memory_space<vmem>>
    %dma_start3A_382 = arith.constant 0 : i32
    %dma_start3A_383 = arith.constant 0 : i32
    %dma_start3A_384 = arith.constant 0 : i32
    %dma_start3A_385 = arith.constant 0 : i32
    %dma_start3A_386 = tpu.memref_slice %arg5[%dma_start3A_382, %dma_start3A_383, %add3A, %dma_start3A_384, %dma_start3A_385] : memref<200x8x32x8x128xf32, #tpu.memory_space<hbm>> -> memref<2x8x1x8x128xf32, #tpu.memory_space<hbm>>
    %dma_start3A_387 = arith.constant 0 : i32
    %dma_start3A_388 = arith.constant 0 : i32
    %dma_start3A_389 = arith.constant 0 : i32
    %dma_start3A_390 = arith.constant 0 : i32
    %dma_start3A_391 = tpu.memref_slice %arg5[%dma_start3A_387, %dma_start3A_388, %add3A, %dma_start3A_389, %dma_start3A_390] : memref<200x8x32x8x128xf32, #tpu.memory_space<hbm>> -> memref<2x8x1x8x128xf32, #tpu.memory_space<hbm>>
    %dma_start3A_392 = arith.constant 0 : i32
    %dma_start3A_393 = arith.constant 0 : i32
    %dma_start3A_394 = arith.constant 0 : i32
    %dma_start3A_395 = arith.constant 0 : i32
    %dma_start3A_396 = arith.constant 0 : i32
    %dma_start3A_397 = tpu.memref_slice %arg8[%dma_start3A_374, %dma_start3A_392, %dma_start3A_393, %dma_start3A_394, %dma_start3A_395, %dma_start3A_396] : memref<2x2x8x1x8x129xf32, #tpu.memory_space<vmem>> -> memref<1x2x8x1x8x128xf32, #tpu.memory_space<vmem>>
    %dma_start3A_398 = tpu.memref_squeeze %dma_start3A_397 : memref<1x2x8x1x8x128xf32, #tpu.memory_space<vmem>> -> memref<2x8x1x8x128xf32, #tpu.memory_space<vmem>>
    tpu.enqueue_dma source(%dma_start3A_398 : memref<2x8x1x8x128xf32, #tpu.memory_space<vmem>>) target(%dma_start3A_391 : memref<2x8x1x8x128xf32, #tpu.memory_space<hbm>>) target_semaphore(%arg12 : memref<!tpu.dma_semaphore, #tpu.memory_space<semaphore_mem>>)
    %dma_wait3A_399 = arith.constant 0 : i32
    %dma_wait3A_400 = arith.constant 0 : i32
    %dma_wait3A_401 = arith.constant 0 : i32
    %dma_wait3A_402 = arith.constant 1 : i32
    %dma_wait3A_403 = arith.constant 0 : i32
    %dma_wait3A_404 = arith.constant 0 : i32
    %dma_wait3A_405 = tpu.memref_slice %arg7[%dma_wait3A_402, %dma_wait3A_403, %dma_wait3A_404] : memref<2x256x64xf32, #tpu.memory_space<vmem>> -> memref<1x128x64xf32, #tpu.memory_space<vmem>>
    %dma_wait3A_406 = tpu.memref_squeeze %dma_wait3A_405 : memref<1x128x64xf32, #tpu.memory_space<vmem>> -> memref<128x64xf32, #tpu.memory_space<vmem>>
    %dma_wait3A_407 = arith.constant 0 : i32
    %dma_wait3A_408 = tpu.memref_slice %arg6[%dma_wait3A_399, %dma_wait3A_400, %dma_wait3A_401, %dma_wait3A_407] : memref<25x1x8x128xi32, #tpu.memory_space<vmem>> -> memref<1x1x1x128xi32, #tpu.memory_space<vmem>>
    %dma_wait3A_409 = tpu.memref_squeeze %dma_wait3A_408 : memref<1x1x1x128xi32, #tpu.memory_space<vmem>> -> memref<128xi32, #tpu.memory_space<vmem>>
    %dma_wait3A_410 = arith.constant 0 : i32
    %dma_wait3A_411 = arith.constant 0 : i32
    %dma_wait3A_412 = tpu.memref_slice %arg3[%dma_wait3A_410, %dma_wait3A_411] : memref<100000x64xf32, #tpu.memory_space<hbm>> -> memref<100000x64xf32, #tpu.memory_space<hbm>>
    tpu.wait_indirect_dma semaphore(%arg11 : memref<!tpu.dma_semaphore, #tpu.memory_space<semaphore_mem>>) src(%dma_wait3A_412 : memref<100000x64xf32, #tpu.memory_space<hbm>>) dst(%dma_wait3A_406 : memref<128x64xf32, #tpu.memory_space<vmem>>)
    %dma_wait3A_413 = arith.constant 0 : i32
    %dma_wait3A_414 = arith.constant 0 : i32
    %dma_wait3A_415 = arith.constant 0 : i32
    %dma_wait3A_416 = arith.constant 1 : i32
    %dma_wait3A_417 = arith.constant 128 : i32
    %dma_wait3A_418 = arith.constant 0 : i32
    %dma_wait3A_419 = tpu.memref_slice %arg7[%dma_wait3A_416, %dma_wait3A_417, %dma_wait3A_418] : memref<2x256x64xf32, #tpu.memory_space<vmem>> -> memref<1x128x64xf32, #tpu.memory_space<vmem>>
    %dma_wait3A_420 = tpu.memref_squeeze %dma_wait3A_419 : memref<1x128x64xf32, #tpu.memory_space<vmem>> -> memref<128x64xf32, #tpu.memory_space<vmem>>
    %dma_wait3A_421 = arith.constant 0 : i32
    %dma_wait3A_422 = tpu.memref_slice %arg6[%dma_wait3A_413, %dma_wait3A_414, %dma_wait3A_415, %dma_wait3A_421] : memref<25x1x8x128xi32, #tpu.memory_space<vmem>> -> memref<1x1x1x128xi32, #tpu.memory_space<vmem>>
    %dma_wait3A_423 = tpu.memref_squeeze %dma_wait3A_422 : memref<1x1x1x128xi32, #tpu.memory_space<vmem>> -> memref<128xi32, #tpu.memory_space<vmem>>
    %dma_wait3A_424 = arith.constant 0 : i32
    %dma_wait3A_425 = arith.constant 0 : i32
    %dma_wait3A_426 = tpu.memref_slice %arg3[%dma_wait3A_424, %dma_wait3A_425] : memref<100000x64xf32, #tpu.memory_space<hbm>> -> memref<100000x64xf32, #tpu.memory_space<hbm>>
    tpu.wait_indirect_dma semaphore(%arg11 : memref<!tpu.dma_semaphore, #tpu.memory_space<semaphore_mem>>) src(%dma_wait3A_426 : memref<100000x64xf32, #tpu.memory_space<hbm>>) dst(%dma_wait3A_420 : memref<128x64xf32, #tpu.memory_space<vmem>>)
    %get3A_427 = arith.constant 2 : i32
    %get3A_428 = arith.index_cast %get3A_427 : i32 to index
    %get3A_429 = arith.constant 0 : index
    %get3A_430 = tpu.vector_load %arg9[%get3A_428, %get3A_429] {strides = array<i32>} : memref<200x64xf32, #tpu.memory_space<vmem>>, vector<16xf32>,
    %get3A_431 = arith.constant 2 : i32
    %get3A_432 = arith.index_cast %get3A_431 : i32 to index
    %get3A_433 = arith.constant 16 : index
    %get3A_434 = tpu.vector_load %arg9[%get3A_432, %get3A_433] {strides = array<i32>} : memref<200x64xf32, #tpu.memory_space<vmem>>, vector<16xf32>,
    %get3A_435 = arith.constant 2 : i32
    %get3A_436 = arith.index_cast %get3A_435 : i32 to index
    %get3A_437 = arith.constant 32 : index
    %get3A_438 = tpu.vector_load %arg9[%get3A_436, %get3A_437] {strides = array<i32>} : memref<200x64xf32, #tpu.memory_space<vmem>>, vector<16xf32>,
    %get3A_439 = arith.constant 2 : i32
    %get3A_440 = arith.index_cast %get3A_439 : i32 to index
    %get3A_441 = arith.constant 48 : index
    %get3A_442 = tpu.vector_load %arg9[%get3A_440, %get3A_441] {strides = array<i32>} : memref<200x64xf32, #tpu.memory_space<vmem>>, vector<16xf32>,
    %parallel_loop3A_443 = arith.constant 0 : i32
    %parallel_loop3A_444 = arith.constant 128 : i32
    %parallel_loop3A_445 = arith.constant 1 : i32
    scf.for %parallel_loop3A_577 = %parallel_loop3A_443 to %parallel_loop3A_444 step %parallel_loop3A_445  : i32 {
      %parallel_loop3A_578 = vector.broadcast %parallel_loop3A_577 : i32 to vector<16xi32>
      %parallel_loop3A_579 = arith.constant 0 : i32
      %parallel_loop3A_580 = arith.addi %parallel_loop3A_579, %parallel_loop3A_577 : i32
      %parallel_loop3A_581 = arith.constant 1 : i32
      %parallel_loop3A_582 = arith.index_cast %parallel_loop3A_581 : i32 to index
      %parallel_loop3A_583 = arith.index_cast %parallel_loop3A_580 : i32 to index
      %parallel_loop3A_584 = arith.constant 0 : index
      %parallel_loop3A_585 = tpu.vector_load %arg7[%parallel_loop3A_582, %parallel_loop3A_583, %parallel_loop3A_584] {strides = array<i32>} : memref<2x256x64xf32, #tpu.memory_space<vmem>>, vector<16xf32>,
      %parallel_loop3A_586 = arith.addf %parallel_loop3A_585, %get3A_430 : vector<16xf32>
      %parallel_loop3A_587 = arith.constant 1 : i32
      %parallel_loop3A_588 = arith.constant 0 : i32
      %parallel_loop3A_589 = arith.constant 0 : i32
      %parallel_loop3A_590 = arith.constant 0 : i32
      %parallel_loop3A_591 = arith.constant 0 : i32
      %parallel_loop3A_592 = arith.constant 0 : i32
      %parallel_loop3A_593 = tpu.memref_slice %arg8[%parallel_loop3A_587, %parallel_loop3A_588, %parallel_loop3A_589, %parallel_loop3A_590, %parallel_loop3A_591, %parallel_loop3A_592] : memref<2x2x8x1x8x129xf32, #tpu.memory_space<vmem>> -> memref<1x1x8x1x8x129xf32, #tpu.memory_space<vmem>>
      %parallel_loop3A_594 = tpu.memref_squeeze %parallel_loop3A_593 : memref<1x1x8x1x8x129xf32, #tpu.memory_space<vmem>> -> memref<8x1x8x129xf32, #tpu.memory_space<vmem>>
      tpu.vector_store_idx %parallel_loop3A_594[%select_n3A, %broadcast_in_dim3A_227, %select_n3A_151, %parallel_loop3A_578], %parallel_loop3A_586 : memref<8x1x8x129xf32, #tpu.memory_space<vmem>>[vector<16xi32>, vector<16xi32>, vector<16xi32>, vector<16xi32>], vector<16xf32>,
      %parallel_loop3A_595 = arith.constant 0 : i32
      %parallel_loop3A_596 = arith.addi %parallel_loop3A_595, %parallel_loop3A_577 : i32
      %parallel_loop3A_597 = arith.constant 1 : i32
      %parallel_loop3A_598 = arith.index_cast %parallel_loop3A_597 : i32 to index
      %parallel_loop3A_599 = arith.index_cast %parallel_loop3A_596 : i32 to index
      %parallel_loop3A_600 = arith.constant 16 : index
      %parallel_loop3A_601 = tpu.vector_load %arg7[%parallel_loop3A_598, %parallel_loop3A_599, %parallel_loop3A_600] {strides = array<i32>} : memref<2x256x64xf32, #tpu.memory_space<vmem>>, vector<16xf32>,
      %parallel_loop3A_602 = arith.addf %parallel_loop3A_601, %get3A_434 : vector<16xf32>
      %parallel_loop3A_603 = arith.constant 1 : i32
      %parallel_loop3A_604 = arith.constant 0 : i32
      %parallel_loop3A_605 = arith.constant 0 : i32
      %parallel_loop3A_606 = arith.constant 0 : i32
      %parallel_loop3A_607 = arith.constant 0 : i32
      %parallel_loop3A_608 = arith.constant 0 : i32
      %parallel_loop3A_609 = tpu.memref_slice %arg8[%parallel_loop3A_603, %parallel_loop3A_604, %parallel_loop3A_605, %parallel_loop3A_606, %parallel_loop3A_607, %parallel_loop3A_608] : memref<2x2x8x1x8x129xf32, #tpu.memory_space<vmem>> -> memref<1x1x8x1x8x129xf32, #tpu.memory_space<vmem>>
      %parallel_loop3A_610 = tpu.memref_squeeze %parallel_loop3A_609 : memref<1x1x8x1x8x129xf32, #tpu.memory_space<vmem>> -> memref<8x1x8x129xf32, #tpu.memory_space<vmem>>
      tpu.vector_store_idx %parallel_loop3A_610[%select_n3A_60, %broadcast_in_dim3A_227, %select_n3A_176, %parallel_loop3A_578], %parallel_loop3A_602 : memref<8x1x8x129xf32, #tpu.memory_space<vmem>>[vector<16xi32>, vector<16xi32>, vector<16xi32>, vector<16xi32>], vector<16xf32>,
      %parallel_loop3A_611 = arith.constant 0 : i32
      %parallel_loop3A_612 = arith.addi %parallel_loop3A_611, %parallel_loop3A_577 : i32
      %parallel_loop3A_613 = arith.constant 1 : i32
      %parallel_loop3A_614 = arith.index_cast %parallel_loop3A_613 : i32 to index
      %parallel_loop3A_615 = arith.index_cast %parallel_loop3A_612 : i32 to index
      %parallel_loop3A_616 = arith.constant 32 : index
      %parallel_loop3A_617 = tpu.vector_load %arg7[%parallel_loop3A_614, %parallel_loop3A_615, %parallel_loop3A_616] {strides = array<i32>} : memref<2x256x64xf32, #tpu.memory_space<vmem>>, vector<16xf32>,
      %parallel_loop3A_618 = arith.addf %parallel_loop3A_617, %get3A_438 : vector<16xf32>
      %parallel_loop3A_619 = arith.constant 1 : i32
      %parallel_loop3A_620 = arith.constant 0 : i32
      %parallel_loop3A_621 = arith.constant 0 : i32
      %parallel_loop3A_622 = arith.constant 0 : i32
      %parallel_loop3A_623 = arith.constant 0 : i32
      %parallel_loop3A_624 = arith.constant 0 : i32
      %parallel_loop3A_625 = tpu.memref_slice %arg8[%parallel_loop3A_619, %parallel_loop3A_620, %parallel_loop3A_621, %parallel_loop3A_622, %parallel_loop3A_623, %parallel_loop3A_624] : memref<2x2x8x1x8x129xf32, #tpu.memory_space<vmem>> -> memref<1x1x8x1x8x129xf32, #tpu.memory_space<vmem>>
      %parallel_loop3A_626 = tpu.memref_squeeze %parallel_loop3A_625 : memref<1x1x8x1x8x129xf32, #tpu.memory_space<vmem>> -> memref<8x1x8x129xf32, #tpu.memory_space<vmem>>
      tpu.vector_store_idx %parallel_loop3A_626[%select_n3A_94, %broadcast_in_dim3A_227, %select_n3A_201, %parallel_loop3A_578], %parallel_loop3A_618 : memref<8x1x8x129xf32, #tpu.memory_space<vmem>>[vector<16xi32>, vector<16xi32>, vector<16xi32>, vector<16xi32>], vector<16xf32>,
      %parallel_loop3A_627 = arith.constant 0 : i32
      %parallel_loop3A_628 = arith.addi %parallel_loop3A_627, %parallel_loop3A_577 : i32
      %parallel_loop3A_629 = arith.constant 1 : i32
      %parallel_loop3A_630 = arith.index_cast %parallel_loop3A_629 : i32 to index
      %parallel_loop3A_631 = arith.index_cast %parallel_loop3A_628 : i32 to index
      %parallel_loop3A_632 = arith.constant 48 : index
      %parallel_loop3A_633 = tpu.vector_load %arg7[%parallel_loop3A_630, %parallel_loop3A_631, %parallel_loop3A_632] {strides = array<i32>} : memref<2x256x64xf32, #tpu.memory_space<vmem>>, vector<16xf32>,
      %parallel_loop3A_634 = arith.addf %parallel_loop3A_633, %get3A_442 : vector<16xf32>
      %parallel_loop3A_635 = arith.constant 1 : i32
      %parallel_loop3A_636 = arith.constant 0 : i32
      %parallel_loop3A_637 = arith.constant 0 : i32
      %parallel_loop3A_638 = arith.constant 0 : i32
      %parallel_loop3A_639 = arith.constant 0 : i32
      %parallel_loop3A_640 = arith.constant 0 : i32
      %parallel_loop3A_641 = tpu.memref_slice %arg8[%parallel_loop3A_635, %parallel_loop3A_636, %parallel_loop3A_637, %parallel_loop3A_638, %parallel_loop3A_639, %parallel_loop3A_640] : memref<2x2x8x1x8x129xf32, #tpu.memory_space<vmem>> -> memref<1x1x8x1x8x129xf32, #tpu.memory_space<vmem>>
      %parallel_loop3A_642 = tpu.memref_squeeze %parallel_loop3A_641 : memref<1x1x8x1x8x129xf32, #tpu.memory_space<vmem>> -> memref<8x1x8x129xf32, #tpu.memory_space<vmem>>
      tpu.vector_store_idx %parallel_loop3A_642[%select_n3A_128, %broadcast_in_dim3A_227, %select_n3A_226, %parallel_loop3A_578], %parallel_loop3A_634 : memref<8x1x8x129xf32, #tpu.memory_space<vmem>>[vector<16xi32>, vector<16xi32>, vector<16xi32>, vector<16xi32>], vector<16xf32>,
    } {sc.loop_unroll_factor = 4 : i64, sc.parallel_access}
    %get3A_446 = arith.constant 3 : i32
    %get3A_447 = arith.index_cast %get3A_446 : i32 to index
    %get3A_448 = arith.constant 0 : index
    %get3A_449 = tpu.vector_load %arg9[%get3A_447, %get3A_448] {strides = array<i32>} : memref<200x64xf32, #tpu.memory_space<vmem>>, vector<16xf32>,
    %get3A_450 = arith.constant 3 : i32
    %get3A_451 = arith.index_cast %get3A_450 : i32 to index
    %get3A_452 = arith.constant 16 : index
    %get3A_453 = tpu.vector_load %arg9[%get3A_451, %get3A_452] {strides = array<i32>} : memref<200x64xf32, #tpu.memory_space<vmem>>, vector<16xf32>,
    %get3A_454 = arith.constant 3 : i32
    %get3A_455 = arith.index_cast %get3A_454 : i32 to index
    %get3A_456 = arith.constant 32 : index
    %get3A_457 = tpu.vector_load %arg9[%get3A_455, %get3A_456] {strides = array<i32>} : memref<200x64xf32, #tpu.memory_space<vmem>>, vector<16xf32>,
    %get3A_458 = arith.constant 3 : i32
    %get3A_459 = arith.index_cast %get3A_458 : i32 to index
    %get3A_460 = arith.constant 48 : index
    %get3A_461 = tpu.vector_load %arg9[%get3A_459, %get3A_460] {strides = array<i32>} : memref<200x64xf32, #tpu.memory_space<vmem>>, vector<16xf32>,
    %parallel_loop3A_462 = arith.constant 0 : i32
    %parallel_loop3A_463 = arith.constant 128 : i32
    %parallel_loop3A_464 = arith.constant 1 : i32
    scf.for %parallel_loop3A_577 = %parallel_loop3A_462 to %parallel_loop3A_463 step %parallel_loop3A_464  : i32 {
      %parallel_loop3A_578 = vector.broadcast %parallel_loop3A_577 : i32 to vector<16xi32>
      %parallel_loop3A_579 = arith.constant 128 : i32
      %parallel_loop3A_580 = arith.addi %parallel_loop3A_579, %parallel_loop3A_577 : i32
      %parallel_loop3A_581 = arith.constant 1 : i32
      %parallel_loop3A_582 = arith.index_cast %parallel_loop3A_581 : i32 to index
      %parallel_loop3A_583 = arith.index_cast %parallel_loop3A_580 : i32 to index
      %parallel_loop3A_584 = arith.constant 0 : index
      %parallel_loop3A_585 = tpu.vector_load %arg7[%parallel_loop3A_582, %parallel_loop3A_583, %parallel_loop3A_584] {strides = array<i32>} : memref<2x256x64xf32, #tpu.memory_space<vmem>>, vector<16xf32>,
      %parallel_loop3A_586 = arith.addf %parallel_loop3A_585, %get3A_449 : vector<16xf32>
      %parallel_loop3A_587 = arith.constant 1 : i32
      %parallel_loop3A_588 = arith.constant 1 : i32
      %parallel_loop3A_589 = arith.constant 0 : i32
      %parallel_loop3A_590 = arith.constant 0 : i32
      %parallel_loop3A_591 = arith.constant 0 : i32
      %parallel_loop3A_592 = arith.constant 0 : i32
      %parallel_loop3A_593 = tpu.memref_slice %arg8[%parallel_loop3A_587, %parallel_loop3A_588, %parallel_loop3A_589, %parallel_loop3A_590, %parallel_loop3A_591, %parallel_loop3A_592] : memref<2x2x8x1x8x129xf32, #tpu.memory_space<vmem>> -> memref<1x1x8x1x8x129xf32, #tpu.memory_space<vmem>>
      %parallel_loop3A_594 = tpu.memref_squeeze %parallel_loop3A_593 : memref<1x1x8x1x8x129xf32, #tpu.memory_space<vmem>> -> memref<8x1x8x129xf32, #tpu.memory_space<vmem>>
      tpu.vector_store_idx %parallel_loop3A_594[%select_n3A, %broadcast_in_dim3A_227, %select_n3A_151, %parallel_loop3A_578], %parallel_loop3A_586 : memref<8x1x8x129xf32, #tpu.memory_space<vmem>>[vector<16xi32>, vector<16xi32>, vector<16xi32>, vector<16xi32>], vector<16xf32>,
      %parallel_loop3A_595 = arith.constant 128 : i32
      %parallel_loop3A_596 = arith.addi %parallel_loop3A_595, %parallel_loop3A_577 : i32
      %parallel_loop3A_597 = arith.constant 1 : i32
      %parallel_loop3A_598 = arith.index_cast %parallel_loop3A_597 : i32 to index
      %parallel_loop3A_599 = arith.index_cast %parallel_loop3A_596 : i32 to index
      %parallel_loop3A_600 = arith.constant 16 : index
      %parallel_loop3A_601 = tpu.vector_load %arg7[%parallel_loop3A_598, %parallel_loop3A_599, %parallel_loop3A_600] {strides = array<i32>} : memref<2x256x64xf32, #tpu.memory_space<vmem>>, vector<16xf32>,
      %parallel_loop3A_602 = arith.addf %parallel_loop3A_601, %get3A_453 : vector<16xf32>
      %parallel_loop3A_603 = arith.constant 1 : i32
      %parallel_loop3A_604 = arith.constant 1 : i32
      %parallel_loop3A_605 = arith.constant 0 : i32
      %parallel_loop3A_606 = arith.constant 0 : i32
      %parallel_loop3A_607 = arith.constant 0 : i32
      %parallel_loop3A_608 = arith.constant 0 : i32
      %parallel_loop3A_609 = tpu.memref_slice %arg8[%parallel_loop3A_603, %parallel_loop3A_604, %parallel_loop3A_605, %parallel_loop3A_606, %parallel_loop3A_607, %parallel_loop3A_608] : memref<2x2x8x1x8x129xf32, #tpu.memory_space<vmem>> -> memref<1x1x8x1x8x129xf32, #tpu.memory_space<vmem>>
      %parallel_loop3A_610 = tpu.memref_squeeze %parallel_loop3A_609 : memref<1x1x8x1x8x129xf32, #tpu.memory_space<vmem>> -> memref<8x1x8x129xf32, #tpu.memory_space<vmem>>
      tpu.vector_store_idx %parallel_loop3A_610[%select_n3A_60, %broadcast_in_dim3A_227, %select_n3A_176, %parallel_loop3A_578], %parallel_loop3A_602 : memref<8x1x8x129xf32, #tpu.memory_space<vmem>>[vector<16xi32>, vector<16xi32>, vector<16xi32>, vector<16xi32>], vector<16xf32>,
      %parallel_loop3A_611 = arith.constant 128 : i32
      %parallel_loop3A_612 = arith.addi %parallel_loop3A_611, %parallel_loop3A_577 : i32
      %parallel_loop3A_613 = arith.constant 1 : i32
      %parallel_loop3A_614 = arith.index_cast %parallel_loop3A_613 : i32 to index
      %parallel_loop3A_615 = arith.index_cast %parallel_loop3A_612 : i32 to index
      %parallel_loop3A_616 = arith.constant 32 : index
      %parallel_loop3A_617 = tpu.vector_load %arg7[%parallel_loop3A_614, %parallel_loop3A_615, %parallel_loop3A_616] {strides = array<i32>} : memref<2x256x64xf32, #tpu.memory_space<vmem>>, vector<16xf32>,
      %parallel_loop3A_618 = arith.addf %parallel_loop3A_617, %get3A_457 : vector<16xf32>
      %parallel_loop3A_619 = arith.constant 1 : i32
      %parallel_loop3A_620 = arith.constant 1 : i32
      %parallel_loop3A_621 = arith.constant 0 : i32
      %parallel_loop3A_622 = arith.constant 0 : i32
      %parallel_loop3A_623 = arith.constant 0 : i32
      %parallel_loop3A_624 = arith.constant 0 : i32
      %parallel_loop3A_625 = tpu.memref_slice %arg8[%parallel_loop3A_619, %parallel_loop3A_620, %parallel_loop3A_621, %parallel_loop3A_622, %parallel_loop3A_623, %parallel_loop3A_624] : memref<2x2x8x1x8x129xf32, #tpu.memory_space<vmem>> -> memref<1x1x8x1x8x129xf32, #tpu.memory_space<vmem>>
      %parallel_loop3A_626 = tpu.memref_squeeze %parallel_loop3A_625 : memref<1x1x8x1x8x129xf32, #tpu.memory_space<vmem>> -> memref<8x1x8x129xf32, #tpu.memory_space<vmem>>
      tpu.vector_store_idx %parallel_loop3A_626[%select_n3A_94, %broadcast_in_dim3A_227, %select_n3A_201, %parallel_loop3A_578], %parallel_loop3A_618 : memref<8x1x8x129xf32, #tpu.memory_space<vmem>>[vector<16xi32>, vector<16xi32>, vector<16xi32>, vector<16xi32>], vector<16xf32>,
      %parallel_loop3A_627 = arith.constant 128 : i32
      %parallel_loop3A_628 = arith.addi %parallel_loop3A_627, %parallel_loop3A_577 : i32
      %parallel_loop3A_629 = arith.constant 1 : i32
      %parallel_loop3A_630 = arith.index_cast %parallel_loop3A_629 : i32 to index
      %parallel_loop3A_631 = arith.index_cast %parallel_loop3A_628 : i32 to index
      %parallel_loop3A_632 = arith.constant 48 : index
      %parallel_loop3A_633 = tpu.vector_load %arg7[%parallel_loop3A_630, %parallel_loop3A_631, %parallel_loop3A_632] {strides = array<i32>} : memref<2x256x64xf32, #tpu.memory_space<vmem>>, vector<16xf32>,
      %parallel_loop3A_634 = arith.addf %parallel_loop3A_633, %get3A_461 : vector<16xf32>
      %parallel_loop3A_635 = arith.constant 1 : i32
      %parallel_loop3A_636 = arith.constant 1 : i32
      %parallel_loop3A_637 = arith.constant 0 : i32
      %parallel_loop3A_638 = arith.constant 0 : i32
      %parallel_loop3A_639 = arith.constant 0 : i32
      %parallel_loop3A_640 = arith.constant 0 : i32
      %parallel_loop3A_641 = tpu.memref_slice %arg8[%parallel_loop3A_635, %parallel_loop3A_636, %parallel_loop3A_637, %parallel_loop3A_638, %parallel_loop3A_639, %parallel_loop3A_640] : memref<2x2x8x1x8x129xf32, #tpu.memory_space<vmem>> -> memref<1x1x8x1x8x129xf32, #tpu.memory_space<vmem>>
      %parallel_loop3A_642 = tpu.memref_squeeze %parallel_loop3A_641 : memref<1x1x8x1x8x129xf32, #tpu.memory_space<vmem>> -> memref<8x1x8x129xf32, #tpu.memory_space<vmem>>
      tpu.vector_store_idx %parallel_loop3A_642[%select_n3A_128, %broadcast_in_dim3A_227, %select_n3A_226, %parallel_loop3A_578], %parallel_loop3A_634 : memref<8x1x8x129xf32, #tpu.memory_space<vmem>>[vector<16xi32>, vector<16xi32>, vector<16xi32>, vector<16xi32>], vector<16xf32>,
    } {sc.loop_unroll_factor = 4 : i64, sc.parallel_access}
    %dma_start3A_465 = arith.constant 0 : i32
    %dma_start3A_466 = arith.constant 0 : i32
    %dma_start3A_467 = arith.constant 6 : i32
    %dma_start3A_468 = arith.constant 1 : i32
    %dma_start3A_469 = arith.constant 0 : i32
    %dma_start3A_470 = arith.constant 0 : i32
    %dma_start3A_471 = tpu.memref_slice %arg7[%dma_start3A_468, %dma_start3A_469, %dma_start3A_470] : memref<2x256x64xf32, #tpu.memory_space<vmem>> -> memref<1x128x64xf32, #tpu.memory_space<vmem>>
    %dma_start3A_472 = tpu.memref_squeeze %dma_start3A_471 : memref<1x128x64xf32, #tpu.memory_space<vmem>> -> memref<128x64xf32, #tpu.memory_space<vmem>>
    %dma_start3A_473 = arith.constant 0 : i32
    %dma_start3A_474 = tpu.memref_slice %arg6[%dma_start3A_465, %dma_start3A_466, %dma_start3A_467, %dma_start3A_473] : memref<25x1x8x128xi32, #tpu.memory_space<vmem>> -> memref<1x1x1x128xi32, #tpu.memory_space<vmem>>
    %dma_start3A_475 = tpu.memref_squeeze %dma_start3A_474 : memref<1x1x1x128xi32, #tpu.memory_space<vmem>> -> memref<128xi32, #tpu.memory_space<vmem>>
    %dma_start3A_476 = arith.constant 0 : i32
    %dma_start3A_477 = arith.constant 0 : i32
    %dma_start3A_478 = tpu.memref_slice %arg3[%dma_start3A_476, %dma_start3A_477] : memref<100000x64xf32, #tpu.memory_space<hbm>> -> memref<100000x64xf32, #tpu.memory_space<hbm>>
    tpu.enqueue_indirect_dma source(%dma_start3A_478 : memref<100000x64xf32, #tpu.memory_space<hbm>>) target(%dma_start3A_472 : memref<128x64xf32, #tpu.memory_space<vmem>>) offsets(%dma_start3A_475 : memref<128xi32, #tpu.memory_space<vmem>>) semaphore(%arg11 : memref<!tpu.dma_semaphore, #tpu.memory_space<semaphore_mem>>)
    %dma_start3A_479 = arith.constant 0 : i32
    %dma_start3A_480 = arith.constant 0 : i32
    %dma_start3A_481 = arith.constant 7 : i32
    %dma_start3A_482 = arith.constant 1 : i32
    %dma_start3A_483 = arith.constant 128 : i32
    %dma_start3A_484 = arith.constant 0 : i32
    %dma_start3A_485 = tpu.memref_slice %arg7[%dma_start3A_482, %dma_start3A_483, %dma_start3A_484] : memref<2x256x64xf32, #tpu.memory_space<vmem>> -> memref<1x128x64xf32, #tpu.memory_space<vmem>>
    %dma_start3A_486 = tpu.memref_squeeze %dma_start3A_485 : memref<1x128x64xf32, #tpu.memory_space<vmem>> -> memref<128x64xf32, #tpu.memory_space<vmem>>
    %dma_start3A_487 = arith.constant 0 : i32
    %dma_start3A_488 = tpu.memref_slice %arg6[%dma_start3A_479, %dma_start3A_480, %dma_start3A_481, %dma_start3A_487] : memref<25x1x8x128xi32, #tpu.memory_space<vmem>> -> memref<1x1x1x128xi32, #tpu.memory_space<vmem>>
    %dma_start3A_489 = tpu.memref_squeeze %dma_start3A_488 : memref<1x1x1x128xi32, #tpu.memory_space<vmem>> -> memref<128xi32, #tpu.memory_space<vmem>>
    %dma_start3A_490 = arith.constant 0 : i32
    %dma_start3A_491 = arith.constant 0 : i32
    %dma_start3A_492 = tpu.memref_slice %arg3[%dma_start3A_490, %dma_start3A_491] : memref<100000x64xf32, #tpu.memory_space<hbm>> -> memref<100000x64xf32, #tpu.memory_space<hbm>>
    tpu.enqueue_indirect_dma source(%dma_start3A_492 : memref<100000x64xf32, #tpu.memory_space<hbm>>) target(%dma_start3A_486 : memref<128x64xf32, #tpu.memory_space<vmem>>) offsets(%dma_start3A_489 : memref<128xi32, #tpu.memory_space<vmem>>) semaphore(%arg11 : memref<!tpu.dma_semaphore, #tpu.memory_space<semaphore_mem>>)
    %dma_start3A_493 = arith.constant 1 : i32
    %dma_start3A_494 = arith.constant 0 : i32
    %dma_start3A_495 = arith.constant 0 : i32
    %dma_start3A_496 = arith.constant 0 : i32
    %dma_start3A_497 = arith.constant 0 : i32
    %dma_start3A_498 = arith.constant 0 : i32
    %dma_start3A_499 = tpu.memref_slice %arg8[%dma_start3A_493, %dma_start3A_494, %dma_start3A_495, %dma_start3A_496, %dma_start3A_497, %dma_start3A_498] : memref<2x2x8x1x8x129xf32, #tpu.memory_space<vmem>> -> memref<1x2x8x1x8x128xf32, #tpu.memory_space<vmem>>
    %dma_start3A_500 = tpu.memref_squeeze %dma_start3A_499 : memref<1x2x8x1x8x128xf32, #tpu.memory_space<vmem>> -> memref<2x8x1x8x128xf32, #tpu.memory_space<vmem>>
    %dma_start3A_501 = arith.constant 2 : i32
    %dma_start3A_502 = arith.constant 0 : i32
    %dma_start3A_503 = arith.constant 0 : i32
    %dma_start3A_504 = arith.constant 0 : i32
    %dma_start3A_505 = tpu.memref_slice %arg5[%dma_start3A_501, %dma_start3A_502, %add3A, %dma_start3A_503, %dma_start3A_504] : memref<200x8x32x8x128xf32, #tpu.memory_space<hbm>> -> memref<2x8x1x8x128xf32, #tpu.memory_space<hbm>>
    %dma_start3A_506 = arith.constant 2 : i32
    %dma_start3A_507 = arith.constant 0 : i32
    %dma_start3A_508 = arith.constant 0 : i32
    %dma_start3A_509 = arith.constant 0 : i32
    %dma_start3A_510 = tpu.memref_slice %arg5[%dma_start3A_506, %dma_start3A_507, %add3A, %dma_start3A_508, %dma_start3A_509] : memref<200x8x32x8x128xf32, #tpu.memory_space<hbm>> -> memref<2x8x1x8x128xf32, #tpu.memory_space<hbm>>
    %dma_start3A_511 = arith.constant 0 : i32
    %dma_start3A_512 = arith.constant 0 : i32
    %dma_start3A_513 = arith.constant 0 : i32
    %dma_start3A_514 = arith.constant 0 : i32
    %dma_start3A_515 = arith.constant 0 : i32
    %dma_start3A_516 = tpu.memref_slice %arg8[%dma_start3A_493, %dma_start3A_511, %dma_start3A_512, %dma_start3A_513, %dma_start3A_514, %dma_start3A_515] : memref<2x2x8x1x8x129xf32, #tpu.memory_space<vmem>> -> memref<1x2x8x1x8x128xf32, #tpu.memory_space<vmem>>
    %dma_start3A_517 = tpu.memref_squeeze %dma_start3A_516 : memref<1x2x8x1x8x128xf32, #tpu.memory_space<vmem>> -> memref<2x8x1x8x128xf32, #tpu.memory_space<vmem>>
    tpu.enqueue_dma source(%dma_start3A_517 : memref<2x8x1x8x128xf32, #tpu.memory_space<vmem>>) target(%dma_start3A_510 : memref<2x8x1x8x128xf32, #tpu.memory_space<hbm>>) target_semaphore(%arg13 : memref<!tpu.dma_semaphore, #tpu.memory_space<semaphore_mem>>)
    %scan3A = arith.constant 0 : i32
    %scan3A_518 = arith.constant 1 : i32
    %scan3A_519 = arith.constant 49 : i32
    %scan3A_520 = arith.addi %scan3A_518, %scan3A_519 : i32
    %scan3A_521 = arith.constant 1 : i32
    scf.for %scan3A_577 = %scan3A_518 to %scan3A_520 step %scan3A_521  : i32 {
      %mul3A_578 = arith.constant 2 : i32
      %mul3A_579 = arith.muli %mul3A_578, %scan3A_577 : i32
      %add3A_580 = arith.constant 0 : i32
      %add3A_581 = arith.addi %mul3A_579, %add3A_580 : i32
      %dma_wait3A_582 = arith.constant 0 : i32
      %dma_wait3A_583 = arith.constant 0 : i32
      %dma_wait3A_584 = arith.constant 0 : i32
      %dma_wait3A_585 = arith.constant 0 : i32
      %dma_wait3A_586 = arith.constant 0 : i32
      %dma_wait3A_587 = arith.constant 0 : i32
      %dma_wait3A_588 = tpu.memref_slice %arg7[%dma_wait3A_585, %dma_wait3A_586, %dma_wait3A_587] : memref<2x256x64xf32, #tpu.memory_space<vmem>> -> memref<1x128x64xf32, #tpu.memory_space<vmem>>
      %dma_wait3A_589 = tpu.memref_squeeze %dma_wait3A_588 : memref<1x128x64xf32, #tpu.memory_space<vmem>> -> memref<128x64xf32, #tpu.memory_space<vmem>>
      %dma_wait3A_590 = arith.constant 0 : i32
      %dma_wait3A_591 = tpu.memref_slice %arg6[%dma_wait3A_582, %dma_wait3A_583, %dma_wait3A_584, %dma_wait3A_590] : memref<25x1x8x128xi32, #tpu.memory_space<vmem>> -> memref<1x1x1x128xi32, #tpu.memory_space<vmem>>
      %dma_wait3A_592 = tpu.memref_squeeze %dma_wait3A_591 : memref<1x1x1x128xi32, #tpu.memory_space<vmem>> -> memref<128xi32, #tpu.memory_space<vmem>>
      %dma_wait3A_593 = arith.constant 0 : i32
      %dma_wait3A_594 = arith.constant 0 : i32
      %dma_wait3A_595 = tpu.memref_slice %arg3[%dma_wait3A_593, %dma_wait3A_594] : memref<100000x64xf32, #tpu.memory_space<hbm>> -> memref<100000x64xf32, #tpu.memory_space<hbm>>
      tpu.wait_indirect_dma semaphore(%arg10 : memref<!tpu.dma_semaphore, #tpu.memory_space<semaphore_mem>>) src(%dma_wait3A_595 : memref<100000x64xf32, #tpu.memory_space<hbm>>) dst(%dma_wait3A_589 : memref<128x64xf32, #tpu.memory_space<vmem>>)
      %dma_wait3A_596 = arith.constant 0 : i32
      %dma_wait3A_597 = arith.constant 0 : i32
      %dma_wait3A_598 = arith.constant 0 : i32
      %dma_wait3A_599 = arith.constant 0 : i32
      %dma_wait3A_600 = arith.constant 128 : i32
      %dma_wait3A_601 = arith.constant 0 : i32
      %dma_wait3A_602 = tpu.memref_slice %arg7[%dma_wait3A_599, %dma_wait3A_600, %dma_wait3A_601] : memref<2x256x64xf32, #tpu.memory_space<vmem>> -> memref<1x128x64xf32, #tpu.memory_space<vmem>>
      %dma_wait3A_603 = tpu.memref_squeeze %dma_wait3A_602 : memref<1x128x64xf32, #tpu.memory_space<vmem>> -> memref<128x64xf32, #tpu.memory_space<vmem>>
      %dma_wait3A_604 = arith.constant 0 : i32
      %dma_wait3A_605 = tpu.memref_slice %arg6[%dma_wait3A_596, %dma_wait3A_597, %dma_wait3A_598, %dma_wait3A_604] : memref<25x1x8x128xi32, #tpu.memory_space<vmem>> -> memref<1x1x1x128xi32, #tpu.memory_space<vmem>>
      %dma_wait3A_606 = tpu.memref_squeeze %dma_wait3A_605 : memref<1x1x1x128xi32, #tpu.memory_space<vmem>> -> memref<128xi32, #tpu.memory_space<vmem>>
      %dma_wait3A_607 = arith.constant 0 : i32
      %dma_wait3A_608 = arith.constant 0 : i32
      %dma_wait3A_609 = tpu.memref_slice %arg3[%dma_wait3A_607, %dma_wait3A_608] : memref<100000x64xf32, #tpu.memory_space<hbm>> -> memref<100000x64xf32, #tpu.memory_space<hbm>>
      tpu.wait_indirect_dma semaphore(%arg10 : memref<!tpu.dma_semaphore, #tpu.memory_space<semaphore_mem>>) src(%dma_wait3A_609 : memref<100000x64xf32, #tpu.memory_space<hbm>>) dst(%dma_wait3A_603 : memref<128x64xf32, #tpu.memory_space<vmem>>)
      %dma_wait3A_610 = arith.constant 0 : i32
      %dma_wait3A_611 = arith.constant 0 : i32
      %dma_wait3A_612 = arith.constant 0 : i32
      %dma_wait3A_613 = arith.constant 0 : i32
      %dma_wait3A_614 = arith.constant 0 : i32
      %dma_wait3A_615 = arith.constant 0 : i32
      %dma_wait3A_616 = tpu.memref_slice %arg8[%dma_wait3A_610, %dma_wait3A_611, %dma_wait3A_612, %dma_wait3A_613, %dma_wait3A_614, %dma_wait3A_615] : memref<2x2x8x1x8x129xf32, #tpu.memory_space<vmem>> -> memref<1x2x8x1x8x128xf32, #tpu.memory_space<vmem>>
      %dma_wait3A_617 = tpu.memref_squeeze %dma_wait3A_616 : memref<1x2x8x1x8x128xf32, #tpu.memory_space<vmem>> -> memref<2x8x1x8x128xf32, #tpu.memory_space<vmem>>
      %dma_wait3A_618 = arith.constant 0 : i32
      %dma_wait3A_619 = arith.constant 0 : i32
      %dma_wait3A_620 = arith.constant 0 : i32
      %dma_wait3A_621 = arith.constant 0 : i32
      %dma_wait3A_622 = arith.constant 0 : i32
      %dma_wait3A_623 = tpu.memref_slice %arg5[%dma_wait3A_618, %dma_wait3A_619, %dma_wait3A_620, %dma_wait3A_621, %dma_wait3A_622] : memref<200x8x32x8x128xf32, #tpu.memory_space<hbm>> -> memref<2x8x1x8x128xf32, #tpu.memory_space<hbm>>
      %dma_wait3A_624 = arith.constant 0 : i32
      %dma_wait3A_625 = arith.constant 0 : i32
      %dma_wait3A_626 = arith.constant 0 : i32
      %dma_wait3A_627 = arith.constant 0 : i32
      %dma_wait3A_628 = arith.constant 0 : i32
      %dma_wait3A_629 = tpu.memref_slice %arg5[%dma_wait3A_624, %dma_wait3A_625, %dma_wait3A_626, %dma_wait3A_627, %dma_wait3A_628] : memref<200x8x32x8x128xf32, #tpu.memory_space<hbm>> -> memref<2x8x1x8x128xf32, #tpu.memory_space<hbm>>
      %dma_wait3A_630 = arith.constant 0 : i32
      %dma_wait3A_631 = arith.constant 0 : i32
      %dma_wait3A_632 = arith.constant 0 : i32
      %dma_wait3A_633 = arith.constant 0 : i32
      %dma_wait3A_634 = arith.constant 0 : i32
      %dma_wait3A_635 = tpu.memref_slice %arg8[%dma_wait3A_610, %dma_wait3A_630, %dma_wait3A_631, %dma_wait3A_632, %dma_wait3A_633, %dma_wait3A_634] : memref<2x2x8x1x8x129xf32, #tpu.memory_space<vmem>> -> memref<1x2x8x1x8x128xf32, #tpu.memory_space<vmem>>
      %dma_wait3A_636 = tpu.memref_squeeze %dma_wait3A_635 : memref<1x2x8x1x8x128xf32, #tpu.memory_space<vmem>> -> memref<2x8x1x8x128xf32, #tpu.memory_space<vmem>>
      tpu.wait_dma2 semaphore(%arg12 : memref<!tpu.dma_semaphore, #tpu.memory_space<semaphore_mem>>) src(%dma_wait3A_636 : memref<2x8x1x8x128xf32, #tpu.memory_space<vmem>>) dst(%dma_wait3A_629 : memref<2x8x1x8x128xf32, #tpu.memory_space<hbm>>)
      %mul3A_637 = arith.constant 2 : i32
      %mul3A_638 = arith.muli %mul3A_637, %add3A_581 : i32
      %add3A_639 = arith.constant 0 : i32
      %add3A_640 = arith.addi %mul3A_638, %add3A_639 : i32
      %get3A_641 = arith.index_cast %add3A_640 : i32 to index
      %get3A_642 = arith.constant 0 : index
      %get3A_643 = tpu.vector_load %arg9[%get3A_641, %get3A_642] {strides = array<i32>} : memref<200x64xf32, #tpu.memory_space<vmem>>, vector<16xf32>,
      %get3A_644 = arith.index_cast %add3A_640 : i32 to index
      %get3A_645 = arith.constant 16 : index
      %get3A_646 = tpu.vector_load %arg9[%get3A_644, %get3A_645] {strides = array<i32>} : memref<200x64xf32, #tpu.memory_space<vmem>>, vector<16xf32>,
      %get3A_647 = arith.index_cast %add3A_640 : i32 to index
      %get3A_648 = arith.constant 32 : index
      %get3A_649 = tpu.vector_load %arg9[%get3A_647, %get3A_648] {strides = array<i32>} : memref<200x64xf32, #tpu.memory_space<vmem>>, vector<16xf32>,
      %get3A_650 = arith.index_cast %add3A_640 : i32 to index
      %get3A_651 = arith.constant 48 : index
      %get3A_652 = tpu.vector_load %arg9[%get3A_650, %get3A_651] {strides = array<i32>} : memref<200x64xf32, #tpu.memory_space<vmem>>, vector<16xf32>,
      %parallel_loop3A_653 = arith.constant 0 : i32
      %parallel_loop3A_654 = arith.constant 128 : i32
      %parallel_loop3A_655 = arith.constant 1 : i32
      scf.for %parallel_loop3A_834 = %parallel_loop3A_653 to %parallel_loop3A_654 step %parallel_loop3A_655  : i32 {
        %parallel_loop3A_835 = vector.broadcast %parallel_loop3A_834 : i32 to vector<16xi32>
        %parallel_loop3A_836 = arith.constant 0 : i32
        %parallel_loop3A_837 = arith.addi %parallel_loop3A_836, %parallel_loop3A_834 : i32
        %parallel_loop3A_838 = arith.constant 0 : i32
        %parallel_loop3A_839 = arith.index_cast %parallel_loop3A_838 : i32 to index
        %parallel_loop3A_840 = arith.index_cast %parallel_loop3A_837 : i32 to index
        %parallel_loop3A_841 = arith.constant 0 : index
        %parallel_loop3A_842 = tpu.vector_load %arg7[%parallel_loop3A_839, %parallel_loop3A_840, %parallel_loop3A_841] {strides = array<i32>} : memref<2x256x64xf32, #tpu.memory_space<vmem>>, vector<16xf32>,
        %parallel_loop3A_843 = arith.addf %parallel_loop3A_842, %get3A_643 : vector<16xf32>
        %parallel_loop3A_844 = arith.constant 0 : i32
        %parallel_loop3A_845 = arith.constant 0 : i32
        %parallel_loop3A_846 = arith.constant 0 : i32
        %parallel_loop3A_847 = arith.constant 0 : i32
        %parallel_loop3A_848 = arith.constant 0 : i32
        %parallel_loop3A_849 = arith.constant 0 : i32
        %parallel_loop3A_850 = tpu.memref_slice %arg8[%parallel_loop3A_844, %parallel_loop3A_845, %parallel_loop3A_846, %parallel_loop3A_847, %parallel_loop3A_848, %parallel_loop3A_849] : memref<2x2x8x1x8x129xf32, #tpu.memory_space<vmem>> -> memref<1x1x8x1x8x129xf32, #tpu.memory_space<vmem>>
        %parallel_loop3A_851 = tpu.memref_squeeze %parallel_loop3A_850 : memref<1x1x8x1x8x129xf32, #tpu.memory_space<vmem>> -> memref<8x1x8x129xf32, #tpu.memory_space<vmem>>
        tpu.vector_store_idx %parallel_loop3A_851[%select_n3A, %broadcast_in_dim3A_227, %select_n3A_151, %parallel_loop3A_835], %parallel_loop3A_843 : memref<8x1x8x129xf32, #tpu.memory_space<vmem>>[vector<16xi32>, vector<16xi32>, vector<16xi32>, vector<16xi32>], vector<16xf32>,
        %parallel_loop3A_852 = arith.constant 0 : i32
        %parallel_loop3A_853 = arith.addi %parallel_loop3A_852, %parallel_loop3A_834 : i32
        %parallel_loop3A_854 = arith.constant 0 : i32
        %parallel_loop3A_855 = arith.index_cast %parallel_loop3A_854 : i32 to index
        %parallel_loop3A_856 = arith.index_cast %parallel_loop3A_853 : i32 to index
        %parallel_loop3A_857 = arith.constant 16 : index
        %parallel_loop3A_858 = tpu.vector_load %arg7[%parallel_loop3A_855, %parallel_loop3A_856, %parallel_loop3A_857] {strides = array<i32>} : memref<2x256x64xf32, #tpu.memory_space<vmem>>, vector<16xf32>,
        %parallel_loop3A_859 = arith.addf %parallel_loop3A_858, %get3A_646 : vector<16xf32>
        %parallel_loop3A_860 = arith.constant 0 : i32
        %parallel_loop3A_861 = arith.constant 0 : i32
        %parallel_loop3A_862 = arith.constant 0 : i32
        %parallel_loop3A_863 = arith.constant 0 : i32
        %parallel_loop3A_864 = arith.constant 0 : i32
        %parallel_loop3A_865 = arith.constant 0 : i32
        %parallel_loop3A_866 = tpu.memref_slice %arg8[%parallel_loop3A_860, %parallel_loop3A_861, %parallel_loop3A_862, %parallel_loop3A_863, %parallel_loop3A_864, %parallel_loop3A_865] : memref<2x2x8x1x8x129xf32, #tpu.memory_space<vmem>> -> memref<1x1x8x1x8x129xf32, #tpu.memory_space<vmem>>
        %parallel_loop3A_867 = tpu.memref_squeeze %parallel_loop3A_866 : memref<1x1x8x1x8x129xf32, #tpu.memory_space<vmem>> -> memref<8x1x8x129xf32, #tpu.memory_space<vmem>>
        tpu.vector_store_idx %parallel_loop3A_867[%select_n3A_60, %broadcast_in_dim3A_227, %select_n3A_176, %parallel_loop3A_835], %parallel_loop3A_859 : memref<8x1x8x129xf32, #tpu.memory_space<vmem>>[vector<16xi32>, vector<16xi32>, vector<16xi32>, vector<16xi32>], vector<16xf32>,
        %parallel_loop3A_868 = arith.constant 0 : i32
        %parallel_loop3A_869 = arith.addi %parallel_loop3A_868, %parallel_loop3A_834 : i32
        %parallel_loop3A_870 = arith.constant 0 : i32
        %parallel_loop3A_871 = arith.index_cast %parallel_loop3A_870 : i32 to index
        %parallel_loop3A_872 = arith.index_cast %parallel_loop3A_869 : i32 to index
        %parallel_loop3A_873 = arith.constant 32 : index
        %parallel_loop3A_874 = tpu.vector_load %arg7[%parallel_loop3A_871, %parallel_loop3A_872, %parallel_loop3A_873] {strides = array<i32>} : memref<2x256x64xf32, #tpu.memory_space<vmem>>, vector<16xf32>,
        %parallel_loop3A_875 = arith.addf %parallel_loop3A_874, %get3A_649 : vector<16xf32>
        %parallel_loop3A_876 = arith.constant 0 : i32
        %parallel_loop3A_877 = arith.constant 0 : i32
        %parallel_loop3A_878 = arith.constant 0 : i32
        %parallel_loop3A_879 = arith.constant 0 : i32
        %parallel_loop3A_880 = arith.constant 0 : i32
        %parallel_loop3A_881 = arith.constant 0 : i32
        %parallel_loop3A_882 = tpu.memref_slice %arg8[%parallel_loop3A_876, %parallel_loop3A_877, %parallel_loop3A_878, %parallel_loop3A_879, %parallel_loop3A_880, %parallel_loop3A_881] : memref<2x2x8x1x8x129xf32, #tpu.memory_space<vmem>> -> memref<1x1x8x1x8x129xf32, #tpu.memory_space<vmem>>
        %parallel_loop3A_883 = tpu.memref_squeeze %parallel_loop3A_882 : memref<1x1x8x1x8x129xf32, #tpu.memory_space<vmem>> -> memref<8x1x8x129xf32, #tpu.memory_space<vmem>>
        tpu.vector_store_idx %parallel_loop3A_883[%select_n3A_94, %broadcast_in_dim3A_227, %select_n3A_201, %parallel_loop3A_835], %parallel_loop3A_875 : memref<8x1x8x129xf32, #tpu.memory_space<vmem>>[vector<16xi32>, vector<16xi32>, vector<16xi32>, vector<16xi32>], vector<16xf32>,
        %parallel_loop3A_884 = arith.constant 0 : i32
        %parallel_loop3A_885 = arith.addi %parallel_loop3A_884, %parallel_loop3A_834 : i32
        %parallel_loop3A_886 = arith.constant 0 : i32
        %parallel_loop3A_887 = arith.index_cast %parallel_loop3A_886 : i32 to index
        %parallel_loop3A_888 = arith.index_cast %parallel_loop3A_885 : i32 to index
        %parallel_loop3A_889 = arith.constant 48 : index
        %parallel_loop3A_890 = tpu.vector_load %arg7[%parallel_loop3A_887, %parallel_loop3A_888, %parallel_loop3A_889] {strides = array<i32>} : memref<2x256x64xf32, #tpu.memory_space<vmem>>, vector<16xf32>,
        %parallel_loop3A_891 = arith.addf %parallel_loop3A_890, %get3A_652 : vector<16xf32>
        %parallel_loop3A_892 = arith.constant 0 : i32
        %parallel_loop3A_893 = arith.constant 0 : i32
        %parallel_loop3A_894 = arith.constant 0 : i32
        %parallel_loop3A_895 = arith.constant 0 : i32
        %parallel_loop3A_896 = arith.constant 0 : i32
        %parallel_loop3A_897 = arith.constant 0 : i32
        %parallel_loop3A_898 = tpu.memref_slice %arg8[%parallel_loop3A_892, %parallel_loop3A_893, %parallel_loop3A_894, %parallel_loop3A_895, %parallel_loop3A_896, %parallel_loop3A_897] : memref<2x2x8x1x8x129xf32, #tpu.memory_space<vmem>> -> memref<1x1x8x1x8x129xf32, #tpu.memory_space<vmem>>
        %parallel_loop3A_899 = tpu.memref_squeeze %parallel_loop3A_898 : memref<1x1x8x1x8x129xf32, #tpu.memory_space<vmem>> -> memref<8x1x8x129xf32, #tpu.memory_space<vmem>>
        tpu.vector_store_idx %parallel_loop3A_899[%select_n3A_128, %broadcast_in_dim3A_227, %select_n3A_226, %parallel_loop3A_835], %parallel_loop3A_891 : memref<8x1x8x129xf32, #tpu.memory_space<vmem>>[vector<16xi32>, vector<16xi32>, vector<16xi32>, vector<16xi32>], vector<16xf32>,
      } {sc.loop_unroll_factor = 4 : i64, sc.parallel_access}
      %mul3A_656 = arith.constant 2 : i32
      %mul3A_657 = arith.muli %mul3A_656, %add3A_581 : i32
      %add3A_658 = arith.constant 1 : i32
      %add3A_659 = arith.addi %mul3A_657, %add3A_658 : i32
      %get3A_660 = arith.index_cast %add3A_659 : i32 to index
      %get3A_661 = arith.constant 0 : index
      %get3A_662 = tpu.vector_load %arg9[%get3A_660, %get3A_661] {strides = array<i32>} : memref<200x64xf32, #tpu.memory_space<vmem>>, vector<16xf32>,
      %get3A_663 = arith.index_cast %add3A_659 : i32 to index
      %get3A_664 = arith.constant 16 : index
      %get3A_665 = tpu.vector_load %arg9[%get3A_663, %get3A_664] {strides = array<i32>} : memref<200x64xf32, #tpu.memory_space<vmem>>, vector<16xf32>,
      %get3A_666 = arith.index_cast %add3A_659 : i32 to index
      %get3A_667 = arith.constant 32 : index
      %get3A_668 = tpu.vector_load %arg9[%get3A_666, %get3A_667] {strides = array<i32>} : memref<200x64xf32, #tpu.memory_space<vmem>>, vector<16xf32>,
      %get3A_669 = arith.index_cast %add3A_659 : i32 to index
      %get3A_670 = arith.constant 48 : index
      %get3A_671 = tpu.vector_load %arg9[%get3A_669, %get3A_670] {strides = array<i32>} : memref<200x64xf32, #tpu.memory_space<vmem>>, vector<16xf32>,
      %parallel_loop3A_672 = arith.constant 0 : i32
      %parallel_loop3A_673 = arith.constant 128 : i32
      %parallel_loop3A_674 = arith.constant 1 : i32
      scf.for %parallel_loop3A_834 = %parallel_loop3A_672 to %parallel_loop3A_673 step %parallel_loop3A_674  : i32 {
        %parallel_loop3A_835 = vector.broadcast %parallel_loop3A_834 : i32 to vector<16xi32>
        %parallel_loop3A_836 = arith.constant 128 : i32
        %parallel_loop3A_837 = arith.addi %parallel_loop3A_836, %parallel_loop3A_834 : i32
        %parallel_loop3A_838 = arith.constant 0 : i32
        %parallel_loop3A_839 = arith.index_cast %parallel_loop3A_838 : i32 to index
        %parallel_loop3A_840 = arith.index_cast %parallel_loop3A_837 : i32 to index
        %parallel_loop3A_841 = arith.constant 0 : index
        %parallel_loop3A_842 = tpu.vector_load %arg7[%parallel_loop3A_839, %parallel_loop3A_840, %parallel_loop3A_841] {strides = array<i32>} : memref<2x256x64xf32, #tpu.memory_space<vmem>>, vector<16xf32>,
        %parallel_loop3A_843 = arith.addf %parallel_loop3A_842, %get3A_662 : vector<16xf32>
        %parallel_loop3A_844 = arith.constant 0 : i32
        %parallel_loop3A_845 = arith.constant 1 : i32
        %parallel_loop3A_846 = arith.constant 0 : i32
        %parallel_loop3A_847 = arith.constant 0 : i32
        %parallel_loop3A_848 = arith.constant 0 : i32
        %parallel_loop3A_849 = arith.constant 0 : i32
        %parallel_loop3A_850 = tpu.memref_slice %arg8[%parallel_loop3A_844, %parallel_loop3A_845, %parallel_loop3A_846, %parallel_loop3A_847, %parallel_loop3A_848, %parallel_loop3A_849] : memref<2x2x8x1x8x129xf32, #tpu.memory_space<vmem>> -> memref<1x1x8x1x8x129xf32, #tpu.memory_space<vmem>>
        %parallel_loop3A_851 = tpu.memref_squeeze %parallel_loop3A_850 : memref<1x1x8x1x8x129xf32, #tpu.memory_space<vmem>> -> memref<8x1x8x129xf32, #tpu.memory_space<vmem>>
        tpu.vector_store_idx %parallel_loop3A_851[%select_n3A, %broadcast_in_dim3A_227, %select_n3A_151, %parallel_loop3A_835], %parallel_loop3A_843 : memref<8x1x8x129xf32, #tpu.memory_space<vmem>>[vector<16xi32>, vector<16xi32>, vector<16xi32>, vector<16xi32>], vector<16xf32>,
        %parallel_loop3A_852 = arith.constant 128 : i32
        %parallel_loop3A_853 = arith.addi %parallel_loop3A_852, %parallel_loop3A_834 : i32
        %parallel_loop3A_854 = arith.constant 0 : i32
        %parallel_loop3A_855 = arith.index_cast %parallel_loop3A_854 : i32 to index
        %parallel_loop3A_856 = arith.index_cast %parallel_loop3A_853 : i32 to index
        %parallel_loop3A_857 = arith.constant 16 : index
        %parallel_loop3A_858 = tpu.vector_load %arg7[%parallel_loop3A_855, %parallel_loop3A_856, %parallel_loop3A_857] {strides = array<i32>} : memref<2x256x64xf32, #tpu.memory_space<vmem>>, vector<16xf32>,
        %parallel_loop3A_859 = arith.addf %parallel_loop3A_858, %get3A_665 : vector<16xf32>
        %parallel_loop3A_860 = arith.constant 0 : i32
        %parallel_loop3A_861 = arith.constant 1 : i32
        %parallel_loop3A_862 = arith.constant 0 : i32
        %parallel_loop3A_863 = arith.constant 0 : i32
        %parallel_loop3A_864 = arith.constant 0 : i32
        %parallel_loop3A_865 = arith.constant 0 : i32
        %parallel_loop3A_866 = tpu.memref_slice %arg8[%parallel_loop3A_860, %parallel_loop3A_861, %parallel_loop3A_862, %parallel_loop3A_863, %parallel_loop3A_864, %parallel_loop3A_865] : memref<2x2x8x1x8x129xf32, #tpu.memory_space<vmem>> -> memref<1x1x8x1x8x129xf32, #tpu.memory_space<vmem>>
        %parallel_loop3A_867 = tpu.memref_squeeze %parallel_loop3A_866 : memref<1x1x8x1x8x129xf32, #tpu.memory_space<vmem>> -> memref<8x1x8x129xf32, #tpu.memory_space<vmem>>
        tpu.vector_store_idx %parallel_loop3A_867[%select_n3A_60, %broadcast_in_dim3A_227, %select_n3A_176, %parallel_loop3A_835], %parallel_loop3A_859 : memref<8x1x8x129xf32, #tpu.memory_space<vmem>>[vector<16xi32>, vector<16xi32>, vector<16xi32>, vector<16xi32>], vector<16xf32>,
        %parallel_loop3A_868 = arith.constant 128 : i32
        %parallel_loop3A_869 = arith.addi %parallel_loop3A_868, %parallel_loop3A_834 : i32
        %parallel_loop3A_870 = arith.constant 0 : i32
        %parallel_loop3A_871 = arith.index_cast %parallel_loop3A_870 : i32 to index
        %parallel_loop3A_872 = arith.index_cast %parallel_loop3A_869 : i32 to index
        %parallel_loop3A_873 = arith.constant 32 : index
        %parallel_loop3A_874 = tpu.vector_load %arg7[%parallel_loop3A_871, %parallel_loop3A_872, %parallel_loop3A_873] {strides = array<i32>} : memref<2x256x64xf32, #tpu.memory_space<vmem>>, vector<16xf32>,
        %parallel_loop3A_875 = arith.addf %parallel_loop3A_874, %get3A_668 : vector<16xf32>
        %parallel_loop3A_876 = arith.constant 0 : i32
        %parallel_loop3A_877 = arith.constant 1 : i32
        %parallel_loop3A_878 = arith.constant 0 : i32
        %parallel_loop3A_879 = arith.constant 0 : i32
        %parallel_loop3A_880 = arith.constant 0 : i32
        %parallel_loop3A_881 = arith.constant 0 : i32
        %parallel_loop3A_882 = tpu.memref_slice %arg8[%parallel_loop3A_876, %parallel_loop3A_877, %parallel_loop3A_878, %parallel_loop3A_879, %parallel_loop3A_880, %parallel_loop3A_881] : memref<2x2x8x1x8x129xf32, #tpu.memory_space<vmem>> -> memref<1x1x8x1x8x129xf32, #tpu.memory_space<vmem>>
        %parallel_loop3A_883 = tpu.memref_squeeze %parallel_loop3A_882 : memref<1x1x8x1x8x129xf32, #tpu.memory_space<vmem>> -> memref<8x1x8x129xf32, #tpu.memory_space<vmem>>
        tpu.vector_store_idx %parallel_loop3A_883[%select_n3A_94, %broadcast_in_dim3A_227, %select_n3A_201, %parallel_loop3A_835], %parallel_loop3A_875 : memref<8x1x8x129xf32, #tpu.memory_space<vmem>>[vector<16xi32>, vector<16xi32>, vector<16xi32>, vector<16xi32>], vector<16xf32>,
        %parallel_loop3A_884 = arith.constant 128 : i32
        %parallel_loop3A_885 = arith.addi %parallel_loop3A_884, %parallel_loop3A_834 : i32
        %parallel_loop3A_886 = arith.constant 0 : i32
        %parallel_loop3A_887 = arith.index_cast %parallel_loop3A_886 : i32 to index
        %parallel_loop3A_888 = arith.index_cast %parallel_loop3A_885 : i32 to index
        %parallel_loop3A_889 = arith.constant 48 : index
        %parallel_loop3A_890 = tpu.vector_load %arg7[%parallel_loop3A_887, %parallel_loop3A_888, %parallel_loop3A_889] {strides = array<i32>} : memref<2x256x64xf32, #tpu.memory_space<vmem>>, vector<16xf32>,
        %parallel_loop3A_891 = arith.addf %parallel_loop3A_890, %get3A_671 : vector<16xf32>
        %parallel_loop3A_892 = arith.constant 0 : i32
        %parallel_loop3A_893 = arith.constant 1 : i32
        %parallel_loop3A_894 = arith.constant 0 : i32
        %parallel_loop3A_895 = arith.constant 0 : i32
        %parallel_loop3A_896 = arith.constant 0 : i32
        %parallel_loop3A_897 = arith.constant 0 : i32
        %parallel_loop3A_898 = tpu.memref_slice %arg8[%parallel_loop3A_892, %parallel_loop3A_893, %parallel_loop3A_894, %parallel_loop3A_895, %parallel_loop3A_896, %parallel_loop3A_897] : memref<2x2x8x1x8x129xf32, #tpu.memory_space<vmem>> -> memref<1x1x8x1x8x129xf32, #tpu.memory_space<vmem>>
        %parallel_loop3A_899 = tpu.memref_squeeze %parallel_loop3A_898 : memref<1x1x8x1x8x129xf32, #tpu.memory_space<vmem>> -> memref<8x1x8x129xf32, #tpu.memory_space<vmem>>
        tpu.vector_store_idx %parallel_loop3A_899[%select_n3A_128, %broadcast_in_dim3A_227, %select_n3A_226, %parallel_loop3A_835], %parallel_loop3A_891 : memref<8x1x8x129xf32, #tpu.memory_space<vmem>>[vector<16xi32>, vector<16xi32>, vector<16xi32>, vector<16xi32>], vector<16xf32>,
      } {sc.loop_unroll_factor = 4 : i64, sc.parallel_access}
      %add3A_675 = arith.constant 2 : i32
      %add3A_676 = arith.addi %add3A_581, %add3A_675 : i32
      %lt3A_677 = arith.constant 100 : i32
      %lt3A_678 = arith.cmpi slt, %add3A_676, %lt3A_677 : i32
      %convert_element_type3A = arith.extui %lt3A_678 : i1 to i32
      %cond3A = arith.constant 0 : i32
      %cond3A_679 = arith.cmpi ne, %convert_element_type3A, %cond3A : i32
      scf.if %cond3A_679 {
        %add3A_834 = arith.constant 2 : i32
        %add3A_835 = arith.addi %add3A_581, %add3A_834 : i32
        %mul3A_836 = arith.constant 2 : i32
        %mul3A_837 = arith.muli %mul3A_836, %add3A_835 : i32
        %add3A_838 = arith.constant 0 : i32
        %add3A_839 = arith.addi %mul3A_837, %add3A_838 : i32
        %jit3A_840 = arith.constant 8 : i32
        %div3A_841 = arith.divsi %add3A_839, %jit3A_840 : i32
        %sign3A_842 = arith.constant 0 : i32
        %sign3A_843 = arith.cmpi sgt, %add3A_839, %sign3A_842 : i32
        %sign3A_844 = arith.extui %sign3A_843 : i1 to i32
        %sign3A_845 = arith.constant 0 : i32
        %sign3A_846 = arith.cmpi slt, %add3A_839, %sign3A_845 : i32
        %sign3A_847 = arith.extui %sign3A_846 : i1 to i32
        %sign3A_848 = arith.subi %sign3A_844, %sign3A_847 : i32
        %sign3A_849 = arith.constant 0 : i32
        %sign3A_850 = arith.cmpi sgt, %jit3A_840, %sign3A_849 : i32
        %sign3A_851 = arith.extui %sign3A_850 : i1 to i32
        %sign3A_852 = arith.constant 0 : i32
        %sign3A_853 = arith.cmpi slt, %jit3A_840, %sign3A_852 : i32
        %sign3A_854 = arith.extui %sign3A_853 : i1 to i32
        %sign3A_855 = arith.subi %sign3A_851, %sign3A_854 : i32
        %ne3A_856 = arith.cmpi ne, %sign3A_848, %sign3A_855 : i32
        %rem3A_857 = arith.remsi %add3A_839, %jit3A_840 : i32
        %ne3A_858 = arith.constant 0 : i32
        %ne3A_859 = arith.cmpi ne, %rem3A_857, %ne3A_858 : i32
        %and3A_860 = arith.andi %ne3A_856, %ne3A_859 : i1
        %sub3A_861 = arith.constant 1 : i32
        %sub3A_862 = arith.subi %div3A_841, %sub3A_861 : i32
        %select_n3A_863 = arith.select %and3A_860, %sub3A_862, %div3A_841 : i32
        %jit3A_864 = arith.constant 8 : i32
        %eq3A_865 = arith.constant 0 : i32
        %eq3A_866 = arith.cmpi eq, %jit3A_864, %eq3A_865 : i32
        %jit3A_867 = arith.constant 1 : i32
        %select_n3A_868 = arith.select %eq3A_866, %jit3A_867, %jit3A_864 : i32
        %rem3A_869 = arith.remsi %add3A_839, %select_n3A_868 : i32
        %ne3A_870 = arith.constant 0 : i32
        %ne3A_871 = arith.cmpi ne, %rem3A_869, %ne3A_870 : i32
        %lt3A_872 = arith.constant 0 : i32
        %lt3A_873 = arith.cmpi slt, %rem3A_869, %lt3A_872 : i32
        %lt3A_874 = arith.constant 0 : i32
        %lt3A_875 = arith.cmpi slt, %select_n3A_868, %lt3A_874 : i32
        %ne3A_876 = arith.xori %lt3A_873, %lt3A_875 : i1
        %and3A_877 = arith.andi %ne3A_876, %ne3A_871 : i1
        %add3A_878 = arith.addi %rem3A_869, %select_n3A_868 : i32
        %select_n3A_879 = arith.select %and3A_877, %add3A_878, %rem3A_869 : i32
        %dma_start3A_880 = arith.constant 0 : i32
        %dma_start3A_881 = arith.constant 0 : i32
        %dma_start3A_882 = arith.constant 0 : i32
        %dma_start3A_883 = arith.constant 0 : i32
        %dma_start3A_884 = tpu.memref_slice %arg7[%dma_start3A_881, %dma_start3A_882, %dma_start3A_883] : memref<2x256x64xf32, #tpu.memory_space<vmem>> -> memref<1x128x64xf32, #tpu.memory_space<vmem>>
        %dma_start3A_885 = tpu.memref_squeeze %dma_start3A_884 : memref<1x128x64xf32, #tpu.memory_space<vmem>> -> memref<128x64xf32, #tpu.memory_space<vmem>>
        %dma_start3A_886 = arith.constant 0 : i32
        %dma_start3A_887 = tpu.memref_slice %arg6[%select_n3A_863, %dma_start3A_880, %select_n3A_879, %dma_start3A_886] : memref<25x1x8x128xi32, #tpu.memory_space<vmem>> -> memref<1x1x1x128xi32, #tpu.memory_space<vmem>>
        %dma_start3A_888 = tpu.memref_squeeze %dma_start3A_887 : memref<1x1x1x128xi32, #tpu.memory_space<vmem>> -> memref<128xi32, #tpu.memory_space<vmem>>
        %dma_start3A_889 = arith.constant 0 : i32
        %dma_start3A_890 = arith.constant 0 : i32
        %dma_start3A_891 = tpu.memref_slice %arg3[%dma_start3A_889, %dma_start3A_890] : memref<100000x64xf32, #tpu.memory_space<hbm>> -> memref<100000x64xf32, #tpu.memory_space<hbm>>
        tpu.enqueue_indirect_dma source(%dma_start3A_891 : memref<100000x64xf32, #tpu.memory_space<hbm>>) target(%dma_start3A_885 : memref<128x64xf32, #tpu.memory_space<vmem>>) offsets(%dma_start3A_888 : memref<128xi32, #tpu.memory_space<vmem>>) semaphore(%arg10 : memref<!tpu.dma_semaphore, #tpu.memory_space<semaphore_mem>>)
        %mul3A_892 = arith.constant 2 : i32
        %mul3A_893 = arith.muli %mul3A_892, %add3A_835 : i32
        %add3A_894 = arith.constant 1 : i32
        %add3A_895 = arith.addi %mul3A_893, %add3A_894 : i32
        %jit3A_896 = arith.constant 8 : i32
        %div3A_897 = arith.divsi %add3A_895, %jit3A_896 : i32
        %sign3A_898 = arith.constant 0 : i32
        %sign3A_899 = arith.cmpi sgt, %add3A_895, %sign3A_898 : i32
        %sign3A_900 = arith.extui %sign3A_899 : i1 to i32
        %sign3A_901 = arith.constant 0 : i32
        %sign3A_902 = arith.cmpi slt, %add3A_895, %sign3A_901 : i32
        %sign3A_903 = arith.extui %sign3A_902 : i1 to i32
        %sign3A_904 = arith.subi %sign3A_900, %sign3A_903 : i32
        %sign3A_905 = arith.constant 0 : i32
        %sign3A_906 = arith.cmpi sgt, %jit3A_896, %sign3A_905 : i32
        %sign3A_907 = arith.extui %sign3A_906 : i1 to i32
        %sign3A_908 = arith.constant 0 : i32
        %sign3A_909 = arith.cmpi slt, %jit3A_896, %sign3A_908 : i32
        %sign3A_910 = arith.extui %sign3A_909 : i1 to i32
        %sign3A_911 = arith.subi %sign3A_907, %sign3A_910 : i32
        %ne3A_912 = arith.cmpi ne, %sign3A_904, %sign3A_911 : i32
        %rem3A_913 = arith.remsi %add3A_895, %jit3A_896 : i32
        %ne3A_914 = arith.constant 0 : i32
        %ne3A_915 = arith.cmpi ne, %rem3A_913, %ne3A_914 : i32
        %and3A_916 = arith.andi %ne3A_912, %ne3A_915 : i1
        %sub3A_917 = arith.constant 1 : i32
        %sub3A_918 = arith.subi %div3A_897, %sub3A_917 : i32
        %select_n3A_919 = arith.select %and3A_916, %sub3A_918, %div3A_897 : i32
        %jit3A_920 = arith.constant 8 : i32
        %eq3A_921 = arith.constant 0 : i32
        %eq3A_922 = arith.cmpi eq, %jit3A_920, %eq3A_921 : i32
        %jit3A_923 = arith.constant 1 : i32
        %select_n3A_924 = arith.select %eq3A_922, %jit3A_923, %jit3A_920 : i32
        %rem3A_925 = arith.remsi %add3A_895, %select_n3A_924 : i32
        %ne3A_926 = arith.constant 0 : i32
        %ne3A_927 = arith.cmpi ne, %rem3A_925, %ne3A_926 : i32
        %lt3A_928 = arith.constant 0 : i32
        %lt3A_929 = arith.cmpi slt, %rem3A_925, %lt3A_928 : i32
        %lt3A_930 = arith.constant 0 : i32
        %lt3A_931 = arith.cmpi slt, %select_n3A_924, %lt3A_930 : i32
        %ne3A_932 = arith.xori %lt3A_929, %lt3A_931 : i1
        %and3A_933 = arith.andi %ne3A_932, %ne3A_927 : i1
        %add3A_934 = arith.addi %rem3A_925, %select_n3A_924 : i32
        %select_n3A_935 = arith.select %and3A_933, %add3A_934, %rem3A_925 : i32
        %dma_start3A_936 = arith.constant 0 : i32
        %dma_start3A_937 = arith.constant 0 : i32
        %dma_start3A_938 = arith.constant 128 : i32
        %dma_start3A_939 = arith.constant 0 : i32
        %dma_start3A_940 = tpu.memref_slice %arg7[%dma_start3A_937, %dma_start3A_938, %dma_start3A_939] : memref<2x256x64xf32, #tpu.memory_space<vmem>> -> memref<1x128x64xf32, #tpu.memory_space<vmem>>
        %dma_start3A_941 = tpu.memref_squeeze %dma_start3A_940 : memref<1x128x64xf32, #tpu.memory_space<vmem>> -> memref<128x64xf32, #tpu.memory_space<vmem>>
        %dma_start3A_942 = arith.constant 0 : i32
        %dma_start3A_943 = tpu.memref_slice %arg6[%select_n3A_919, %dma_start3A_936, %select_n3A_935, %dma_start3A_942] : memref<25x1x8x128xi32, #tpu.memory_space<vmem>> -> memref<1x1x1x128xi32, #tpu.memory_space<vmem>>
        %dma_start3A_944 = tpu.memref_squeeze %dma_start3A_943 : memref<1x1x1x128xi32, #tpu.memory_space<vmem>> -> memref<128xi32, #tpu.memory_space<vmem>>
        %dma_start3A_945 = arith.constant 0 : i32
        %dma_start3A_946 = arith.constant 0 : i32
        %dma_start3A_947 = tpu.memref_slice %arg3[%dma_start3A_945, %dma_start3A_946] : memref<100000x64xf32, #tpu.memory_space<hbm>> -> memref<100000x64xf32, #tpu.memory_space<hbm>>
        tpu.enqueue_indirect_dma source(%dma_start3A_947 : memref<100000x64xf32, #tpu.memory_space<hbm>>) target(%dma_start3A_941 : memref<128x64xf32, #tpu.memory_space<vmem>>) offsets(%dma_start3A_944 : memref<128xi32, #tpu.memory_space<vmem>>) semaphore(%arg10 : memref<!tpu.dma_semaphore, #tpu.memory_space<semaphore_mem>>)
      } else {
      }
      %mul3A_680 = arith.constant 2 : i32
      %mul3A_681 = arith.muli %mul3A_680, %add3A_581 : i32
      %dma_start3A_682 = arith.constant 0 : i32
      %dma_start3A_683 = arith.constant 0 : i32
      %dma_start3A_684 = arith.constant 0 : i32
      %dma_start3A_685 = arith.constant 0 : i32
      %dma_start3A_686 = arith.constant 0 : i32
      %dma_start3A_687 = arith.constant 0 : i32
      %dma_start3A_688 = tpu.memref_slice %arg8[%dma_start3A_682, %dma_start3A_683, %dma_start3A_684, %dma_start3A_685, %dma_start3A_686, %dma_start3A_687] : memref<2x2x8x1x8x129xf32, #tpu.memory_space<vmem>> -> memref<1x2x8x1x8x128xf32, #tpu.memory_space<vmem>>
      %dma_start3A_689 = tpu.memref_squeeze %dma_start3A_688 : memref<1x2x8x1x8x128xf32, #tpu.memory_space<vmem>> -> memref<2x8x1x8x128xf32, #tpu.memory_space<vmem>>
      %dma_start3A_690 = arith.constant 0 : i32
      %dma_start3A_691 = arith.constant 0 : i32
      %dma_start3A_692 = arith.constant 0 : i32
      %dma_start3A_693 = tpu.memref_slice %arg5[%mul3A_681, %dma_start3A_690, %add3A, %dma_start3A_691, %dma_start3A_692] : memref<200x8x32x8x128xf32, #tpu.memory_space<hbm>> -> memref<2x8x1x8x128xf32, #tpu.memory_space<hbm>>
      %dma_start3A_694 = arith.constant 0 : i32
      %dma_start3A_695 = arith.constant 0 : i32
      %dma_start3A_696 = arith.constant 0 : i32
      %dma_start3A_697 = tpu.memref_slice %arg5[%mul3A_681, %dma_start3A_694, %add3A, %dma_start3A_695, %dma_start3A_696] : memref<200x8x32x8x128xf32, #tpu.memory_space<hbm>> -> memref<2x8x1x8x128xf32, #tpu.memory_space<hbm>>
      %dma_start3A_698 = arith.constant 0 : i32
      %dma_start3A_699 = arith.constant 0 : i32
      %dma_start3A_700 = arith.constant 0 : i32
      %dma_start3A_701 = arith.constant 0 : i32
      %dma_start3A_702 = arith.constant 0 : i32
      %dma_start3A_703 = tpu.memref_slice %arg8[%dma_start3A_682, %dma_start3A_698, %dma_start3A_699, %dma_start3A_700, %dma_start3A_701, %dma_start3A_702] : memref<2x2x8x1x8x129xf32, #tpu.memory_space<vmem>> -> memref<1x2x8x1x8x128xf32, #tpu.memory_space<vmem>>
      %dma_start3A_704 = tpu.memref_squeeze %dma_start3A_703 : memref<1x2x8x1x8x128xf32, #tpu.memory_space<vmem>> -> memref<2x8x1x8x128xf32, #tpu.memory_space<vmem>>
      tpu.enqueue_dma source(%dma_start3A_704 : memref<2x8x1x8x128xf32, #tpu.memory_space<vmem>>) target(%dma_start3A_697 : memref<2x8x1x8x128xf32, #tpu.memory_space<hbm>>) target_semaphore(%arg12 : memref<!tpu.dma_semaphore, #tpu.memory_space<semaphore_mem>>)
      %mul3A_705 = arith.constant 2 : i32
      %mul3A_706 = arith.muli %mul3A_705, %scan3A_577 : i32
      %add3A_707 = arith.constant 1 : i32
      %add3A_708 = arith.addi %mul3A_706, %add3A_707 : i32
      %dma_wait3A_709 = arith.constant 0 : i32
      %dma_wait3A_710 = arith.constant 0 : i32
      %dma_wait3A_711 = arith.constant 0 : i32
      %dma_wait3A_712 = arith.constant 1 : i32
      %dma_wait3A_713 = arith.constant 0 : i32
      %dma_wait3A_714 = arith.constant 0 : i32
      %dma_wait3A_715 = tpu.memref_slice %arg7[%dma_wait3A_712, %dma_wait3A_713, %dma_wait3A_714] : memref<2x256x64xf32, #tpu.memory_space<vmem>> -> memref<1x128x64xf32, #tpu.memory_space<vmem>>
      %dma_wait3A_716 = tpu.memref_squeeze %dma_wait3A_715 : memref<1x128x64xf32, #tpu.memory_space<vmem>> -> memref<128x64xf32, #tpu.memory_space<vmem>>
      %dma_wait3A_717 = arith.constant 0 : i32
      %dma_wait3A_718 = tpu.memref_slice %arg6[%dma_wait3A_709, %dma_wait3A_710, %dma_wait3A_711, %dma_wait3A_717] : memref<25x1x8x128xi32, #tpu.memory_space<vmem>> -> memref<1x1x1x128xi32, #tpu.memory_space<vmem>>
      %dma_wait3A_719 = tpu.memref_squeeze %dma_wait3A_718 : memref<1x1x1x128xi32, #tpu.memory_space<vmem>> -> memref<128xi32, #tpu.memory_space<vmem>>
      %dma_wait3A_720 = arith.constant 0 : i32
      %dma_wait3A_721 = arith.constant 0 : i32
      %dma_wait3A_722 = tpu.memref_slice %arg3[%dma_wait3A_720, %dma_wait3A_721] : memref<100000x64xf32, #tpu.memory_space<hbm>> -> memref<100000x64xf32, #tpu.memory_space<hbm>>
      tpu.wait_indirect_dma semaphore(%arg11 : memref<!tpu.dma_semaphore, #tpu.memory_space<semaphore_mem>>) src(%dma_wait3A_722 : memref<100000x64xf32, #tpu.memory_space<hbm>>) dst(%dma_wait3A_716 : memref<128x64xf32, #tpu.memory_space<vmem>>)
      %dma_wait3A_723 = arith.constant 0 : i32
      %dma_wait3A_724 = arith.constant 0 : i32
      %dma_wait3A_725 = arith.constant 0 : i32
      %dma_wait3A_726 = arith.constant 1 : i32
      %dma_wait3A_727 = arith.constant 128 : i32
      %dma_wait3A_728 = arith.constant 0 : i32
      %dma_wait3A_729 = tpu.memref_slice %arg7[%dma_wait3A_726, %dma_wait3A_727, %dma_wait3A_728] : memref<2x256x64xf32, #tpu.memory_space<vmem>> -> memref<1x128x64xf32, #tpu.memory_space<vmem>>
      %dma_wait3A_730 = tpu.memref_squeeze %dma_wait3A_729 : memref<1x128x64xf32, #tpu.memory_space<vmem>> -> memref<128x64xf32, #tpu.memory_space<vmem>>
      %dma_wait3A_731 = arith.constant 0 : i32
      %dma_wait3A_732 = tpu.memref_slice %arg6[%dma_wait3A_723, %dma_wait3A_724, %dma_wait3A_725, %dma_wait3A_731] : memref<25x1x8x128xi32, #tpu.memory_space<vmem>> -> memref<1x1x1x128xi32, #tpu.memory_space<vmem>>
      %dma_wait3A_733 = tpu.memref_squeeze %dma_wait3A_732 : memref<1x1x1x128xi32, #tpu.memory_space<vmem>> -> memref<128xi32, #tpu.memory_space<vmem>>
      %dma_wait3A_734 = arith.constant 0 : i32
      %dma_wait3A_735 = arith.constant 0 : i32
      %dma_wait3A_736 = tpu.memref_slice %arg3[%dma_wait3A_734, %dma_wait3A_735] : memref<100000x64xf32, #tpu.memory_space<hbm>> -> memref<100000x64xf32, #tpu.memory_space<hbm>>
      tpu.wait_indirect_dma semaphore(%arg11 : memref<!tpu.dma_semaphore, #tpu.memory_space<semaphore_mem>>) src(%dma_wait3A_736 : memref<100000x64xf32, #tpu.memory_space<hbm>>) dst(%dma_wait3A_730 : memref<128x64xf32, #tpu.memory_space<vmem>>)
      %dma_wait3A_737 = arith.constant 1 : i32
      %dma_wait3A_738 = arith.constant 0 : i32
      %dma_wait3A_739 = arith.constant 0 : i32
      %dma_wait3A_740 = arith.constant 0 : i32
      %dma_wait3A_741 = arith.constant 0 : i32
      %dma_wait3A_742 = arith.constant 0 : i32
      %dma_wait3A_743 = tpu.memref_slice %arg8[%dma_wait3A_737, %dma_wait3A_738, %dma_wait3A_739, %dma_wait3A_740, %dma_wait3A_741, %dma_wait3A_742] : memref<2x2x8x1x8x129xf32, #tpu.memory_space<vmem>> -> memref<1x2x8x1x8x128xf32, #tpu.memory_space<vmem>>
      %dma_wait3A_744 = tpu.memref_squeeze %dma_wait3A_743 : memref<1x2x8x1x8x128xf32, #tpu.memory_space<vmem>> -> memref<2x8x1x8x128xf32, #tpu.memory_space<vmem>>
      %dma_wait3A_745 = arith.constant 0 : i32
      %dma_wait3A_746 = arith.constant 0 : i32
      %dma_wait3A_747 = arith.constant 0 : i32
      %dma_wait3A_748 = arith.constant 0 : i32
      %dma_wait3A_749 = arith.constant 0 : i32
      %dma_wait3A_750 = tpu.memref_slice %arg5[%dma_wait3A_745, %dma_wait3A_746, %dma_wait3A_747, %dma_wait3A_748, %dma_wait3A_749] : memref<200x8x32x8x128xf32, #tpu.memory_space<hbm>> -> memref<2x8x1x8x128xf32, #tpu.memory_space<hbm>>
      %dma_wait3A_751 = arith.constant 0 : i32
      %dma_wait3A_752 = arith.constant 0 : i32
      %dma_wait3A_753 = arith.constant 0 : i32
      %dma_wait3A_754 = arith.constant 0 : i32
      %dma_wait3A_755 = arith.constant 0 : i32
      %dma_wait3A_756 = tpu.memref_slice %arg5[%dma_wait3A_751, %dma_wait3A_752, %dma_wait3A_753, %dma_wait3A_754, %dma_wait3A_755] : memref<200x8x32x8x128xf32, #tpu.memory_space<hbm>> -> memref<2x8x1x8x128xf32, #tpu.memory_space<hbm>>
      %dma_wait3A_757 = arith.constant 0 : i32
      %dma_wait3A_758 = arith.constant 0 : i32
      %dma_wait3A_759 = arith.constant 0 : i32
      %dma_wait3A_760 = arith.constant 0 : i32
      %dma_wait3A_761 = arith.constant 0 : i32
      %dma_wait3A_762 = tpu.memref_slice %arg8[%dma_wait3A_737, %dma_wait3A_757, %dma_wait3A_758, %dma_wait3A_759, %dma_wait3A_760, %dma_wait3A_761] : memref<2x2x8x1x8x129xf32, #tpu.memory_space<vmem>> -> memref<1x2x8x1x8x128xf32, #tpu.memory_space<vmem>>
      %dma_wait3A_763 = tpu.memref_squeeze %dma_wait3A_762 : memref<1x2x8x1x8x128xf32, #tpu.memory_space<vmem>> -> memref<2x8x1x8x128xf32, #tpu.memory_space<vmem>>
      tpu.wait_dma2 semaphore(%arg13 : memref<!tpu.dma_semaphore, #tpu.memory_space<semaphore_mem>>) src(%dma_wait3A_763 : memref<2x8x1x8x128xf32, #tpu.memory_space<vmem>>) dst(%dma_wait3A_756 : memref<2x8x1x8x128xf32, #tpu.memory_space<hbm>>)
      %mul3A_764 = arith.constant 2 : i32
      %mul3A_765 = arith.muli %mul3A_764, %add3A_708 : i32
      %add3A_766 = arith.constant 0 : i32
      %add3A_767 = arith.addi %mul3A_765, %add3A_766 : i32
      %get3A_768 = arith.index_cast %add3A_767 : i32 to index
      %get3A_769 = arith.constant 0 : index
      %get3A_770 = tpu.vector_load %arg9[%get3A_768, %get3A_769] {strides = array<i32>} : memref<200x64xf32, #tpu.memory_space<vmem>>, vector<16xf32>,
      %get3A_771 = arith.index_cast %add3A_767 : i32 to index
      %get3A_772 = arith.constant 16 : index
      %get3A_773 = tpu.vector_load %arg9[%get3A_771, %get3A_772] {strides = array<i32>} : memref<200x64xf32, #tpu.memory_space<vmem>>, vector<16xf32>,
      %get3A_774 = arith.index_cast %add3A_767 : i32 to index
      %get3A_775 = arith.constant 32 : index
      %get3A_776 = tpu.vector_load %arg9[%get3A_774, %get3A_775] {strides = array<i32>} : memref<200x64xf32, #tpu.memory_space<vmem>>, vector<16xf32>,
      %get3A_777 = arith.index_cast %add3A_767 : i32 to index
      %get3A_778 = arith.constant 48 : index
      %get3A_779 = tpu.vector_load %arg9[%get3A_777, %get3A_778] {strides = array<i32>} : memref<200x64xf32, #tpu.memory_space<vmem>>, vector<16xf32>,
      %parallel_loop3A_780 = arith.constant 0 : i32
      %parallel_loop3A_781 = arith.constant 128 : i32
      %parallel_loop3A_782 = arith.constant 1 : i32
      scf.for %parallel_loop3A_834 = %parallel_loop3A_780 to %parallel_loop3A_781 step %parallel_loop3A_782  : i32 {
        %parallel_loop3A_835 = vector.broadcast %parallel_loop3A_834 : i32 to vector<16xi32>
        %parallel_loop3A_836 = arith.constant 0 : i32
        %parallel_loop3A_837 = arith.addi %parallel_loop3A_836, %parallel_loop3A_834 : i32
        %parallel_loop3A_838 = arith.constant 1 : i32
        %parallel_loop3A_839 = arith.index_cast %parallel_loop3A_838 : i32 to index
        %parallel_loop3A_840 = arith.index_cast %parallel_loop3A_837 : i32 to index
        %parallel_loop3A_841 = arith.constant 0 : index
        %parallel_loop3A_842 = tpu.vector_load %arg7[%parallel_loop3A_839, %parallel_loop3A_840, %parallel_loop3A_841] {strides = array<i32>} : memref<2x256x64xf32, #tpu.memory_space<vmem>>, vector<16xf32>,
        %parallel_loop3A_843 = arith.addf %parallel_loop3A_842, %get3A_770 : vector<16xf32>
        %parallel_loop3A_844 = arith.constant 1 : i32
        %parallel_loop3A_845 = arith.constant 0 : i32
        %parallel_loop3A_846 = arith.constant 0 : i32
        %parallel_loop3A_847 = arith.constant 0 : i32
        %parallel_loop3A_848 = arith.constant 0 : i32
        %parallel_loop3A_849 = arith.constant 0 : i32
        %parallel_loop3A_850 = tpu.memref_slice %arg8[%parallel_loop3A_844, %parallel_loop3A_845, %parallel_loop3A_846, %parallel_loop3A_847, %parallel_loop3A_848, %parallel_loop3A_849] : memref<2x2x8x1x8x129xf32, #tpu.memory_space<vmem>> -> memref<1x1x8x1x8x129xf32, #tpu.memory_space<vmem>>
        %parallel_loop3A_851 = tpu.memref_squeeze %parallel_loop3A_850 : memref<1x1x8x1x8x129xf32, #tpu.memory_space<vmem>> -> memref<8x1x8x129xf32, #tpu.memory_space<vmem>>
        tpu.vector_store_idx %parallel_loop3A_851[%select_n3A, %broadcast_in_dim3A_227, %select_n3A_151, %parallel_loop3A_835], %parallel_loop3A_843 : memref<8x1x8x129xf32, #tpu.memory_space<vmem>>[vector<16xi32>, vector<16xi32>, vector<16xi32>, vector<16xi32>], vector<16xf32>,
        %parallel_loop3A_852 = arith.constant 0 : i32
        %parallel_loop3A_853 = arith.addi %parallel_loop3A_852, %parallel_loop3A_834 : i32
        %parallel_loop3A_854 = arith.constant 1 : i32
        %parallel_loop3A_855 = arith.index_cast %parallel_loop3A_854 : i32 to index
        %parallel_loop3A_856 = arith.index_cast %parallel_loop3A_853 : i32 to index
        %parallel_loop3A_857 = arith.constant 16 : index
        %parallel_loop3A_858 = tpu.vector_load %arg7[%parallel_loop3A_855, %parallel_loop3A_856, %parallel_loop3A_857] {strides = array<i32>} : memref<2x256x64xf32, #tpu.memory_space<vmem>>, vector<16xf32>,
        %parallel_loop3A_859 = arith.addf %parallel_loop3A_858, %get3A_773 : vector<16xf32>
        %parallel_loop3A_860 = arith.constant 1 : i32
        %parallel_loop3A_861 = arith.constant 0 : i32
        %parallel_loop3A_862 = arith.constant 0 : i32
        %parallel_loop3A_863 = arith.constant 0 : i32
        %parallel_loop3A_864 = arith.constant 0 : i32
        %parallel_loop3A_865 = arith.constant 0 : i32
        %parallel_loop3A_866 = tpu.memref_slice %arg8[%parallel_loop3A_860, %parallel_loop3A_861, %parallel_loop3A_862, %parallel_loop3A_863, %parallel_loop3A_864, %parallel_loop3A_865] : memref<2x2x8x1x8x129xf32, #tpu.memory_space<vmem>> -> memref<1x1x8x1x8x129xf32, #tpu.memory_space<vmem>>
        %parallel_loop3A_867 = tpu.memref_squeeze %parallel_loop3A_866 : memref<1x1x8x1x8x129xf32, #tpu.memory_space<vmem>> -> memref<8x1x8x129xf32, #tpu.memory_space<vmem>>
        tpu.vector_store_idx %parallel_loop3A_867[%select_n3A_60, %broadcast_in_dim3A_227, %select_n3A_176, %parallel_loop3A_835], %parallel_loop3A_859 : memref<8x1x8x129xf32, #tpu.memory_space<vmem>>[vector<16xi32>, vector<16xi32>, vector<16xi32>, vector<16xi32>], vector<16xf32>,
        %parallel_loop3A_868 = arith.constant 0 : i32
        %parallel_loop3A_869 = arith.addi %parallel_loop3A_868, %parallel_loop3A_834 : i32
        %parallel_loop3A_870 = arith.constant 1 : i32
        %parallel_loop3A_871 = arith.index_cast %parallel_loop3A_870 : i32 to index
        %parallel_loop3A_872 = arith.index_cast %parallel_loop3A_869 : i32 to index
        %parallel_loop3A_873 = arith.constant 32 : index
        %parallel_loop3A_874 = tpu.vector_load %arg7[%parallel_loop3A_871, %parallel_loop3A_872, %parallel_loop3A_873] {strides = array<i32>} : memref<2x256x64xf32, #tpu.memory_space<vmem>>, vector<16xf32>,
        %parallel_loop3A_875 = arith.addf %parallel_loop3A_874, %get3A_776 : vector<16xf32>
        %parallel_loop3A_876 = arith.constant 1 : i32
        %parallel_loop3A_877 = arith.constant 0 : i32
        %parallel_loop3A_878 = arith.constant 0 : i32
        %parallel_loop3A_879 = arith.constant 0 : i32
        %parallel_loop3A_880 = arith.constant 0 : i32
        %parallel_loop3A_881 = arith.constant 0 : i32
        %parallel_loop3A_882 = tpu.memref_slice %arg8[%parallel_loop3A_876, %parallel_loop3A_877, %parallel_loop3A_878, %parallel_loop3A_879, %parallel_loop3A_880, %parallel_loop3A_881] : memref<2x2x8x1x8x129xf32, #tpu.memory_space<vmem>> -> memref<1x1x8x1x8x129xf32, #tpu.memory_space<vmem>>
        %parallel_loop3A_883 = tpu.memref_squeeze %parallel_loop3A_882 : memref<1x1x8x1x8x129xf32, #tpu.memory_space<vmem>> -> memref<8x1x8x129xf32, #tpu.memory_space<vmem>>
        tpu.vector_store_idx %parallel_loop3A_883[%select_n3A_94, %broadcast_in_dim3A_227, %select_n3A_201, %parallel_loop3A_835], %parallel_loop3A_875 : memref<8x1x8x129xf32, #tpu.memory_space<vmem>>[vector<16xi32>, vector<16xi32>, vector<16xi32>, vector<16xi32>], vector<16xf32>,
        %parallel_loop3A_884 = arith.constant 0 : i32
        %parallel_loop3A_885 = arith.addi %parallel_loop3A_884, %parallel_loop3A_834 : i32
        %parallel_loop3A_886 = arith.constant 1 : i32
        %parallel_loop3A_887 = arith.index_cast %parallel_loop3A_886 : i32 to index
        %parallel_loop3A_888 = arith.index_cast %parallel_loop3A_885 : i32 to index
        %parallel_loop3A_889 = arith.constant 48 : index
        %parallel_loop3A_890 = tpu.vector_load %arg7[%parallel_loop3A_887, %parallel_loop3A_888, %parallel_loop3A_889] {strides = array<i32>} : memref<2x256x64xf32, #tpu.memory_space<vmem>>, vector<16xf32>,
        %parallel_loop3A_891 = arith.addf %parallel_loop3A_890, %get3A_779 : vector<16xf32>
        %parallel_loop3A_892 = arith.constant 1 : i32
        %parallel_loop3A_893 = arith.constant 0 : i32
        %parallel_loop3A_894 = arith.constant 0 : i32
        %parallel_loop3A_895 = arith.constant 0 : i32
        %parallel_loop3A_896 = arith.constant 0 : i32
        %parallel_loop3A_897 = arith.constant 0 : i32
        %parallel_loop3A_898 = tpu.memref_slice %arg8[%parallel_loop3A_892, %parallel_loop3A_893, %parallel_loop3A_894, %parallel_loop3A_895, %parallel_loop3A_896, %parallel_loop3A_897] : memref<2x2x8x1x8x129xf32, #tpu.memory_space<vmem>> -> memref<1x1x8x1x8x129xf32, #tpu.memory_space<vmem>>
        %parallel_loop3A_899 = tpu.memref_squeeze %parallel_loop3A_898 : memref<1x1x8x1x8x129xf32, #tpu.memory_space<vmem>> -> memref<8x1x8x129xf32, #tpu.memory_space<vmem>>
        tpu.vector_store_idx %parallel_loop3A_899[%select_n3A_128, %broadcast_in_dim3A_227, %select_n3A_226, %parallel_loop3A_835], %parallel_loop3A_891 : memref<8x1x8x129xf32, #tpu.memory_space<vmem>>[vector<16xi32>, vector<16xi32>, vector<16xi32>, vector<16xi32>], vector<16xf32>,
      } {sc.loop_unroll_factor = 4 : i64, sc.parallel_access}
      %mul3A_783 = arith.constant 2 : i32
      %mul3A_784 = arith.muli %mul3A_783, %add3A_708 : i32
      %add3A_785 = arith.constant 1 : i32
      %add3A_786 = arith.addi %mul3A_784, %add3A_785 : i32
      %get3A_787 = arith.index_cast %add3A_786 : i32 to index
      %get3A_788 = arith.constant 0 : index
      %get3A_789 = tpu.vector_load %arg9[%get3A_787, %get3A_788] {strides = array<i32>} : memref<200x64xf32, #tpu.memory_space<vmem>>, vector<16xf32>,
      %get3A_790 = arith.index_cast %add3A_786 : i32 to index
      %get3A_791 = arith.constant 16 : index
      %get3A_792 = tpu.vector_load %arg9[%get3A_790, %get3A_791] {strides = array<i32>} : memref<200x64xf32, #tpu.memory_space<vmem>>, vector<16xf32>,
      %get3A_793 = arith.index_cast %add3A_786 : i32 to index
      %get3A_794 = arith.constant 32 : index
      %get3A_795 = tpu.vector_load %arg9[%get3A_793, %get3A_794] {strides = array<i32>} : memref<200x64xf32, #tpu.memory_space<vmem>>, vector<16xf32>,
      %get3A_796 = arith.index_cast %add3A_786 : i32 to index
      %get3A_797 = arith.constant 48 : index
      %get3A_798 = tpu.vector_load %arg9[%get3A_796, %get3A_797] {strides = array<i32>} : memref<200x64xf32, #tpu.memory_space<vmem>>, vector<16xf32>,
      %parallel_loop3A_799 = arith.constant 0 : i32
      %parallel_loop3A_800 = arith.constant 128 : i32
      %parallel_loop3A_801 = arith.constant 1 : i32
      scf.for %parallel_loop3A_834 = %parallel_loop3A_799 to %parallel_loop3A_800 step %parallel_loop3A_801  : i32 {
        %parallel_loop3A_835 = vector.broadcast %parallel_loop3A_834 : i32 to vector<16xi32>
        %parallel_loop3A_836 = arith.constant 128 : i32
        %parallel_loop3A_837 = arith.addi %parallel_loop3A_836, %parallel_loop3A_834 : i32
        %parallel_loop3A_838 = arith.constant 1 : i32
        %parallel_loop3A_839 = arith.index_cast %parallel_loop3A_838 : i32 to index
        %parallel_loop3A_840 = arith.index_cast %parallel_loop3A_837 : i32 to index
        %parallel_loop3A_841 = arith.constant 0 : index
        %parallel_loop3A_842 = tpu.vector_load %arg7[%parallel_loop3A_839, %parallel_loop3A_840, %parallel_loop3A_841] {strides = array<i32>} : memref<2x256x64xf32, #tpu.memory_space<vmem>>, vector<16xf32>,
        %parallel_loop3A_843 = arith.addf %parallel_loop3A_842, %get3A_789 : vector<16xf32>
        %parallel_loop3A_844 = arith.constant 1 : i32
        %parallel_loop3A_845 = arith.constant 1 : i32
        %parallel_loop3A_846 = arith.constant 0 : i32
        %parallel_loop3A_847 = arith.constant 0 : i32
        %parallel_loop3A_848 = arith.constant 0 : i32
        %parallel_loop3A_849 = arith.constant 0 : i32
        %parallel_loop3A_850 = tpu.memref_slice %arg8[%parallel_loop3A_844, %parallel_loop3A_845, %parallel_loop3A_846, %parallel_loop3A_847, %parallel_loop3A_848, %parallel_loop3A_849] : memref<2x2x8x1x8x129xf32, #tpu.memory_space<vmem>> -> memref<1x1x8x1x8x129xf32, #tpu.memory_space<vmem>>
        %parallel_loop3A_851 = tpu.memref_squeeze %parallel_loop3A_850 : memref<1x1x8x1x8x129xf32, #tpu.memory_space<vmem>> -> memref<8x1x8x129xf32, #tpu.memory_space<vmem>>
        tpu.vector_store_idx %parallel_loop3A_851[%select_n3A, %broadcast_in_dim3A_227, %select_n3A_151, %parallel_loop3A_835], %parallel_loop3A_843 : memref<8x1x8x129xf32, #tpu.memory_space<vmem>>[vector<16xi32>, vector<16xi32>, vector<16xi32>, vector<16xi32>], vector<16xf32>,
        %parallel_loop3A_852 = arith.constant 128 : i32
        %parallel_loop3A_853 = arith.addi %parallel_loop3A_852, %parallel_loop3A_834 : i32
        %parallel_loop3A_854 = arith.constant 1 : i32
        %parallel_loop3A_855 = arith.index_cast %parallel_loop3A_854 : i32 to index
        %parallel_loop3A_856 = arith.index_cast %parallel_loop3A_853 : i32 to index
        %parallel_loop3A_857 = arith.constant 16 : index
        %parallel_loop3A_858 = tpu.vector_load %arg7[%parallel_loop3A_855, %parallel_loop3A_856, %parallel_loop3A_857] {strides = array<i32>} : memref<2x256x64xf32, #tpu.memory_space<vmem>>, vector<16xf32>,
        %parallel_loop3A_859 = arith.addf %parallel_loop3A_858, %get3A_792 : vector<16xf32>
        %parallel_loop3A_860 = arith.constant 1 : i32
        %parallel_loop3A_861 = arith.constant 1 : i32
        %parallel_loop3A_862 = arith.constant 0 : i32
        %parallel_loop3A_863 = arith.constant 0 : i32
        %parallel_loop3A_864 = arith.constant 0 : i32
        %parallel_loop3A_865 = arith.constant 0 : i32
        %parallel_loop3A_866 = tpu.memref_slice %arg8[%parallel_loop3A_860, %parallel_loop3A_861, %parallel_loop3A_862, %parallel_loop3A_863, %parallel_loop3A_864, %parallel_loop3A_865] : memref<2x2x8x1x8x129xf32, #tpu.memory_space<vmem>> -> memref<1x1x8x1x8x129xf32, #tpu.memory_space<vmem>>
        %parallel_loop3A_867 = tpu.memref_squeeze %parallel_loop3A_866 : memref<1x1x8x1x8x129xf32, #tpu.memory_space<vmem>> -> memref<8x1x8x129xf32, #tpu.memory_space<vmem>>
        tpu.vector_store_idx %parallel_loop3A_867[%select_n3A_60, %broadcast_in_dim3A_227, %select_n3A_176, %parallel_loop3A_835], %parallel_loop3A_859 : memref<8x1x8x129xf32, #tpu.memory_space<vmem>>[vector<16xi32>, vector<16xi32>, vector<16xi32>, vector<16xi32>], vector<16xf32>,
        %parallel_loop3A_868 = arith.constant 128 : i32
        %parallel_loop3A_869 = arith.addi %parallel_loop3A_868, %parallel_loop3A_834 : i32
        %parallel_loop3A_870 = arith.constant 1 : i32
        %parallel_loop3A_871 = arith.index_cast %parallel_loop3A_870 : i32 to index
        %parallel_loop3A_872 = arith.index_cast %parallel_loop3A_869 : i32 to index
        %parallel_loop3A_873 = arith.constant 32 : index
        %parallel_loop3A_874 = tpu.vector_load %arg7[%parallel_loop3A_871, %parallel_loop3A_872, %parallel_loop3A_873] {strides = array<i32>} : memref<2x256x64xf32, #tpu.memory_space<vmem>>, vector<16xf32>,
        %parallel_loop3A_875 = arith.addf %parallel_loop3A_874, %get3A_795 : vector<16xf32>
        %parallel_loop3A_876 = arith.constant 1 : i32
        %parallel_loop3A_877 = arith.constant 1 : i32
        %parallel_loop3A_878 = arith.constant 0 : i32
        %parallel_loop3A_879 = arith.constant 0 : i32
        %parallel_loop3A_880 = arith.constant 0 : i32
        %parallel_loop3A_881 = arith.constant 0 : i32
        %parallel_loop3A_882 = tpu.memref_slice %arg8[%parallel_loop3A_876, %parallel_loop3A_877, %parallel_loop3A_878, %parallel_loop3A_879, %parallel_loop3A_880, %parallel_loop3A_881] : memref<2x2x8x1x8x129xf32, #tpu.memory_space<vmem>> -> memref<1x1x8x1x8x129xf32, #tpu.memory_space<vmem>>
        %parallel_loop3A_883 = tpu.memref_squeeze %parallel_loop3A_882 : memref<1x1x8x1x8x129xf32, #tpu.memory_space<vmem>> -> memref<8x1x8x129xf32, #tpu.memory_space<vmem>>
        tpu.vector_store_idx %parallel_loop3A_883[%select_n3A_94, %broadcast_in_dim3A_227, %select_n3A_201, %parallel_loop3A_835], %parallel_loop3A_875 : memref<8x1x8x129xf32, #tpu.memory_space<vmem>>[vector<16xi32>, vector<16xi32>, vector<16xi32>, vector<16xi32>], vector<16xf32>,
        %parallel_loop3A_884 = arith.constant 128 : i32
        %parallel_loop3A_885 = arith.addi %parallel_loop3A_884, %parallel_loop3A_834 : i32
        %parallel_loop3A_886 = arith.constant 1 : i32
        %parallel_loop3A_887 = arith.index_cast %parallel_loop3A_886 : i32 to index
        %parallel_loop3A_888 = arith.index_cast %parallel_loop3A_885 : i32 to index
        %parallel_loop3A_889 = arith.constant 48 : index
        %parallel_loop3A_890 = tpu.vector_load %arg7[%parallel_loop3A_887, %parallel_loop3A_888, %parallel_loop3A_889] {strides = array<i32>} : memref<2x256x64xf32, #tpu.memory_space<vmem>>, vector<16xf32>,
        %parallel_loop3A_891 = arith.addf %parallel_loop3A_890, %get3A_798 : vector<16xf32>
        %parallel_loop3A_892 = arith.constant 1 : i32
        %parallel_loop3A_893 = arith.constant 1 : i32
        %parallel_loop3A_894 = arith.constant 0 : i32
        %parallel_loop3A_895 = arith.constant 0 : i32
        %parallel_loop3A_896 = arith.constant 0 : i32
        %parallel_loop3A_897 = arith.constant 0 : i32
        %parallel_loop3A_898 = tpu.memref_slice %arg8[%parallel_loop3A_892, %parallel_loop3A_893, %parallel_loop3A_894, %parallel_loop3A_895, %parallel_loop3A_896, %parallel_loop3A_897] : memref<2x2x8x1x8x129xf32, #tpu.memory_space<vmem>> -> memref<1x1x8x1x8x129xf32, #tpu.memory_space<vmem>>
        %parallel_loop3A_899 = tpu.memref_squeeze %parallel_loop3A_898 : memref<1x1x8x1x8x129xf32, #tpu.memory_space<vmem>> -> memref<8x1x8x129xf32, #tpu.memory_space<vmem>>
        tpu.vector_store_idx %parallel_loop3A_899[%select_n3A_128, %broadcast_in_dim3A_227, %select_n3A_226, %parallel_loop3A_835], %parallel_loop3A_891 : memref<8x1x8x129xf32, #tpu.memory_space<vmem>>[vector<16xi32>, vector<16xi32>, vector<16xi32>, vector<16xi32>], vector<16xf32>,
      } {sc.loop_unroll_factor = 4 : i64, sc.parallel_access}
      %add3A_802 = arith.constant 2 : i32
      %add3A_803 = arith.addi %add3A_708, %add3A_802 : i32
      %lt3A_804 = arith.constant 100 : i32
      %lt3A_805 = arith.cmpi slt, %add3A_803, %lt3A_804 : i32
      %convert_element_type3A_806 = arith.extui %lt3A_805 : i1 to i32
      %cond3A_807 = arith.constant 0 : i32
      %cond3A_808 = arith.cmpi ne, %convert_element_type3A_806, %cond3A_807 : i32
      scf.if %cond3A_808 {
        %add3A_834 = arith.constant 2 : i32
        %add3A_835 = arith.addi %add3A_708, %add3A_834 : i32
        %mul3A_836 = arith.constant 2 : i32
        %mul3A_837 = arith.muli %mul3A_836, %add3A_835 : i32
        %add3A_838 = arith.constant 0 : i32
        %add3A_839 = arith.addi %mul3A_837, %add3A_838 : i32
        %jit3A_840 = arith.constant 8 : i32
        %div3A_841 = arith.divsi %add3A_839, %jit3A_840 : i32
        %sign3A_842 = arith.constant 0 : i32
        %sign3A_843 = arith.cmpi sgt, %add3A_839, %sign3A_842 : i32
        %sign3A_844 = arith.extui %sign3A_843 : i1 to i32
        %sign3A_845 = arith.constant 0 : i32
        %sign3A_846 = arith.cmpi slt, %add3A_839, %sign3A_845 : i32
        %sign3A_847 = arith.extui %sign3A_846 : i1 to i32
        %sign3A_848 = arith.subi %sign3A_844, %sign3A_847 : i32
        %sign3A_849 = arith.constant 0 : i32
        %sign3A_850 = arith.cmpi sgt, %jit3A_840, %sign3A_849 : i32
        %sign3A_851 = arith.extui %sign3A_850 : i1 to i32
        %sign3A_852 = arith.constant 0 : i32
        %sign3A_853 = arith.cmpi slt, %jit3A_840, %sign3A_852 : i32
        %sign3A_854 = arith.extui %sign3A_853 : i1 to i32
        %sign3A_855 = arith.subi %sign3A_851, %sign3A_854 : i32
        %ne3A_856 = arith.cmpi ne, %sign3A_848, %sign3A_855 : i32
        %rem3A_857 = arith.remsi %add3A_839, %jit3A_840 : i32
        %ne3A_858 = arith.constant 0 : i32
        %ne3A_859 = arith.cmpi ne, %rem3A_857, %ne3A_858 : i32
        %and3A_860 = arith.andi %ne3A_856, %ne3A_859 : i1
        %sub3A_861 = arith.constant 1 : i32
        %sub3A_862 = arith.subi %div3A_841, %sub3A_861 : i32
        %select_n3A_863 = arith.select %and3A_860, %sub3A_862, %div3A_841 : i32
        %jit3A_864 = arith.constant 8 : i32
        %eq3A_865 = arith.constant 0 : i32
        %eq3A_866 = arith.cmpi eq, %jit3A_864, %eq3A_865 : i32
        %jit3A_867 = arith.constant 1 : i32
        %select_n3A_868 = arith.select %eq3A_866, %jit3A_867, %jit3A_864 : i32
        %rem3A_869 = arith.remsi %add3A_839, %select_n3A_868 : i32
        %ne3A_870 = arith.constant 0 : i32
        %ne3A_871 = arith.cmpi ne, %rem3A_869, %ne3A_870 : i32
        %lt3A_872 = arith.constant 0 : i32
        %lt3A_873 = arith.cmpi slt, %rem3A_869, %lt3A_872 : i32
        %lt3A_874 = arith.constant 0 : i32
        %lt3A_875 = arith.cmpi slt, %select_n3A_868, %lt3A_874 : i32
        %ne3A_876 = arith.xori %lt3A_873, %lt3A_875 : i1
        %and3A_877 = arith.andi %ne3A_876, %ne3A_871 : i1
        %add3A_878 = arith.addi %rem3A_869, %select_n3A_868 : i32
        %select_n3A_879 = arith.select %and3A_877, %add3A_878, %rem3A_869 : i32
        %dma_start3A_880 = arith.constant 0 : i32
        %dma_start3A_881 = arith.constant 1 : i32
        %dma_start3A_882 = arith.constant 0 : i32
        %dma_start3A_883 = arith.constant 0 : i32
        %dma_start3A_884 = tpu.memref_slice %arg7[%dma_start3A_881, %dma_start3A_882, %dma_start3A_883] : memref<2x256x64xf32, #tpu.memory_space<vmem>> -> memref<1x128x64xf32, #tpu.memory_space<vmem>>
        %dma_start3A_885 = tpu.memref_squeeze %dma_start3A_884 : memref<1x128x64xf32, #tpu.memory_space<vmem>> -> memref<128x64xf32, #tpu.memory_space<vmem>>
        %dma_start3A_886 = arith.constant 0 : i32
        %dma_start3A_887 = tpu.memref_slice %arg6[%select_n3A_863, %dma_start3A_880, %select_n3A_879, %dma_start3A_886] : memref<25x1x8x128xi32, #tpu.memory_space<vmem>> -> memref<1x1x1x128xi32, #tpu.memory_space<vmem>>
        %dma_start3A_888 = tpu.memref_squeeze %dma_start3A_887 : memref<1x1x1x128xi32, #tpu.memory_space<vmem>> -> memref<128xi32, #tpu.memory_space<vmem>>
        %dma_start3A_889 = arith.constant 0 : i32
        %dma_start3A_890 = arith.constant 0 : i32
        %dma_start3A_891 = tpu.memref_slice %arg3[%dma_start3A_889, %dma_start3A_890] : memref<100000x64xf32, #tpu.memory_space<hbm>> -> memref<100000x64xf32, #tpu.memory_space<hbm>>
        tpu.enqueue_indirect_dma source(%dma_start3A_891 : memref<100000x64xf32, #tpu.memory_space<hbm>>) target(%dma_start3A_885 : memref<128x64xf32, #tpu.memory_space<vmem>>) offsets(%dma_start3A_888 : memref<128xi32, #tpu.memory_space<vmem>>) semaphore(%arg11 : memref<!tpu.dma_semaphore, #tpu.memory_space<semaphore_mem>>)
        %mul3A_892 = arith.constant 2 : i32
        %mul3A_893 = arith.muli %mul3A_892, %add3A_835 : i32
        %add3A_894 = arith.constant 1 : i32
        %add3A_895 = arith.addi %mul3A_893, %add3A_894 : i32
        %jit3A_896 = arith.constant 8 : i32
        %div3A_897 = arith.divsi %add3A_895, %jit3A_896 : i32
        %sign3A_898 = arith.constant 0 : i32
        %sign3A_899 = arith.cmpi sgt, %add3A_895, %sign3A_898 : i32
        %sign3A_900 = arith.extui %sign3A_899 : i1 to i32
        %sign3A_901 = arith.constant 0 : i32
        %sign3A_902 = arith.cmpi slt, %add3A_895, %sign3A_901 : i32
        %sign3A_903 = arith.extui %sign3A_902 : i1 to i32
        %sign3A_904 = arith.subi %sign3A_900, %sign3A_903 : i32
        %sign3A_905 = arith.constant 0 : i32
        %sign3A_906 = arith.cmpi sgt, %jit3A_896, %sign3A_905 : i32
        %sign3A_907 = arith.extui %sign3A_906 : i1 to i32
        %sign3A_908 = arith.constant 0 : i32
        %sign3A_909 = arith.cmpi slt, %jit3A_896, %sign3A_908 : i32
        %sign3A_910 = arith.extui %sign3A_909 : i1 to i32
        %sign3A_911 = arith.subi %sign3A_907, %sign3A_910 : i32
        %ne3A_912 = arith.cmpi ne, %sign3A_904, %sign3A_911 : i32
        %rem3A_913 = arith.remsi %add3A_895, %jit3A_896 : i32
        %ne3A_914 = arith.constant 0 : i32
        %ne3A_915 = arith.cmpi ne, %rem3A_913, %ne3A_914 : i32
        %and3A_916 = arith.andi %ne3A_912, %ne3A_915 : i1
        %sub3A_917 = arith.constant 1 : i32
        %sub3A_918 = arith.subi %div3A_897, %sub3A_917 : i32
        %select_n3A_919 = arith.select %and3A_916, %sub3A_918, %div3A_897 : i32
        %jit3A_920 = arith.constant 8 : i32
        %eq3A_921 = arith.constant 0 : i32
        %eq3A_922 = arith.cmpi eq, %jit3A_920, %eq3A_921 : i32
        %jit3A_923 = arith.constant 1 : i32
        %select_n3A_924 = arith.select %eq3A_922, %jit3A_923, %jit3A_920 : i32
        %rem3A_925 = arith.remsi %add3A_895, %select_n3A_924 : i32
        %ne3A_926 = arith.constant 0 : i32
        %ne3A_927 = arith.cmpi ne, %rem3A_925, %ne3A_926 : i32
        %lt3A_928 = arith.constant 0 : i32
        %lt3A_929 = arith.cmpi slt, %rem3A_925, %lt3A_928 : i32
        %lt3A_930 = arith.constant 0 : i32
        %lt3A_931 = arith.cmpi slt, %select_n3A_924, %lt3A_930 : i32
        %ne3A_932 = arith.xori %lt3A_929, %lt3A_931 : i1
        %and3A_933 = arith.andi %ne3A_932, %ne3A_927 : i1
        %add3A_934 = arith.addi %rem3A_925, %select_n3A_924 : i32
        %select_n3A_935 = arith.select %and3A_933, %add3A_934, %rem3A_925 : i32
        %dma_start3A_936 = arith.constant 0 : i32
        %dma_start3A_937 = arith.constant 1 : i32
        %dma_start3A_938 = arith.constant 128 : i32
        %dma_start3A_939 = arith.constant 0 : i32
        %dma_start3A_940 = tpu.memref_slice %arg7[%dma_start3A_937, %dma_start3A_938, %dma_start3A_939] : memref<2x256x64xf32, #tpu.memory_space<vmem>> -> memref<1x128x64xf32, #tpu.memory_space<vmem>>
        %dma_start3A_941 = tpu.memref_squeeze %dma_start3A_940 : memref<1x128x64xf32, #tpu.memory_space<vmem>> -> memref<128x64xf32, #tpu.memory_space<vmem>>
        %dma_start3A_942 = arith.constant 0 : i32
        %dma_start3A_943 = tpu.memref_slice %arg6[%select_n3A_919, %dma_start3A_936, %select_n3A_935, %dma_start3A_942] : memref<25x1x8x128xi32, #tpu.memory_space<vmem>> -> memref<1x1x1x128xi32, #tpu.memory_space<vmem>>
        %dma_start3A_944 = tpu.memref_squeeze %dma_start3A_943 : memref<1x1x1x128xi32, #tpu.memory_space<vmem>> -> memref<128xi32, #tpu.memory_space<vmem>>
        %dma_start3A_945 = arith.constant 0 : i32
        %dma_start3A_946 = arith.constant 0 : i32
        %dma_start3A_947 = tpu.memref_slice %arg3[%dma_start3A_945, %dma_start3A_946] : memref<100000x64xf32, #tpu.memory_space<hbm>> -> memref<100000x64xf32, #tpu.memory_space<hbm>>
        tpu.enqueue_indirect_dma source(%dma_start3A_947 : memref<100000x64xf32, #tpu.memory_space<hbm>>) target(%dma_start3A_941 : memref<128x64xf32, #tpu.memory_space<vmem>>) offsets(%dma_start3A_944 : memref<128xi32, #tpu.memory_space<vmem>>) semaphore(%arg11 : memref<!tpu.dma_semaphore, #tpu.memory_space<semaphore_mem>>)
      } else {
      }
      %mul3A_809 = arith.constant 2 : i32
      %mul3A_810 = arith.muli %mul3A_809, %add3A_708 : i32
      %dma_start3A_811 = arith.constant 1 : i32
      %dma_start3A_812 = arith.constant 0 : i32
      %dma_start3A_813 = arith.constant 0 : i32
      %dma_start3A_814 = arith.constant 0 : i32
      %dma_start3A_815 = arith.constant 0 : i32
      %dma_start3A_816 = arith.constant 0 : i32
      %dma_start3A_817 = tpu.memref_slice %arg8[%dma_start3A_811, %dma_start3A_812, %dma_start3A_813, %dma_start3A_814, %dma_start3A_815, %dma_start3A_816] : memref<2x2x8x1x8x129xf32, #tpu.memory_space<vmem>> -> memref<1x2x8x1x8x128xf32, #tpu.memory_space<vmem>>
      %dma_start3A_818 = tpu.memref_squeeze %dma_start3A_817 : memref<1x2x8x1x8x128xf32, #tpu.memory_space<vmem>> -> memref<2x8x1x8x128xf32, #tpu.memory_space<vmem>>
      %dma_start3A_819 = arith.constant 0 : i32
      %dma_start3A_820 = arith.constant 0 : i32
      %dma_start3A_821 = arith.constant 0 : i32
      %dma_start3A_822 = tpu.memref_slice %arg5[%mul3A_810, %dma_start3A_819, %add3A, %dma_start3A_820, %dma_start3A_821] : memref<200x8x32x8x128xf32, #tpu.memory_space<hbm>> -> memref<2x8x1x8x128xf32, #tpu.memory_space<hbm>>
      %dma_start3A_823 = arith.constant 0 : i32
      %dma_start3A_824 = arith.constant 0 : i32
      %dma_start3A_825 = arith.constant 0 : i32
      %dma_start3A_826 = tpu.memref_slice %arg5[%mul3A_810, %dma_start3A_823, %add3A, %dma_start3A_824, %dma_start3A_825] : memref<200x8x32x8x128xf32, #tpu.memory_space<hbm>> -> memref<2x8x1x8x128xf32, #tpu.memory_space<hbm>>
      %dma_start3A_827 = arith.constant 0 : i32
      %dma_start3A_828 = arith.constant 0 : i32
      %dma_start3A_829 = arith.constant 0 : i32
      %dma_start3A_830 = arith.constant 0 : i32
      %dma_start3A_831 = arith.constant 0 : i32
      %dma_start3A_832 = tpu.memref_slice %arg8[%dma_start3A_811, %dma_start3A_827, %dma_start3A_828, %dma_start3A_829, %dma_start3A_830, %dma_start3A_831] : memref<2x2x8x1x8x129xf32, #tpu.memory_space<vmem>> -> memref<1x2x8x1x8x128xf32, #tpu.memory_space<vmem>>
      %dma_start3A_833 = tpu.memref_squeeze %dma_start3A_832 : memref<1x2x8x1x8x128xf32, #tpu.memory_space<vmem>> -> memref<2x8x1x8x128xf32, #tpu.memory_space<vmem>>
      tpu.enqueue_dma source(%dma_start3A_833 : memref<2x8x1x8x128xf32, #tpu.memory_space<vmem>>) target(%dma_start3A_826 : memref<2x8x1x8x128xf32, #tpu.memory_space<hbm>>) target_semaphore(%arg13 : memref<!tpu.dma_semaphore, #tpu.memory_space<semaphore_mem>>)
    }
    %scan3A_522 = arith.constant 49 : i32
    %dma_wait3A_523 = arith.constant 0 : i32
    %dma_wait3A_524 = arith.constant 0 : i32
    %dma_wait3A_525 = arith.constant 0 : i32
    %dma_wait3A_526 = arith.constant 0 : i32
    %dma_wait3A_527 = arith.constant 0 : i32
    %dma_wait3A_528 = arith.constant 0 : i32
    %dma_wait3A_529 = tpu.memref_slice %arg8[%dma_wait3A_523, %dma_wait3A_524, %dma_wait3A_525, %dma_wait3A_526, %dma_wait3A_527, %dma_wait3A_528] : memref<2x2x8x1x8x129xf32, #tpu.memory_space<vmem>> -> memref<1x2x8x1x8x128xf32, #tpu.memory_space<vmem>>
    %dma_wait3A_530 = tpu.memref_squeeze %dma_wait3A_529 : memref<1x2x8x1x8x128xf32, #tpu.memory_space<vmem>> -> memref<2x8x1x8x128xf32, #tpu.memory_space<vmem>>
    %dma_wait3A_531 = arith.constant 0 : i32
    %dma_wait3A_532 = arith.constant 0 : i32
    %dma_wait3A_533 = arith.constant 0 : i32
    %dma_wait3A_534 = arith.constant 0 : i32
    %dma_wait3A_535 = arith.constant 0 : i32
    %dma_wait3A_536 = tpu.memref_slice %arg5[%dma_wait3A_531, %dma_wait3A_532, %dma_wait3A_533, %dma_wait3A_534, %dma_wait3A_535] : memref<200x8x32x8x128xf32, #tpu.memory_space<hbm>> -> memref<2x8x1x8x128xf32, #tpu.memory_space<hbm>>
    %dma_wait3A_537 = arith.constant 0 : i32
    %dma_wait3A_538 = arith.constant 0 : i32
    %dma_wait3A_539 = arith.constant 0 : i32
    %dma_wait3A_540 = arith.constant 0 : i32
    %dma_wait3A_541 = arith.constant 0 : i32
    %dma_wait3A_542 = tpu.memref_slice %arg5[%dma_wait3A_537, %dma_wait3A_538, %dma_wait3A_539, %dma_wait3A_540, %dma_wait3A_541] : memref<200x8x32x8x128xf32, #tpu.memory_space<hbm>> -> memref<2x8x1x8x128xf32, #tpu.memory_space<hbm>>
    %dma_wait3A_543 = arith.constant 0 : i32
    %dma_wait3A_544 = arith.constant 0 : i32
    %dma_wait3A_545 = arith.constant 0 : i32
    %dma_wait3A_546 = arith.constant 0 : i32
    %dma_wait3A_547 = arith.constant 0 : i32
    %dma_wait3A_548 = tpu.memref_slice %arg8[%dma_wait3A_523, %dma_wait3A_543, %dma_wait3A_544, %dma_wait3A_545, %dma_wait3A_546, %dma_wait3A_547] : memref<2x2x8x1x8x129xf32, #tpu.memory_space<vmem>> -> memref<1x2x8x1x8x128xf32, #tpu.memory_space<vmem>>
    %dma_wait3A_549 = tpu.memref_squeeze %dma_wait3A_548 : memref<1x2x8x1x8x128xf32, #tpu.memory_space<vmem>> -> memref<2x8x1x8x128xf32, #tpu.memory_space<vmem>>
    tpu.wait_dma2 semaphore(%arg12 : memref<!tpu.dma_semaphore, #tpu.memory_space<semaphore_mem>>) src(%dma_wait3A_549 : memref<2x8x1x8x128xf32, #tpu.memory_space<vmem>>) dst(%dma_wait3A_542 : memref<2x8x1x8x128xf32, #tpu.memory_space<hbm>>)
    %dma_wait3A_550 = arith.constant 1 : i32
    %dma_wait3A_551 = arith.constant 0 : i32
    %dma_wait3A_552 = arith.constant 0 : i32
    %dma_wait3A_553 = arith.constant 0 : i32
    %dma_wait3A_554 = arith.constant 0 : i32
    %dma_wait3A_555 = arith.constant 0 : i32
    %dma_wait3A_556 = tpu.memref_slice %arg8[%dma_wait3A_550, %dma_wait3A_551, %dma_wait3A_552, %dma_wait3A_553, %dma_wait3A_554, %dma_wait3A_555] : memref<2x2x8x1x8x129xf32, #tpu.memory_space<vmem>> -> memref<1x2x8x1x8x128xf32, #tpu.memory_space<vmem>>
    %dma_wait3A_557 = tpu.memref_squeeze %dma_wait3A_556 : memref<1x2x8x1x8x128xf32, #tpu.memory_space<vmem>> -> memref<2x8x1x8x128xf32, #tpu.memory_space<vmem>>
    %dma_wait3A_558 = arith.constant 0 : i32
    %dma_wait3A_559 = arith.constant 0 : i32
    %dma_wait3A_560 = arith.constant 0 : i32
    %dma_wait3A_561 = arith.constant 0 : i32
    %dma_wait3A_562 = arith.constant 0 : i32
    %dma_wait3A_563 = tpu.memref_slice %arg5[%dma_wait3A_558, %dma_wait3A_559, %dma_wait3A_560, %dma_wait3A_561, %dma_wait3A_562] : memref<200x8x32x8x128xf32, #tpu.memory_space<hbm>> -> memref<2x8x1x8x128xf32, #tpu.memory_space<hbm>>
    %dma_wait3A_564 = arith.constant 0 : i32
    %dma_wait3A_565 = arith.constant 0 : i32
    %dma_wait3A_566 = arith.constant 0 : i32
    %dma_wait3A_567 = arith.constant 0 : i32
    %dma_wait3A_568 = arith.constant 0 : i32
    %dma_wait3A_569 = tpu.memref_slice %arg5[%dma_wait3A_564, %dma_wait3A_565, %dma_wait3A_566, %dma_wait3A_567, %dma_wait3A_568] : memref<200x8x32x8x128xf32, #tpu.memory_space<hbm>> -> memref<2x8x1x8x128xf32, #tpu.memory_space<hbm>>
    %dma_wait3A_570 = arith.constant 0 : i32
    %dma_wait3A_571 = arith.constant 0 : i32
    %dma_wait3A_572 = arith.constant 0 : i32
    %dma_wait3A_573 = arith.constant 0 : i32
    %dma_wait3A_574 = arith.constant 0 : i32
    %dma_wait3A_575 = tpu.memref_slice %arg8[%dma_wait3A_550, %dma_wait3A_570, %dma_wait3A_571, %dma_wait3A_572, %dma_wait3A_573, %dma_wait3A_574] : memref<2x2x8x1x8x129xf32, #tpu.memory_space<vmem>> -> memref<1x2x8x1x8x128xf32, #tpu.memory_space<vmem>>
    %dma_wait3A_576 = tpu.memref_squeeze %dma_wait3A_575 : memref<1x2x8x1x8x128xf32, #tpu.memory_space<vmem>> -> memref<2x8x1x8x128xf32, #tpu.memory_space<vmem>>
    tpu.wait_dma2 semaphore(%arg13 : memref<!tpu.dma_semaphore, #tpu.memory_space<semaphore_mem>>) src(%dma_wait3A_576 : memref<2x8x1x8x128xf32, #tpu.memory_space<vmem>>) dst(%dma_wait3A_569 : memref<2x8x1x8x128xf32, #tpu.memory_space<hbm>>)
    return
  }
}

</mosaic_0001>

<sc_bundles>
// kernel: _run.3.cloned.1.call-start
scs
__scs_entry_jumppad:
0x0: {  	(pc) =	sbr.rel $0x88, $3  }
0x1: {  	(tag) =	ssettag $0x0;
	lr =	simm.s32 $0x1  }
0x2: {  	[smem:$0x3F9E] =	sst lr;
	_ =	strace $0xD0000000  }
0x3: {  	_ = 	snop  }
0x4: {  	_ = 	snop  }
0x5: {  	_ = 	snop  }
0x6: {  	_ = 	snop  }
0x7: {  	_ = 	snop  }
__scs_overlays_trampoline_lowered:
0x8: {  	[smem:$0x3FAD] =	sst s0  }
0x9: {  	[smem:$0x3FAE] =	sst s1  }
0xa: {  	[smem:$0x3FAF] =	sst s2  }
0xb: {  	[smem:$0x3FB0] =	sst s3  }
0xc: {  	[smem:$0x3FB1] =	sst s4  }
0xd: {  	[smem:$0x3FB2] =	sst s5  }
0xe: {  	[smem:$0x3FB3] =	sst s6  }
0xf: {  	[smem:$0x3FB4] =	sst s7  }
0x10: {  	[smem:$0x3FB5] =	sst s8  }
0x11: {  	[smem:$0x3FB6] =	sst s9;
	s0 =	simm.s32 @!p0 $0x0  }
0x12: {  	s1 =	sld [smem:$0x3F9C];
	s0 =	simm.s32 @p0 $0x1  }
0x13: {  	[smem:$0x3FB7] =	sst s0;
	s0 =	simm.s32 @!p1 $0x0  }
0x14: {  	s2 =	sld [smem:$0x3F9B];
	s0 =	simm.s32 @p1 $0x1  }
0x15: {  	[smem:$0x3FB8] =	sst s0;
	s0 =	simm.s32 @!p2 $0x0  }
0x16: {  	s3 =	sld [smem:$0x3FDB];
	s0 =	simm.s32 @p2 $0x1  }
0x17: {  	s4 =	simm.s32 $0x1BF5;
	[smem:$0x3FBA] =	sst s0  }
0x18: {  	s0 =	sld [smem:$0x3F9D];
	_ =	swait.ge [sflag:s4], $0x0  }
0x19: {  	s7 =	sld [smem:$0x3F9E]  }
0x1a: {  	s8 =	sadd.s32 $0xFFFFE003, lr  }
0x1b: {  	s9 =	sadd.s32 $0xFFFFFEF7, lr;
	s5 =	simm.s32 $0xFFFFFFFF;
	p2 =	slt.u32 s8, $0xFFFFF086  }
0x1c: {  	p1 =	slt.u32 s9, $0xF7A;
	s5 =	simm.s32 @!p2 $0x0  }
0x1d: {  	s5 =	simm.s32 @p1 $0x1;
	p0 =	seq.s32 s7, s2  }
0x1e: {  	s7 =	smul.u32 @!p0 $0xF7A, s2;
	p2 =	seq.s32 @!p0 s5, $0x0  }
0x1f: {  	s9 =	smul.u32 $0xF7A, s1;
	s8 =	simm.s32 @!p0 $0x1BF5;
	p2 =	por !p2, p0  }
0x20: {  	[sflag:s8] =	ssyncset.s32 @!p0 $0xFFFFF086;
	s6 =	sadd.s32 @!p0 s3, s7;
	s7 =	simm.s32 @!p0 $0x108  }
0x21: {  	s3 =	sadd.s32 s3, s9;
	s6 =	sadd.s32 @!p0 $0x88, s6;
	s7 =	simm.s32 @p2 $0x1082  }
0x22: {  	[simem:s7], [sflag:s8] =	dma.local @!p0 [hbm:s6], $0xF7A  }
0x23: {  	s9 =	sor.u32 $0xD0000000, s2;
	s6 =	simm.s32 $0x108;
	_ =	swait.ge @!p0 [sflag:s8], $0x0  }
0x24: {  	s3 =	sadd.s32 $0x88, s3;
	s6 =	simm.s32 @!p1 $0x1082;
	[sflag:s4] =	ssyncset.s32 $0xFFFFF086  }
0x25: {  	[simem:s6], [sflag:s4] =	dma.local [hbm:s3], $0xF7A  }
0x26: {  	[smem:$0x3F9E] =	sst s1;
	(tag) =	ssettag s2;
	_ =	strace s9  }
0x27: {  	s1 =	sld [smem:$0x3FAE]  }
0x28: {  	s2 =	sld [smem:$0x3FAF]  }
0x29: {  	s4 =	sld [smem:$0x3FB1]  }
0x2a: {  	p0 =	seq.s32 s5, $0x0;
	s5 =	sld [smem:$0x3FB2]  }
0x2b: {  	s6 =	sld [smem:$0x3FB3]  }
0x2c: {  	s7 =	sld [smem:$0x3FB4]  }
0x2d: {  	s3 =	simm.s32 $0x108;
	s8 =	sld [smem:$0x3FB5]  }
0x2e: {  	s3 =	simm.s32 @!p0 $0x1082;
	s9 =	sld [smem:$0x3FB6]  }
0x2f: {  	lr =	sadd.s32 s0, s3;
	s0 =	sld [smem:$0x3FAD]  }
0x30: {  	s3 =	sld [smem:$0x3FB0]  }
0x31: {  	[smem:$0x3FB9] =	sst s10  }
0x32: {  	s10 =	sld [smem:$0x3FB7];
	_ =	sdelay $0x3  }
0x33: {  	p0 =	seq.s32 s10, $0x1;
	s10 =	sld [smem:$0x3FB9];
	_ =	sdelay $0x3  }
0x34: {  	[smem:$0x3FB9] =	sst s10  }
0x35: {  	s10 =	sld [smem:$0x3FB8];
	_ =	sdelay $0x3  }
0x36: {  	p1 =	seq.s32 s10, $0x1;
	s10 =	sld [smem:$0x3FB9];
	_ =	sdelay $0x3  }
0x37: {  	[smem:$0x3FB9] =	sst s10  }
0x38: {  	s10 =	sld [smem:$0x3FBA]  }
0x39: {  	_ = 	snop;
	(pc) =	sbr.ind lr, $3  }
0x3a: {  	_ = 	snop  }
0x3b: {  	_ = 	snop  }
0x3c: {  	p2 =	seq.s32 s10, $0x1;
	s10 =	sld [smem:$0x3FB9]  }
0x3d: {  	_ =	shalt  }
0x3e: {  	_ =	shalt  }
0x3f: {  	_ =	shalt  }
0x40: {  	_ =	shalt  }
0x41: {  	_ =	shalt  }
0x42: {  	_ =	shalt  }
0x43: {  	_ =	shalt  }
0x44: {  	_ =	shalt  }
0x45: {  	_ =	shalt  }
0x46: {  	_ =	shalt  }
0x47: {  	_ =	shalt  }
0x48: {  	_ =	shalt  }
0x49: {  	_ =	shalt  }
0x4a: {  	_ =	shalt  }
0x4b: {  	_ =	shalt  }
0x4c: {  	_ =	shalt  }
0x4d: {  	_ =	shalt  }
0x4e: {  	_ =	shalt  }
0x4f: {  	_ =	shalt  }
0x50: {  	_ =	shalt  }
0x51: {  	_ =	shalt  }
0x52: {  	_ =	shalt  }
0x53: {  	_ =	shalt  }
0x54: {  	_ =	shalt  }
0x55: {  	_ =	shalt  }
0x56: {  	_ =	shalt  }
0x57: {  	_ =	shalt  }
0x58: {  	_ =	shalt  }
0x59: {  	_ =	shalt  }
0x5a: {  	_ =	shalt  }
0x5b: {  	_ =	shalt  }
0x5c: {  	_ =	shalt  }
0x5d: {  	_ =	shalt  }
0x5e: {  	_ =	shalt  }
0x5f: {  	_ =	shalt  }
0x60: {  	_ =	shalt  }
0x61: {  	_ =	shalt  }
0x62: {  	_ =	shalt  }
0x63: {  	_ =	shalt  }
0x64: {  	_ =	shalt  }
0x65: {  	_ =	shalt  }
0x66: {  	_ =	shalt  }
0x67: {  	_ =	shalt  }
0x68: {  	_ =	shalt  }
0x69: {  	_ =	shalt  }
0x6a: {  	_ =	shalt  }
0x6b: {  	_ =	shalt  }
0x6c: {  	_ =	shalt  }
0x6d: {  	_ =	shalt  }
0x6e: {  	_ =	shalt  }
0x6f: {  	_ =	shalt  }
0x70: {  	_ =	shalt  }
0x71: {  	_ =	shalt  }
0x72: {  	_ =	shalt  }
0x73: {  	_ =	shalt  }
0x74: {  	_ =	shalt  }
0x75: {  	_ =	shalt  }
0x76: {  	_ =	shalt  }
0x77: {  	_ =	shalt  }
0x78: {  	_ =	shalt  }
0x79: {  	_ =	shalt  }
0x7a: {  	_ =	shalt  }
0x7b: {  	_ =	shalt  }
0x7c: {  	_ =	shalt  }
0x7d: {  	_ =	shalt  }
0x7e: {  	_ =	shalt  }
0x7f: {  	_ =	shalt  }
0x80: {  	_ =	shalt  }
0x81: {  	_ =	shalt  }
0x82: {  	_ =	shalt  }
0x83: {  	_ =	shalt  }
0x84: {  	_ =	shalt  }
0x85: {  	_ =	shalt  }
0x86: {  	_ =	shalt  }
0x87: {  	_ =	shalt  }
.Lfunc_end0:
.L_simem_size_0:
called_computation_lowered:
.L_overlay_start_0:
0x88: {  	s2 =	sld [smem:$0x3FD9]  }
0x89: {  	s3 =	sld [smem:$0x3FFE];
	_ =	sdelay $0x1  }
0x8a: {  	s1 =	srdreg.scid  }
0x8b: {  	s0 =	sand.u32 $0x1, s1  }
0x8c: {  	s17 =	sshll.u32 s0, $0xA;
	s2 =	sadd.s32 s3, s2  }
0x8d: {  	s2 =	sadd.s32 s2, s17  }
0x8e: {  	[smem:$0x3FC5] =	sst s2  }
0x8f: {  	_ = 	snop  }
0x90: {  	s2 =	sld [smem:$0x3FC9]  }
0x91: {  	s18 =	sld [smem:$0x3FD0];
	(tm) =	ssettm $0x1  }
0x92: {  	s4 =	sld [smem:$0x3FFB];
	_ =	sdelay $0x3  }
0x93: {  	_ =	strace s4  }
0x94: {  	s4 =	sld [smem:$0x3FFC];
	_ =	sdelay $0x3  }
0x95: {  	_ =	strace s4  }
0x96: {  	s4 =	sld [smem:$0x3FFD];
	_ =	sdelay $0x3  }
0x97: {  	_ =	strace s4  }
0x98: {  	_ =	strace $0x8FFFFFFF  }
0x99: {  	s19 =	sld [smem:$0x3FDB];
	_ =	sdelay $0x1  }
0x9a: {  	s5 =	simm.s32 $_scs_section_size  }
0x9b: {  	s6 =	simm.s32 $_size__tile_overlayer_lowered;
	s7 =	simm.s32 $_tile_overlayer_lowered  }
0x9c: {  	s22 =	simm.s32 $0x1BFF;
	s21 =	sshll.u32 s7, $0x1;
	s4 =	sadd.s32 s5, s19  }
0x9d: {  	s8 =	simm.s32 $0x0;
	s20 =	sshll.u32 s6, $0x1;
	s6 =	sadd.s32 s21, s4  }
0x9e: {  	[timem:s8], [sflag:s22] =	dma.local [hbm:s6], s20  }
0x9f: {  	_ =	swait.ge [sflag:s22], s20  }
0xa0: {  	s5 =	ssub.s32 $0x0, s20;
	[sflag:s22] =	ssyncset.done $0x0  }
0xa1: {  	[sflag:s22] =	ssyncadd.s32 s5;
	_ =	sdelay $0x1  }
0xa2: {  	s23 =	simm.s32 $0x1B8B  }
0xa3: {  	_ =	swait.ge [sflag:s23], $0x1  }
0xa4: {  	[sflag:s23] =	ssyncset.done $0x0  }
0xa5: {  	s25 =	simm.s32 $0x1B8E;
	s24 =	sld [smem:$0x3FFE];
	[sflag:s23] =	ssyncadd.s32 $0xFFFFFFFF  }
0xa6: {  	s26 =	simm.s32 $execute0_lowered;
	[smem:$0x3FD2] =	sst s25  }
0xa7: {  	s6 =	sshll.u32 s26, $0x1;
	_ =	strace $0x80000046;
	[dreg:$0x1] =	wrdreg $0xFFFFFFFF  }
0xa8: {  	s28 =	simm.s32 $_size_execute0_lowered;
	s4 =	sadd.s32 s4, s6;
	[dreg:$0x0] =	wrdreg $0x0  }
0xa9: {  	s6 =	sshll.u32 s28, $0x1;
	[dreg:$0x2] =	wrdreg s4  }
0xaa: {  	[dreg:$0x3] =	wrdreg s6  }
0xab: {  	[dreg:$0x4] =	wrdreg $0xC0  }
0xac: {  	_ =	task [dreg:s8], $0x5FFFF  }
0xad: {  	[dreg:$0x1] =	wrdreg $0xFFFFFFFF  }
0xae: {  	[dreg:$0x0] =	wrdreg $0x60  }
0xaf: {  	[dreg:$0x2] =	wrdreg s2  }
0xb0: {  	[dreg:$0x3] =	wrdreg s24  }
0xb1: {  	[dreg:$0x4] =	wrdreg s18  }
0xb2: {  	[dreg:$0x5] =	wrdreg $0x9  }
0xb3: {  	_ =	task.clear_ibuf [dreg:s8], $0x6FFFF;
	_ =	strace $0x90000046  }
0xb4: {  	s29 =	simm.s32 $0x9;
	_ =	strace $0x80000048  }
0xb5: {  	_ =	swait.ge [sflag:s29], $0x1  }
0xb6: {  	[sflag:s29] =	ssyncadd.s32 $0xFFFFFFFF  }
0xb7: {  	_ =	strace $0x90000048  }
0xb8: {  	_ =	sfence  }
0xb9: {  	s30 =	sld [smem:$0x0];
	_ =	sdelay $0x2  }
0xba: {  	s31 =	sshll.u32 s1, $0xD;
	s1 =	sshrl.u32 s1, $0x2  }
0xbb: {  	s3 =	sand.u32 $0x4000, s31;
	s1 =	sadd.s32 s1, s30  }
0xbc: {  	s0 =	sor.u32 s3, s0;
	s1 =	sshll.u32 s1, $0x11  }
0xbd: {  	s0 =	sor.u32 s1, s0  }
0xbe: {  	s0 =	sadd.s32 $0x8F2B, s0  }
0xbf: {  	[sflag:s0] =	ssyncadd.remote.s32 $0x1  }
0xc0: {  	_ =	sfence.sel $0xFFFF  }
0xc1: {  	[dreg:$0x0] =	wrdreg $0xFFFFFFFF;
	(pc) =	sbr.abs _section_cstart, $3  }
0xc2: {  	[dreg:$0x1] =	wrdreg $0xFFFFFFFF  }
0xc3: {  	_ =	task.clear_ibuf [dreg:s8], $0x2FFFF;
	_ =	strace $0x9FFFFFFF  }
0xc4: {  	(tm) =	ssettm $0x7FFFFFFF  }
0xc5: {  	_ =	shalt  }
tec
execute0_lowered:
.L_overlay_start_1:
0x0: {  	(tag) =	ssettag $0x1  }
0x1: {  	s0 =	rddreg [dreg:$0x0]  }
0x2: {  	s1 =	rddreg [dreg:$0x1]  }
0x3: {  	s2 =	rddreg [dreg:$0x2];
	s4 =	srdreg.scid  }
0x4: {  	s3 =	simm.s32 $0x0;
	s6 =	stileid.u32;
	s13 =	simm.s32 $0x5  }
0x5: {  	s15 =	simm.s32 $0x80;
	s17 =	simm.s32 $0x6400;
	s25 =	simm.s32 $0x8400  }
0x6: {  	s19 =	simm.s32 $0xA400;
	s21 =	simm.s32 $0xC400;
	s22 =	simm.s32 $0x1  }
0x7: {  	s23 =	simm.s32 $0xE400;
	s24 =	simm.s32 $0x10600;
	s28 =	simm.s32 $0x2  }
0x8: {  	s29 =	simm.s32 $0x12800;
	s30 =	simm.s32 $0x14A00;
	s11 =	simm.s32 $0x4  }
0x9: {  	s12 =	simm.s32 $0x0;
	s4 =	sand.u32 $0x1, s4;
	[smem:$0x7FF] =	sst s3  }
0xa: {  	s6 =	sshll.u32 s6, $0xA;
	s5 =	sshll.u32 s4, $0xE;
	_ =	strace $0x80000047  }
0xb: {  	v0 =	vlaneseq.u32;
	s7 =	ssub.s32 $0x2, s4;
	s4 =	sor.u32 s6, s5;
	s5 =	sadd.s32 $0xC00, s1  }
0xc: {  	v0 =	vmul.u32 $0x88, v0;
	s8 =	sshrl.u32 s7, $0x1;
	s6 =	sadd.s32 $0x400, s1;
	s9 =	sshrl.u32 s4, $0x3  }
0xd: {  	s1 =	simm.s32 $0x3;
	s31 =	ssub.s32 s7, s8;
	s7 =	sadd.s32 s2, s9  }
0xe: {  	v1 =	vadd.s32 $0x880, v0;
	v2 =	vadd.s32 $0x1100, v0;
	v3 =	vadd.s32 $0x1980, v0;
	s8 =	sadd.s32 s0, s9;
	s10 =	smax.u32 s31, $0x1;
	s9 =	sadd.s32 $0x10000, s7  }
.LBB2_1:
0xf: {  	s0 =	simm.s32 $0x400;
	s14 =	simm.s32 $0x8000  }
0x10: {  	[tilespmem:s3], [sflag:$0x5] =	stream.strided.gather [hbm4b:s8+s0], $0x6400, s14, s0, $0x38;
	[tilespmem:$0x19E00] =	vst v63  }
0x11: {  	_ =	swait.ge [sflag:s13], $0x6400  }
0x12: {  	[sflag:s13] =	ssyncset.done $0x0  }
0x13: {  	s14 =	simm.s32 $0x16C00;
	[sflag:s13] =	ssyncadd.s32 $0xFFFF9C00  }
0x14: {  	[tilespmem:s14], [sflag:$0x5] =	stream.linear.gather [hbm4b:s6+s3], $0x3200, $0x38;
	[tilespmem:$0x19E00] =	vst v63  }
0x15: {  	_ =	swait.ge [sflag:s13], $0x3200  }
0x16: {  	[sflag:s13] =	ssyncset.done $0x0  }
0x17: {  	[sflag:s13] =	ssyncadd.s32 $0xFFFFCE00  }
0x18: {  	[tilespmem:s17], [sflag:$0x1] =	stream.indirect.gather [hbm4b:s5+s15], $0x40, s3, s15, $0xb8;
	[tilespmem:$0x19E00] =	vst v63  }
0x19: {  	_ = 	snop  }
0x1a: {  	[tilespmem:s25], [sflag:$0x1] =	stream.indirect.gather [hbm4b:s5+s15], $0x40, s15, s15, $0xb8;
	[tilespmem:$0x19E00] =	vst v63  }
0x1b: {  	s16 =	simm.s32 $0x100  }
0x1c: {  	[tilespmem:s19], [sflag:$0x2] =	stream.indirect.gather [hbm4b:s5+s15], $0x40, s16, s15, $0xb8;
	[tilespmem:$0x19E00] =	vst v63  }
0x1d: {  	s18 =	simm.s32 $0x180  }
0x1e: {  	[tilespmem:s21], [sflag:$0x2] =	stream.indirect.gather [hbm4b:s5+s15], $0x40, s18, s15, $0xb8;
	[tilespmem:$0x19E00] =	vst v63  }
0x1f: {  	_ =	swait.ge [sflag:s22], $0x2000  }
0x20: {  	[sflag:s22] =	ssyncset.done $0x0  }
0x21: {  	[sflag:s22] =	ssyncadd.s32 $0xFFFFE000  }
0x22: {  	_ =	swait.ge [sflag:s22], $0x2000  }
0x23: {  	[sflag:s22] =	ssyncset.done $0x0  }
0x24: {  	[sflag:s22] =	ssyncadd.s32 $0xFFFFE000  }
0x25: {  	s20 =	simm.s32 $0x3;
	s0 =	simm.s32 $0x6480;
	v9 =	vld [tilespmem:$0x16C00]  }
0x26: {  	v4 =	vmov s20;
	v7 =	vld [tilespmem:s0+$0x40]  }
0x27: {  	v13 =	vand.u32 $0x7F, v4  }
0x28: {  	v4 =	vmov s3;
	v8 =	vadd.s32 v0, v13;
	v6 =	vld [tilespmem:$0x16C10]  }
0x29: {  	s26 =	simm.s32 $0x1;
	v12 =	vand.u32 $0x7C, v4;
	v10 =	vld [tilespmem:s0+$0xFFFFFF80]  }
0x2a: {  	v4 =	vmov s26;
	v15 =	vadd.s32 v0, v12;
	s16 =	simm.s32 $0x2;
	v11 =	vld [tilespmem:s0+$0xFFFFFFC0]  }
0x2b: {  	v19 =	vand.u32 $0x7D, v4;
	v14 =	vmov s16;
	v16 =	vld [tilespmem:s0+$0x0];
	v7 =	vadd.f32 v7, v9  }
0x2c: {  	v17 =	vadd.s32 v0, v19;
	v20 =	vand.u32 $0x7E, v14;
	v5 =	vld [tilespmem:$0x16C20]  }
0x2d: {  	v14 =	vadd.s32 v0, v20;
	v4 =	vld [tilespmem:$0x16C30];
	[tilespmem:v8+s23+$0x0] =	vst.idx.msk $0xffff, v7  }
0x2e: {  	v7 =	vadd.f32 v10, v9;
	v8 =	vld [tilespmem:s0+$0x50]  }
0x2f: {  	v10 =	vadd.f32 v11, v9  }
0x30: {  	v11 =	vadd.s32 v1, v13;
	[tilespmem:v15+s23+$0x0] =	vst.idx.msk $0xffff, v7;
	v7 =	vadd.f32 v16, v9  }
0x31: {  	[tilespmem:v17+s23+$0x0] =	vst.idx.msk $0xffff, v10;
	v15 =	vld [tilespmem:s0+$0xFFFFFF90]  }
0x32: {  	v10 =	vld [tilespmem:s0+$0xFFFFFFD0];
	[tilespmem:v14+s23+$0x0] =	vst.idx.msk $0xffff, v7  }
0x33: {  	v14 =	vld [tilespmem:s0+$0x10];
	v7 =	vadd.f32 v8, v6  }
0x34: {  	s14 =	simm.s32 $0x6580;
	s18 =	simm.s32 $0x7;
	v16 =	vadd.s32 v1, v19  }
0x35: {  	s31 =	simm.s32 $0x4;
	v26 =	vadd.s32 v2, v13;
	v18 =	vld [tilespmem:s14+$0x40];
	v17 =	vadd.s32 v1, v20;
	[tilespmem:v11+s23+$0x0] =	vst.idx.msk $0xffff, v7;
	v7 =	vmov s18  }
0x36: {  	v21 =	vadd.s32 v1, v12;
	v8 =	vmov s31;
	v7 =	vand.u32 $0x7F, v7;
	v22 =	vld [tilespmem:s0+$0x60]  }
0x37: {  	s20 =	simm.s32 $0x5;
	v23 =	vld [tilespmem:s14+$0xFFFFFF80];
	v8 =	vand.u32 $0x7C, v8;
	v10 =	vadd.f32 v10, v6;
	v24 =	vadd.s32 v0, v7  }
0x38: {  	s26 =	simm.s32 $0x6;
	v25 =	vld [tilespmem:s14+$0xFFFFFFC0];
	v15 =	vadd.f32 v15, v6;
	v11 =	vadd.f32 v14, v6;
	v14 =	vmov s20  }
0x39: {  	v27 =	vadd.s32 v0, v8;
	[tilespmem:v16+s23+$0x0] =	vst.idx.msk $0xffff, v10;
	v16 =	vmov s26;
	v10 =	vand.u32 $0x7D, v14;
	v14 =	vld [tilespmem:s14+$0x0]  }
0x3a: {  	[tilespmem:v17+s23+$0x0] =	vst.idx.msk $0xffff, v11;
	v17 =	vadd.s32 v0, v10;
	v11 =	vand.u32 $0x7E, v16;
	v16 =	vadd.f32 v18, v9;
	v18 =	vld [tilespmem:s0+$0xFFFFFFE0]  }
0x3b: {  	[tilespmem:v21+s23+$0x0] =	vst.idx.msk $0xffff, v15;
	v15 =	vadd.s32 v0, v11;
	v21 =	vld [tilespmem:s0+$0x20];
	v22 =	vadd.f32 v22, v5  }
0x3c: {  	v23 =	vadd.f32 v23, v9;
	[tilespmem:v24+s23+$0x0] =	vst.idx.msk $0xffff, v16;
	v16 =	vld [tilespmem:s0+$0xFFFFFFA0];
	v24 =	vadd.s32 v2, v19  }
0x3d: {  	v29 =	vadd.s32 v2, v20;
	v25 =	vadd.f32 v25, v9;
	v28 =	vld [tilespmem:s14+$0x50];
	[tilespmem:v26+s23+$0x0] =	vst.idx.msk $0xffff, v22  }
0x3e: {  	[tilespmem:v27+s23+$0x0] =	vst.idx.msk $0xffff, v23;
	v23 =	vadd.s32 v2, v12;
	v14 =	vadd.f32 v14, v9;
	v26 =	vld [tilespmem:s0+$0x70]  }
0x3f: {  	v27 =	vld [tilespmem:s14+$0xFFFFFF90];
	[tilespmem:v17+s23+$0x0] =	vst.idx.msk $0xffff, v25;
	v25 =	vadd.s32 v1, v7;
	v18 =	vadd.f32 v18, v5  }
0x40: {  	v31 =	vadd.s32 v3, v13;
	v30 =	vld [tilespmem:s14+$0xFFFFFFD0];
	[tilespmem:v15+s23+$0x0] =	vst.idx.msk $0xffff, v14;
	v14 =	vadd.f32 v21, v5  }
0x41: {  	v22 =	vadd.s32 v1, v8;
	v17 =	vld [tilespmem:s14+$0x10];
	v13 =	vadd.f32 v16, v5;
	[tilespmem:v24+s23+$0x0] =	vst.idx.msk $0xffff, v18  }
0x42: {  	s20 =	simm.s32 $0x8;
	v21 =	vadd.s32 v1, v10;
	[tilespmem:v29+s23+$0x0] =	vst.idx.msk $0xffff, v14;
	v18 =	vadd.f32 v28, v6;
	v16 =	vld [tilespmem:s0+$0xFFFFFFF0]  }
0x43: {  	v24 =	vmov s20;
	v14 =	vadd.s32 v1, v11;
	v15 =	vld [tilespmem:s0+$0x30];
	[tilespmem:v23+s23+$0x0] =	vst.idx.msk $0xffff, v13;
	v63 =	vadd.f32 v26, v4  }
0x44: {  	s31 =	simm.s32 $0xB;
	s18 =	simm.s32 $0x6680;
	v19 =	vadd.s32 v3, v19;
	v13 =	vand.u32 $0x7C, v24;
	v24 =	vadd.f32 v27, v6;
	[tilespmem:v25+s23+$0x0] =	vst.idx.msk $0xffff, v18;
	v18 =	vld [tilespmem:s0+$0xFFFFFFB0]  }
0x45: {  	v20 =	vadd.s32 v3, v20;
	v26 =	vmov s31;
	v23 =	vld [tilespmem:s18+$0x40];
	s0 =	simm.s32 $0xC;
	v25 =	vadd.f32 v30, v6;
	[tilespmem:v31+s23+$0x0] =	vst.idx.msk $0xffff, v63  }
.LBB2_2:
0x46: {  	p0 =	slt.u32 s0, $0x7C;
	s16 =	sadd.s32 $0x1, s20;
	v26 =	vand.u32 $0x7F, v26;
	[tilespmem:v22+s23+$0x0] =	vst.idx.msk $0xffff, v24;
	v17 =	vadd.f32 v17, v6;
	v22 =	vld [tilespmem:s14+$0x60];
	v24 =	vadd.s32 v3, v12  }
0x47: {  	v30 =	vmovc v11;
	v27 =	vld [tilespmem:s18+$0xFFFFFF80];
	v28 =	vmov s16;
	s16 =	sadd.s32 $0x2, s20;
	v29 =	vadd.s32 v0, v26;
	[tilespmem:v21+s23+$0x0] =	vst.idx.msk $0xffff, v25;
	v16 =	vadd.f32 v16, v4;
	s20 =	smov.u32 s0  }
0x48: {  	v12 =	vmovc v8;
	v21 =	vld [tilespmem:s18+$0xFFFFFFC0];
	v11 =	vmov s16;
	[tilespmem:v14+s23+$0x0] =	vst.idx.msk $0xffff, v17;
	v14 =	vadd.s32 v2, v7;
	v15 =	vadd.f32 v15, v4  }
0x49: {  	v17 =	vadd.s32 v0, v13;
	v28 =	vand.u32 $0x7D, v28;
	v25 =	vld [tilespmem:s18+$0x0];
	v31 =	vadd.f32 v18, v4;
	[tilespmem:v19+s23+$0x0] =	vst.idx.msk $0xffff, v16  }
0x4a: {  	v16 =	vadd.s32 v0, v28;
	v11 =	vand.u32 $0x7E, v11;
	v18 =	vadd.f32 v23, v9;
	v19 =	vld [tilespmem:s14+$0xFFFFFFE0];
	[tilespmem:v20+s23+$0x0] =	vst.idx.msk $0xffff, v15  }
0x4b: {  	v8 =	vmov v13;
	v15 =	vadd.s32 v0, v11;
	v20 =	vld [tilespmem:s14+$0x20];
	v22 =	vadd.f32 v22, v5;
	[tilespmem:v24+s23+$0x0] =	vst.idx.msk $0xffff, v31  }
0x4c: {  	v23 =	vadd.s32 v2, v10;
	v13 =	vadd.f32 v27, v9;
	[tilespmem:v29+s23+$0x0] =	vst.idx.msk $0xffff, v18;
	v18 =	vld [tilespmem:s14+$0xFFFFFFA0]  }
0x4d: {  	v27 =	vadd.s32 v2, v30;
	v21 =	vadd.f32 v21, v9;
	v24 =	vld [tilespmem:s18+$0x50];
	[tilespmem:v14+s23+$0x0] =	vst.idx.msk $0xffff, v22  }
0x4e: {  	[tilespmem:v17+s23+$0x0] =	vst.idx.msk $0xffff, v13;
	v13 =	vadd.f32 v25, v9;
	v25 =	vadd.s32 v2, v12;
	v29 =	vld [tilespmem:s14+$0x70]  }
0x4f: {  	v32 =	vadd.s32 v1, v26;
	v31 =	vld [tilespmem:s18+$0xFFFFFF90];
	[tilespmem:v16+s23+$0x0] =	vst.idx.msk $0xffff, v21;
	v14 =	vadd.f32 v19, v5  }
0x50: {  	v34 =	vadd.s32 v3, v7;
	v7 =	vmov v26;
	v33 =	vld [tilespmem:s18+$0xFFFFFFD0];
	[tilespmem:v15+s23+$0x0] =	vst.idx.msk $0xffff, v13;
	v13 =	vadd.f32 v20, v5  }
.Ltmp0:
0x51: {  	v22 =	vadd.s32 v1, v8;
	v17 =	vld [tilespmem:s18+$0x10];
	v15 =	vadd.f32 v18, v5;
	[tilespmem:v23+s23+$0x0] =	vst.idx.msk $0xffff, v14;
	(pc) =	sbr.rel @p0 .LBB2_2-.Ltmp0, $4  }
0x52: {  	v21 =	vadd.s32 v1, v28;
	v18 =	vadd.f32 v24, v6;
	v16 =	vld [tilespmem:s14+$0xFFFFFFF0];
	[tilespmem:v27+s23+$0x0] =	vst.idx.msk $0xffff, v13  }
0x53: {  	v14 =	vadd.s32 v1, v11;
	v13 =	vmov s0;
	[tilespmem:v25+s23+$0x0] =	vst.idx.msk $0xffff, v15;
	v15 =	vld [tilespmem:s14+$0x30];
	v27 =	vadd.f32 v29, v4  }
0x54: {  	s16 =	sadd.s32 $0x3, s0;
	v19 =	vadd.s32 v3, v10;
	v13 =	vand.u32 $0x7C, v13;
	v24 =	vadd.f32 v31, v6;
	[tilespmem:v32+s23+$0x0] =	vst.idx.msk $0xffff, v18;
	v18 =	vld [tilespmem:s14+$0xFFFFFFB0];
	s14 =	smov.u32 s18;
	s18 =	sadd.s32 $0x100, s18  }
0x55: {  	v26 =	vmov s16;
	v10 =	vmovc v28;
	v20 =	vadd.s32 v3, v30;
	s0 =	sadd.s32 $0x4, s0;
	v23 =	vld [tilespmem:s18+$0x40];
	v25 =	vadd.f32 v33, v6;
	[tilespmem:v34+s23+$0x0] =	vst.idx.msk $0xffff, v27  }
0x56: {  	s0 =	sadd.s32 $0x1, s20  }
0x57: {  	v26 =	vand.u32 $0x7F, v26;
	s31 =	sadd.s32 $0x2, s20;
	v28 =	vld [tilespmem:s18+$0xFFFFFFC0];
	v27 =	vmov s0  }
0x58: {  	v31 =	vld [tilespmem:s18+$0x0];
	v29 =	vadd.s32 v0, v26;
	v30 =	vmov s31;
	v27 =	vand.u32 $0x7D, v27  }
0x59: {  	v32 =	vld [tilespmem:s18+$0xFFFFFF80];
	v30 =	vand.u32 $0x7E, v30;
	v33 =	vadd.s32 v0, v27  }
0x5a: {  	v34 =	vadd.s32 v0, v30  }
0x5b: {  	[tilespmem:v22+s23+$0x0] =	vst.idx.msk $0xffff, v24;
	v22 =	vadd.s32 v0, v13;
	v23 =	vadd.f32 v23, v9  }
0x5c: {  	[tilespmem:v21+s23+$0x0] =	vst.idx.msk $0xffff, v25;
	v21 =	vadd.f32 v28, v9  }
0x5d: {  	[tilespmem:v29+s23+$0x0] =	vst.idx.msk $0xffff, v23;
	v23 =	vadd.f32 v31, v9  }
0x5e: {  	v9 =	vadd.f32 v32, v9;
	v24 =	vld [tilespmem:s18+$0x50];
	[tilespmem:v33+s23+$0x0] =	vst.idx.msk $0xffff, v21  }
0x5f: {  	v17 =	vadd.f32 v17, v6;
	v12 =	vadd.s32 v3, v12;
	[tilespmem:v34+s23+$0x0] =	vst.idx.msk $0xffff, v23;
	v21 =	vld [tilespmem:s18+$0xFFFFFFD0]  }
0x60: {  	v16 =	vadd.f32 v16, v4;
	[tilespmem:v22+s23+$0x0] =	vst.idx.msk $0xffff, v9;
	v9 =	vadd.s32 v1, v26;
	v22 =	vld [tilespmem:s18+$0x10]  }
0x61: {  	[tilespmem:v14+s23+$0x0] =	vst.idx.msk $0xffff, v17;
	v14 =	vadd.f32 v15, v4;
	v17 =	vadd.s32 v1, v27;
	v15 =	vld [tilespmem:s18+$0xFFFFFF90]  }
0x62: {  	v18 =	vadd.f32 v18, v4;
	[tilespmem:v19+s23+$0x0] =	vst.idx.msk $0xffff, v16;
	v16 =	vadd.s32 v1, v30;
	v23 =	vld [tilespmem:s14+$0x60]  }
0x63: {  	v19 =	vld [tilespmem:s14+$0xFFFFFFE0];
	[tilespmem:v20+s23+$0x0] =	vst.idx.msk $0xffff, v14;
	v14 =	vadd.s32 v1, v13;
	v20 =	vadd.f32 v24, v6  }
0x64: {  	v25 =	vld [tilespmem:s14+$0x20];
	[tilespmem:v12+s23+$0x0] =	vst.idx.msk $0xffff, v18;
	v24 =	vadd.s32 v2, v7;
	v12 =	vadd.f32 v21, v6  }
0x65: {  	v18 =	vld [tilespmem:s14+$0xFFFFFFA0];
	v21 =	vadd.s32 v2, v10;
	[tilespmem:v9+s23+$0x0] =	vst.idx.msk $0xffff, v20;
	v9 =	vadd.f32 v22, v6  }
0x66: {  	v20 =	vadd.s32 v2, v11;
	v6 =	vadd.f32 v15, v6;
	v15 =	vld [tilespmem:s18+$0x60];
	[tilespmem:v17+s23+$0x0] =	vst.idx.msk $0xffff, v12  }
0x67: {  	v12 =	vadd.f32 v23, v5;
	v17 =	vadd.s32 v2, v8;
	[tilespmem:v16+s23+$0x0] =	vst.idx.msk $0xffff, v9;
	v9 =	vld [tilespmem:s18+$0xFFFFFFE0]  }
0x68: {  	v16 =	vadd.f32 v19, v5;
	[tilespmem:v14+s23+$0x0] =	vst.idx.msk $0xffff, v6;
	v6 =	vadd.s32 v2, v26;
	v14 =	vld [tilespmem:s18+$0x20]  }
0x69: {  	v22 =	vadd.s32 v2, v27;
	v19 =	vld [tilespmem:s18+$0xFFFFFFA0];
	[tilespmem:v24+s23+$0x0] =	vst.idx.msk $0xffff, v12;
	v12 =	vadd.f32 v25, v5  }
0x6a: {  	v18 =	vadd.f32 v18, v5;
	v23 =	vld [tilespmem:s14+$0x70];
	[tilespmem:v21+s23+$0x0] =	vst.idx.msk $0xffff, v16;
	v16 =	vadd.s32 v2, v30  }
0x6b: {  	v21 =	vld [tilespmem:s14+$0xFFFFFFF0];
	[tilespmem:v20+s23+$0x0] =	vst.idx.msk $0xffff, v12;
	v12 =	vadd.f32 v15, v5;
	v15 =	vadd.s32 v2, v13  }
0x6c: {  	v7 =	vadd.s32 v3, v7;
	[tilespmem:v17+s23+$0x0] =	vst.idx.msk $0xffff, v18;
	v17 =	vld [tilespmem:s14+$0x30];
	v9 =	vadd.f32 v9, v5  }
0x6d: {  	v10 =	vadd.s32 v3, v10;
	v18 =	vld [tilespmem:s14+$0xFFFFFFB0];
	[tilespmem:v6+s23+$0x0] =	vst.idx.msk $0xffff, v12;
	v6 =	vadd.f32 v14, v5  }
0x6e: {  	v11 =	vadd.s32 v3, v11;
	v5 =	vadd.f32 v19, v5;
	v12 =	vld [tilespmem:s18+$0x70];
	[tilespmem:v22+s23+$0x0] =	vst.idx.msk $0xffff, v9  }
0x6f: {  	v8 =	vadd.s32 v3, v8;
	v9 =	vadd.f32 v23, v4;
	[tilespmem:v16+s23+$0x0] =	vst.idx.msk $0xffff, v6;
	v14 =	vld [tilespmem:s18+$0xFFFFFFF0]  }
0x70: {  	v16 =	vadd.s32 v3, v26;
	v6 =	vadd.f32 v21, v4;
	[tilespmem:v15+s23+$0x0] =	vst.idx.msk $0xffff, v5;
	v5 =	vld [tilespmem:s18+$0x30]  }
0x71: {  	v15 =	vadd.s32 v3, v27;
	[tilespmem:v7+s23+$0x0] =	vst.idx.msk $0xffff, v9;
	v7 =	vadd.f32 v17, v4;
	v9 =	vld [tilespmem:s18+$0xFFFFFFB0]  }
0x72: {  	v17 =	vadd.f32 v18, v4;
	[tilespmem:v10+s23+$0x0] =	vst.idx.msk $0xffff, v6;
	v6 =	vadd.s32 v3, v30  }
0x73: {  	v10 =	vadd.s32 v3, v13;
	[tilespmem:v11+s23+$0x0] =	vst.idx.msk $0xffff, v7;
	v7 =	vadd.f32 v12, v4  }
0x74: {  	[tilespmem:v8+s23+$0x0] =	vst.idx.msk $0xffff, v17;
	v8 =	vadd.f32 v14, v4  }
0x75: {  	[tilespmem:v16+s23+$0x0] =	vst.idx.msk $0xffff, v7;
	v5 =	vadd.f32 v5, v4  }
0x76: {  	v4 =	vadd.f32 v9, v4;
	[tilespmem:v15+s23+$0x0] =	vst.idx.msk $0xffff, v8  }
0x77: {  	[tilespmem:v6+s23+$0x0] =	vst.idx.msk $0xffff, v5  }
0x78: {  	[tilespmem:v10+s23+$0x0] =	vst.idx.msk $0xffff, v4  }
0x79: {  	s16 =	simm.s32 $0x3;
	s0 =	simm.s32 $0x84F0;
	v9 =	vld [tilespmem:$0x16C40]  }
0x7a: {  	v4 =	vmov s16;
	v7 =	vld [tilespmem:s0+$0xFFFFFFD0]  }
0x7b: {  	v13 =	vand.u32 $0x7F, v4  }
0x7c: {  	s18 =	simm.s32 $0x0;
	v6 =	vld [tilespmem:$0x16C50];
	v8 =	vadd.s32 v0, v13  }
0x7d: {  	s20 =	simm.s32 $0x1;
	s16 =	simm.s32 $0x2;
	v4 =	vmov s18;
	v10 =	vld [tilespmem:s0+$0xFFFFFF10]  }
0x7e: {  	v11 =	vld [tilespmem:s0+$0xFFFFFF50];
	v14 =	vmov s16;
	v12 =	vand.u32 $0x7C, v4;
	v4 =	vmov s20  }
0x7f: {  	v16 =	vld [tilespmem:s0+$0xFFFFFF90];
	v15 =	vadd.s32 v0, v12;
	v19 =	vand.u32 $0x7D, v4;
	v7 =	vadd.f32 v7, v9  }
0x80: {  	v5 =	vld [tilespmem:$0x16C60];
	v20 =	vand.u32 $0x7E, v14;
	v17 =	vadd.s32 v0, v19  }
0x81: {  	v4 =	vld [tilespmem:$0x16C70];
	v14 =	vadd.s32 v0, v20;
	[tilespmem:v8+s24+$0x0] =	vst.idx.msk $0xffff, v7  }
0x82: {  	v7 =	vadd.f32 v10, v9;
	v8 =	vld [tilespmem:s0+$0xFFFFFFE0]  }
0x83: {  	v10 =	vadd.f32 v11, v9  }
0x84: {  	v11 =	vadd.s32 v1, v13;
	[tilespmem:v15+s24+$0x0] =	vst.idx.msk $0xffff, v7;
	v7 =	vadd.f32 v16, v9  }
0x85: {  	[tilespmem:v17+s24+$0x0] =	vst.idx.msk $0xffff, v10;
	v15 =	vld [tilespmem:s0+$0xFFFFFF20]  }
0x86: {  	v10 =	vld [tilespmem:s0+$0xFFFFFF60];
	[tilespmem:v14+s24+$0x0] =	vst.idx.msk $0xffff, v7  }
0x87: {  	v14 =	vld [tilespmem:s0+$0xFFFFFFA0];
	v7 =	vadd.f32 v8, v6  }
0x88: {  	s31 =	simm.s32 $0x7;
	s14 =	simm.s32 $0x85F0;
	v16 =	vadd.s32 v1, v19  }
0x89: {  	s26 =	simm.s32 $0x4;
	v18 =	vld [tilespmem:s14+$0xFFFFFFD0];
	v26 =	vadd.s32 v2, v13;
	v17 =	vadd.s32 v1, v20;
	[tilespmem:v11+s24+$0x0] =	vst.idx.msk $0xffff, v7;
	v7 =	vmov s31  }
0x8a: {  	v21 =	vadd.s32 v1, v12;
	v8 =	vmov s26;
	v7 =	vand.u32 $0x7F, v7;
	v22 =	vld [tilespmem:s0+$0xFFFFFFF0]  }
0x8b: {  	v23 =	vld [tilespmem:s14+$0xFFFFFF10];
	s20 =	simm.s32 $0x5;
	v8 =	vand.u32 $0x7C, v8;
	v10 =	vadd.f32 v10, v6;
	v24 =	vadd.s32 v0, v7  }
0x8c: {  	v25 =	vld [tilespmem:s14+$0xFFFFFF50];
	s26 =	simm.s32 $0x6;
	v15 =	vadd.f32 v15, v6;
	v11 =	vadd.f32 v14, v6;
	v14 =	vmov s20  }
0x8d: {  	v27 =	vadd.s32 v0, v8;
	[tilespmem:v16+s24+$0x0] =	vst.idx.msk $0xffff, v10;
	v16 =	vmov s26;
	v10 =	vand.u32 $0x7D, v14;
	v14 =	vld [tilespmem:s14+$0xFFFFFF90]  }
0x8e: {  	[tilespmem:v17+s24+$0x0] =	vst.idx.msk $0xffff, v11;
	v17 =	vadd.s32 v0, v10;
	v11 =	vand.u32 $0x7E, v16;
	v16 =	vadd.f32 v18, v9;
	v18 =	vld [tilespmem:s0+$0xFFFFFF70]  }
0x8f: {  	[tilespmem:v21+s24+$0x0] =	vst.idx.msk $0xffff, v15;
	v15 =	vadd.s32 v0, v11;
	v21 =	vld [tilespmem:s0+$0xFFFFFFB0];
	v22 =	vadd.f32 v22, v5  }
0x90: {  	v23 =	vadd.f32 v23, v9;
	[tilespmem:v24+s24+$0x0] =	vst.idx.msk $0xffff, v16;
	v16 =	vld [tilespmem:s0+$0xFFFFFF30];
	v24 =	vadd.s32 v2, v19  }
0x91: {  	v60 =	vadd.s32 v2, v20;
	v25 =	vadd.f32 v25, v9;
	v59 =	vld [tilespmem:s14+$0xFFFFFFE0];
	[tilespmem:v26+s24+$0x0] =	vst.idx.msk $0xffff, v22  }
0x92: {  	[tilespmem:v27+s24+$0x0] =	vst.idx.msk $0xffff, v23;
	v23 =	vadd.s32 v2, v12;
	v14 =	vadd.f32 v14, v9;
	v26 =	vld [tilespmem:s0+$0x0]  }
0x93: {  	v27 =	vld [tilespmem:s14+$0xFFFFFF20];
	[tilespmem:v17+s24+$0x0] =	vst.idx.msk $0xffff, v25;
	v25 =	vadd.s32 v1, v7;
	v18 =	vadd.f32 v18, v5  }
0x94: {  	v62 =	vadd.s32 v3, v13;
	v61 =	vld [tilespmem:s14+$0xFFFFFF60];
	[tilespmem:v15+s24+$0x0] =	vst.idx.msk $0xffff, v14;
	v14 =	vadd.f32 v21, v5  }
0x95: {  	v22 =	vadd.s32 v1, v8;
	v17 =	vld [tilespmem:s14+$0xFFFFFFA0];
	v13 =	vadd.f32 v16, v5;
	[tilespmem:v24+s24+$0x0] =	vst.idx.msk $0xffff, v18  }
0x96: {  	s20 =	simm.s32 $0x8;
	v21 =	vadd.s32 v1, v10;
	[tilespmem:v60+s24+$0x0] =	vst.idx.msk $0xffff, v14;
	v18 =	vadd.f32 v59, v6;
	v16 =	vld [tilespmem:s0+$0xFFFFFF80]  }
0x97: {  	v24 =	vmov s20;
	v14 =	vadd.s32 v1, v11;
	v15 =	vld [tilespmem:s0+$0xFFFFFFC0];
	[tilespmem:v23+s24+$0x0] =	vst.idx.msk $0xffff, v13;
	v63 =	vadd.f32 v26, v4  }
0x98: {  	s18 =	simm.s32 $0x86F0;
	s31 =	simm.s32 $0xB;
	v19 =	vadd.s32 v3, v19;
	v13 =	vand.u32 $0x7C, v24;
	v24 =	vadd.f32 v27, v6;
	[tilespmem:v25+s24+$0x0] =	vst.idx.msk $0xffff, v18;
	v18 =	vld [tilespmem:s0+$0xFFFFFF40]  }
0x99: {  	v20 =	vadd.s32 v3, v20;
	v26 =	vmov s31;
	v23 =	vld [tilespmem:s18+$0xFFFFFFD0];
	s0 =	simm.s32 $0xC;
	v25 =	vadd.f32 v61, v6;
	[tilespmem:v62+s24+$0x0] =	vst.idx.msk $0xffff, v63  }
.LBB2_4:
0x9a: {  	p0 =	slt.u32 s0, $0x7C;
	s16 =	sadd.s32 $0x1, s20;
	v26 =	vand.u32 $0x7F, v26;
	[tilespmem:v22+s24+$0x0] =	vst.idx.msk $0xffff, v24;
	v17 =	vadd.f32 v17, v6;
	v22 =	vld [tilespmem:s14+$0xFFFFFFF0];
	v24 =	vadd.s32 v3, v12  }
0x9b: {  	v30 =	vmovc v11;
	v27 =	vld [tilespmem:s18+$0xFFFFFF10];
	v28 =	vmov s16;
	s16 =	sadd.s32 $0x2, s20;
	v29 =	vadd.s32 v0, v26;
	[tilespmem:v21+s24+$0x0] =	vst.idx.msk $0xffff, v25;
	v16 =	vadd.f32 v16, v4;
	s20 =	smov.u32 s0  }
0x9c: {  	v12 =	vmovc v8;
	v21 =	vld [tilespmem:s18+$0xFFFFFF50];
	v11 =	vmov s16;
	[tilespmem:v14+s24+$0x0] =	vst.idx.msk $0xffff, v17;
	v14 =	vadd.s32 v2, v7;
	v15 =	vadd.f32 v15, v4  }
0x9d: {  	v17 =	vadd.s32 v0, v13;
	v28 =	vand.u32 $0x7D, v28;
	v25 =	vld [tilespmem:s18+$0xFFFFFF90];
	v31 =	vadd.f32 v18, v4;
	[tilespmem:v19+s24+$0x0] =	vst.idx.msk $0xffff, v16  }
0x9e: {  	v16 =	vadd.s32 v0, v28;
	v11 =	vand.u32 $0x7E, v11;
	v18 =	vadd.f32 v23, v9;
	v19 =	vld [tilespmem:s14+$0xFFFFFF70];
	[tilespmem:v20+s24+$0x0] =	vst.idx.msk $0xffff, v15  }
0x9f: {  	v8 =	vmov v13;
	v15 =	vadd.s32 v0, v11;
	v20 =	vld [tilespmem:s14+$0xFFFFFFB0];
	v22 =	vadd.f32 v22, v5;
	[tilespmem:v24+s24+$0x0] =	vst.idx.msk $0xffff, v31  }
0xa0: {  	v23 =	vadd.s32 v2, v10;
	v13 =	vadd.f32 v27, v9;
	[tilespmem:v29+s24+$0x0] =	vst.idx.msk $0xffff, v18;
	v18 =	vld [tilespmem:s14+$0xFFFFFF30]  }
0xa1: {  	v27 =	vadd.s32 v2, v30;
	v21 =	vadd.f32 v21, v9;
	v24 =	vld [tilespmem:s18+$0xFFFFFFE0];
	[tilespmem:v14+s24+$0x0] =	vst.idx.msk $0xffff, v22  }
0xa2: {  	[tilespmem:v17+s24+$0x0] =	vst.idx.msk $0xffff, v13;
	v13 =	vadd.f32 v25, v9;
	v25 =	vadd.s32 v2, v12;
	v29 =	vld [tilespmem:s14+$0x0]  }
0xa3: {  	v32 =	vadd.s32 v1, v26;
	v31 =	vld [tilespmem:s18+$0xFFFFFF20];
	[tilespmem:v16+s24+$0x0] =	vst.idx.msk $0xffff, v21;
	v14 =	vadd.f32 v19, v5  }
0xa4: {  	v34 =	vadd.s32 v3, v7;
	v7 =	vmov v26;
	v33 =	vld [tilespmem:s18+$0xFFFFFF60];
	[tilespmem:v15+s24+$0x0] =	vst.idx.msk $0xffff, v13;
	v13 =	vadd.f32 v20, v5  }
.Ltmp1:
0xa5: {  	v22 =	vadd.s32 v1, v8;
	v17 =	vld [tilespmem:s18+$0xFFFFFFA0];
	v15 =	vadd.f32 v18, v5;
	[tilespmem:v23+s24+$0x0] =	vst.idx.msk $0xffff, v14;
	(pc) =	sbr.rel @p0 .LBB2_4-.Ltmp1, $4  }
0xa6: {  	v21 =	vadd.s32 v1, v28;
	v18 =	vadd.f32 v24, v6;
	v16 =	vld [tilespmem:s14+$0xFFFFFF80];
	[tilespmem:v27+s24+$0x0] =	vst.idx.msk $0xffff, v13  }
0xa7: {  	v14 =	vadd.s32 v1, v11;
	v13 =	vmov s0;
	[tilespmem:v25+s24+$0x0] =	vst.idx.msk $0xffff, v15;
	v15 =	vld [tilespmem:s14+$0xFFFFFFC0];
	v27 =	vadd.f32 v29, v4  }
0xa8: {  	s16 =	sadd.s32 $0x3, s0;
	v19 =	vadd.s32 v3, v10;
	v13 =	vand.u32 $0x7C, v13;
	v24 =	vadd.f32 v31, v6;
	[tilespmem:v32+s24+$0x0] =	vst.idx.msk $0xffff, v18;
	v18 =	vld [tilespmem:s14+$0xFFFFFF40];
	s14 =	smov.u32 s18;
	s18 =	sadd.s32 $0x100, s18  }
0xa9: {  	v26 =	vmov s16;
	v10 =	vmovc v28;
	v20 =	vadd.s32 v3, v30;
	s0 =	sadd.s32 $0x4, s0;
	v23 =	vld [tilespmem:s18+$0xFFFFFFD0];
	v25 =	vadd.f32 v33, v6;
	[tilespmem:v34+s24+$0x0] =	vst.idx.msk $0xffff, v27  }
0xaa: {  	s0 =	sadd.s32 $0x1, s20  }
0xab: {  	v26 =	vand.u32 $0x7F, v26;
	s31 =	sadd.s32 $0x2, s20;
	v28 =	vld [tilespmem:s18+$0xFFFFFF50];
	v27 =	vmov s0  }
0xac: {  	v31 =	vld [tilespmem:s18+$0xFFFFFF90];
	v29 =	vadd.s32 v0, v26;
	v30 =	vmov s31;
	v27 =	vand.u32 $0x7D, v27  }
0xad: {  	v32 =	vld [tilespmem:s18+$0xFFFFFF10];
	v30 =	vand.u32 $0x7E, v30;
	v33 =	vadd.s32 v0, v27  }
0xae: {  	v34 =	vadd.s32 v0, v30  }
0xaf: {  	[tilespmem:v22+s24+$0x0] =	vst.idx.msk $0xffff, v24;
	v44 =	vadd.s32 v0, v13;
	v23 =	vadd.f32 v23, v9  }
0xb0: {  	[tilespmem:v21+s24+$0x0] =	vst.idx.msk $0xffff, v25;
	v45 =	vadd.f32 v28, v9  }
0xb1: {  	v46 =	vadd.f32 v31, v9;
	[tilespmem:v29+s24+$0x0] =	vst.idx.msk $0xffff, v23  }
0xb2: {  	v47 =	vadd.f32 v32, v9;
	v48 =	vld [tilespmem:s18+$0xFFFFFFE0];
	[tilespmem:v33+s24+$0x0] =	vst.idx.msk $0xffff, v45  }
0xb3: {  	v17 =	vadd.f32 v17, v6;
	v12 =	vadd.s32 v3, v12;
	[tilespmem:v34+s24+$0x0] =	vst.idx.msk $0xffff, v46;
	v21 =	vld [tilespmem:s18+$0xFFFFFF60]  }
0xb4: {  	v16 =	vadd.f32 v16, v4;
	v49 =	vadd.s32 v1, v26;
	[tilespmem:v44+s24+$0x0] =	vst.idx.msk $0xffff, v47;
	v50 =	vld [tilespmem:s18+$0xFFFFFFA0]  }
0xb5: {  	[tilespmem:v14+s24+$0x0] =	vst.idx.msk $0xffff, v17;
	v51 =	vadd.f32 v15, v4;
	v53 =	vadd.s32 v1, v27;
	v52 =	vld [tilespmem:s18+$0xFFFFFF20]  }
0xb6: {  	v54 =	vld [tilespmem:s14+$0xFFFFFFF0];
	v18 =	vadd.f32 v18, v4;
	[tilespmem:v19+s24+$0x0] =	vst.idx.msk $0xffff, v16;
	v55 =	vadd.s32 v1, v30  }
0xb7: {  	v57 =	vadd.s32 v1, v13;
	v60 =	vld [tilespmem:s14+$0xFFFFFFB0];
	[tilespmem:v20+s24+$0x0] =	vst.idx.msk $0xffff, v51;
	v58 =	vadd.f32 v48, v6  }
0xb8: {  	v59 =	vadd.s32 v2, v7;
	v56 =	vld [tilespmem:s14+$0xFFFFFF70];
	[tilespmem:v12+s24+$0x0] =	vst.idx.msk $0xffff, v18;
	v61 =	vadd.f32 v21, v6  }
0xb9: {  	v62 =	vld [tilespmem:s14+$0xFFFFFF30];
	v29 =	vadd.s32 v2, v11;
	[tilespmem:v49+s24+$0x0] =	vst.idx.msk $0xffff, v58;
	v28 =	vadd.f32 v50, v6  }
0xba: {  	v63 =	vadd.s32 v2, v10;
	v31 =	vadd.f32 v52, v6;
	v32 =	vld [tilespmem:s18+$0xFFFFFFF0];
	[tilespmem:v53+s24+$0x0] =	vst.idx.msk $0xffff, v61  }
0xbb: {  	v33 =	vadd.f32 v54, v5;
	v34 =	vadd.s32 v2, v8;
	[tilespmem:v55+s24+$0x0] =	vst.idx.msk $0xffff, v28;
	v35 =	vld [tilespmem:s18+$0xFFFFFF70]  }
0xbc: {  	v37 =	vadd.s32 v2, v26;
	v39 =	vadd.f32 v60, v5;
	[tilespmem:v57+s24+$0x0] =	vst.idx.msk $0xffff, v31;
	v38 =	vld [tilespmem:s18+$0xFFFFFFB0]  }
0xbd: {  	v41 =	vadd.s32 v2, v27;
	v36 =	vadd.f32 v56, v5;
	[tilespmem:v59+s24+$0x0] =	vst.idx.msk $0xffff, v33;
	v40 =	vld [tilespmem:s18+$0xFFFFFF30]  }
0xbe: {  	v43 =	vadd.s32 v2, v30;
	v18 =	vadd.f32 v62, v5;
	v42 =	vld [tilespmem:s14+$0x0];
	[tilespmem:v29+s24+$0x0] =	vst.idx.msk $0xffff, v39  }
0xbf: {  	v45 =	vadd.s32 v2, v13;
	[tilespmem:v63+s24+$0x0] =	vst.idx.msk $0xffff, v36;
	v47 =	vld [tilespmem:s14+$0xFFFFFFC0];
	v44 =	vadd.f32 v32, v5  }
0xc0: {  	v46 =	vadd.s32 v3, v7;
	[tilespmem:v34+s24+$0x0] =	vst.idx.msk $0xffff, v18;
	v21 =	vld [tilespmem:s14+$0xFFFFFF80];
	v9 =	vadd.f32 v35, v5  }
0xc1: {  	v18 =	vld [tilespmem:s14+$0xFFFFFF40];
	v50 =	vadd.s32 v3, v11;
	[tilespmem:v37+s24+$0x0] =	vst.idx.msk $0xffff, v44;
	v49 =	vadd.f32 v38, v5  }
0xc2: {  	v48 =	vadd.s32 v3, v10;
	v5 =	vadd.f32 v40, v5;
	v12 =	vld [tilespmem:s18+$0x0];
	[tilespmem:v41+s24+$0x0] =	vst.idx.msk $0xffff, v9  }
0xc3: {  	v52 =	vadd.s32 v3, v8;
	v51 =	vadd.f32 v42, v4;
	[tilespmem:v43+s24+$0x0] =	vst.idx.msk $0xffff, v49;
	v53 =	vld [tilespmem:s18+$0xFFFFFF80]  }
0xc4: {  	v55 =	vadd.s32 v3, v26;
	v56 =	vadd.f32 v47, v4;
	[tilespmem:v45+s24+$0x0] =	vst.idx.msk $0xffff, v5;
	v5 =	vld [tilespmem:s18+$0xFFFFFFC0]  }
0xc5: {  	v58 =	vadd.s32 v3, v27;
	[tilespmem:v46+s24+$0x0] =	vst.idx.msk $0xffff, v51;
	v54 =	vadd.f32 v21, v4;
	v57 =	vld [tilespmem:s18+$0xFFFFFF40]  }
0xc6: {  	v60 =	vadd.s32 v3, v30;
	v59 =	vadd.f32 v18, v4;
	[tilespmem:v50+s24+$0x0] =	vst.idx.msk $0xffff, v56  }
0xc7: {  	v62 =	vadd.s32 v3, v13;
	[tilespmem:v48+s24+$0x0] =	vst.idx.msk $0xffff, v54;
	v61 =	vadd.f32 v12, v4  }
0xc8: {  	[tilespmem:v52+s24+$0x0] =	vst.idx.msk $0xffff, v59;
	v63 =	vadd.f32 v53, v4  }
0xc9: {  	[tilespmem:v55+s24+$0x0] =	vst.idx.msk $0xffff, v61;
	v5 =	vadd.f32 v5, v4  }
0xca: {  	v4 =	vadd.f32 v57, v4;
	[tilespmem:v58+s24+$0x0] =	vst.idx.msk $0xffff, v63  }
0xcb: {  	[tilespmem:v60+s24+$0x0] =	vst.idx.msk $0xffff, v5  }
0xcc: {  	s16 =	simm.s32 $0x200;
	[tilespmem:v62+s24+$0x0] =	vst.idx.msk $0xffff, v4  }
0xcd: {  	[tilespmem:s17], [sflag:$0x1] =	stream.indirect.gather [hbm4b:s5+s15], $0x40, s16, s15, $0xb8;
	[tilespmem:$0x19E00] =	vst v63  }
0xce: {  	s17 =	simm.s32 $0x280  }
0xcf: {  	[tilespmem:s25], [sflag:$0x1] =	stream.indirect.gather [hbm4b:s5+s15], $0x40, s17, s15, $0xb8;
	[tilespmem:$0x19E00] =	vst v63  }
0xd0: {  	s18 =	simm.s32 $0xE400  }
0xd1: {  	[hbm4b:s7+s3] =	stream.linear.scatter [tilespmem:s18], [sflag:$0x3], $0x80, $0x38;
	[tilespmem:$0x19E00] =	vst v63  }
0xd2: {  	s20 =	simm.s32 $0xE488;
	s25 =	sadd.s32 $0x10, s7  }
0xd3: {  	[hbm4b:s25+s3] =	stream.linear.scatter [tilespmem:s20], [sflag:$0x3], $0x80, $0x38;
	[tilespmem:$0x19E00] =	vst v63  }
0xd4: {  	s26 =	simm.s32 $0xE510;
	s31 =	sadd.s32 $0x20, s7;
	s0 =	simm.s32 $0x440  }
0xd5: {  	[hbm4b:s31+s3] =	stream.linear.scatter [tilespmem:s26], [sflag:$0x3], $0x80, $0x38;
	[tilespmem:$0x19E00] =	vst v63  }
0xd6: {  	s14 =	simm.s32 $0xE598;
	s16 =	sadd.s32 $0x30, s7;
	s17 =	simm.s32 $0xE620  }
0xd7: {  	[hbm4b:s16+s3] =	stream.linear.scatter [tilespmem:s14], [sflag:$0x3], $0x80, $0x38;
	[tilespmem:$0x19E00] =	vst v63  }
0xd8: {  	s18 =	sadd.s32 $0x40, s7;
	s20 =	simm.s32 $0xE6A8;
	s25 =	sadd.s32 $0x50, s7  }
0xd9: {  	[hbm4b:s18+s3] =	stream.linear.scatter [tilespmem:s17], [sflag:$0x3], $0x80, $0x38;
	[tilespmem:$0x19E00] =	vst v63  }
0xda: {  	s26 =	simm.s32 $0xE730;
	s31 =	sadd.s32 $0x60, s7;
	s16 =	simm.s32 $0x2200  }
0xdb: {  	[hbm4b:s25+s3] =	stream.linear.scatter [tilespmem:s20], [sflag:$0x3], $0x80, $0x38;
	[tilespmem:$0x19E00] =	vst v63  }
0xdc: {  	s14 =	sadd.s32 $0x1000, s7;
	s18 =	simm.s32 $0xE7B8;
	s20 =	sadd.s32 $0x70, s7  }
0xdd: {  	[hbm4b:s31+s3] =	stream.linear.scatter [tilespmem:s26], [sflag:$0x3], $0x80, $0x38;
	[tilespmem:$0x19E00] =	vst v63  }
.LBB2_6:
0xde: {  	[hbm4b:s20+s3] =	stream.linear.scatter [tilespmem:s18], [sflag:$0x3], $0x80, $0x38;
	[tilespmem:$0x19E00] =	vst v63  }
0xdf: {  	s18 =	smov.u32 s0;
	s0 =	smov.u32 s16  }
0xe0: {  	s25 =	sadd.s32 $0x1100, s16;
	s0 =	sshra.s32 s0, $0x2;
	s20 =	sadd.s32 $0xE400, s18  }
0xe1: {  	[hbm4b:s14+s3] =	stream.linear.scatter [tilespmem:s20], [sflag:$0x3], $0x80, $0x38;
	[tilespmem:$0x19E00] =	vst v63  }
0xe2: {  	p0 =	sne.s32 s16, $0xFF00;
	s16 =	sadd.s32 $0xE488, s18;
	s20 =	sadd.s32 $0x10, s14  }
0xe3: {  	[hbm4b:s20+s3] =	stream.linear.scatter [tilespmem:s16], [sflag:$0x3], $0x80, $0x38;
	[tilespmem:$0x19E00] =	vst v63  }
0xe4: {  	s16 =	sadd.s32 $0xE510, s18;
	s20 =	sadd.s32 $0x20, s14  }
0xe5: {  	[hbm4b:s20+s3] =	stream.linear.scatter [tilespmem:s16], [sflag:$0x3], $0x80, $0x38;
	[tilespmem:$0x19E00] =	vst v63  }
0xe6: {  	s16 =	sadd.s32 $0xE598, s18;
	s20 =	sadd.s32 $0x30, s14  }
0xe7: {  	[hbm4b:s20+s3] =	stream.linear.scatter [tilespmem:s16], [sflag:$0x3], $0x80, $0x38;
	[tilespmem:$0x19E00] =	vst v63  }
0xe8: {  	s16 =	sadd.s32 $0xE620, s18;
	s20 =	sadd.s32 $0x40, s14  }
0xe9: {  	[hbm4b:s20+s3] =	stream.linear.scatter [tilespmem:s16], [sflag:$0x3], $0x80, $0x38;
	[tilespmem:$0x19E00] =	vst v63  }
.Ltmp2:
0xea: {  	s16 =	sadd.s32 $0xE6A8, s18;
	s20 =	sadd.s32 $0x50, s14;
	(pc) =	sbr.rel @p0 .LBB2_6-.Ltmp2, $4  }
0xeb: {  	[hbm4b:s20+s3] =	stream.linear.scatter [tilespmem:s16], [sflag:$0x3], $0x80, $0x38;
	[tilespmem:$0x19E00] =	vst v63  }
0xec: {  	s16 =	sadd.s32 $0xE730, s18;
	s20 =	sadd.s32 $0x60, s14;
	s18 =	sadd.s32 $0xE7B8, s18  }
0xed: {  	[hbm4b:s20+s3] =	stream.linear.scatter [tilespmem:s16], [sflag:$0x3], $0x80, $0x38;
	[tilespmem:$0x19E00] =	vst v63  }
0xee: {  	s20 =	sadd.s32 $0x70, s14;
	s14 =	sadd.s32 $0x1000, s14;
	s16 =	smov.u32 s25  }
0xef: {  	[hbm4b:s20+s3] =	stream.linear.scatter [tilespmem:s18], [sflag:$0x3], $0x80, $0x38;
	[tilespmem:$0x19E00] =	vst v63  }
0xf0: {  	s16 =	sadd.s32 $0xE400, s0  }
0xf1: {  	[hbm4b:s14+s3] =	stream.linear.scatter [tilespmem:s16], [sflag:$0x3], $0x80, $0x38;
	[tilespmem:$0x19E00] =	vst v63  }
0xf2: {  	s18 =	sadd.s32 $0xE488, s0;
	s20 =	sadd.s32 $0x10, s14  }
0xf3: {  	[hbm4b:s20+s3] =	stream.linear.scatter [tilespmem:s18], [sflag:$0x3], $0x80, $0x38;
	[tilespmem:$0x19E00] =	vst v63  }
0xf4: {  	s25 =	sadd.s32 $0xE510, s0;
	s26 =	sadd.s32 $0x20, s14  }
0xf5: {  	[hbm4b:s26+s3] =	stream.linear.scatter [tilespmem:s25], [sflag:$0x3], $0x80, $0x38;
	[tilespmem:$0x19E00] =	vst v63  }
0xf6: {  	s31 =	sadd.s32 $0xE598, s0;
	s17 =	sadd.s32 $0x30, s14  }
0xf7: {  	[hbm4b:s17+s3] =	stream.linear.scatter [tilespmem:s31], [sflag:$0x3], $0x80, $0x38;
	[tilespmem:$0x19E00] =	vst v63  }
0xf8: {  	s18 =	sadd.s32 $0xE620, s0;
	s20 =	sadd.s32 $0x40, s14  }
0xf9: {  	[hbm4b:s20+s3] =	stream.linear.scatter [tilespmem:s18], [sflag:$0x3], $0x80, $0x38;
	[tilespmem:$0x19E00] =	vst v63  }
0xfa: {  	s25 =	sadd.s32 $0xE6A8, s0;
	s26 =	sadd.s32 $0x50, s14  }
0xfb: {  	[hbm4b:s26+s3] =	stream.linear.scatter [tilespmem:s25], [sflag:$0x3], $0x80, $0x38;
	[tilespmem:$0x19E00] =	vst v63  }
0xfc: {  	s31 =	sadd.s32 $0xE730, s0;
	s17 =	sadd.s32 $0x60, s14  }
0xfd: {  	[hbm4b:s17+s3] =	stream.linear.scatter [tilespmem:s31], [sflag:$0x3], $0x80, $0x38;
	[tilespmem:$0x19E00] =	vst v63  }
0xfe: {  	s20 =	sadd.s32 $0xE7B8, s0;
	s25 =	sadd.s32 $0x70, s14  }
0xff: {  	[hbm4b:s25+s3] =	stream.linear.scatter [tilespmem:s20], [sflag:$0x3], $0x80, $0x38;
	[tilespmem:$0x19E00] =	vst v63  }
0x100: {  	_ =	swait.ge [sflag:s28], $0x2000  }
0x101: {  	[sflag:s28] =	ssyncset.done $0x0  }
0x102: {  	[sflag:s28] =	ssyncadd.s32 $0xFFFFE000  }
0x103: {  	_ =	swait.ge [sflag:s28], $0x2000  }
0x104: {  	[sflag:s28] =	ssyncset.done $0x0  }
0x105: {  	[sflag:s28] =	ssyncadd.s32 $0xFFFFE000  }
0x106: {  	s0 =	simm.s32 $0xA4F0;
	s26 =	simm.s32 $0x3;
	v9 =	vld [tilespmem:$0x16C80]  }
0x107: {  	v4 =	vmov s26;
	v7 =	vld [tilespmem:s0+$0xFFFFFFD0]  }
0x108: {  	v13 =	vand.u32 $0x7F, v4  }
0x109: {  	s31 =	simm.s32 $0x0;
	v8 =	vadd.s32 v0, v13;
	v6 =	vld [tilespmem:$0x16C90]  }
0x10a: {  	s16 =	simm.s32 $0x1;
	s17 =	simm.s32 $0x2;
	v4 =	vmov s31;
	v10 =	vld [tilespmem:s0+$0xFFFFFF10]  }
0x10b: {  	v14 =	vmov s17;
	v12 =	vand.u32 $0x7C, v4;
	v4 =	vmov s16;
	v11 =	vld [tilespmem:s0+$0xFFFFFF50]  }
0x10c: {  	v15 =	vadd.s32 v0, v12;
	v19 =	vand.u32 $0x7D, v4;
	v16 =	vld [tilespmem:s0+$0xFFFFFF90];
	v7 =	vadd.f32 v7, v9  }
0x10d: {  	v20 =	vand.u32 $0x7E, v14;
	v17 =	vadd.s32 v0, v19;
	v5 =	vld [tilespmem:$0x16CA0]  }
0x10e: {  	v14 =	vadd.s32 v0, v20;
	v4 =	vld [tilespmem:$0x16CB0];
	[tilespmem:v8+s29+$0x0] =	vst.idx.msk $0xffff, v7  }
0x10f: {  	v7 =	vadd.f32 v10, v9;
	v8 =	vld [tilespmem:s0+$0xFFFFFFE0]  }
0x110: {  	v10 =	vadd.f32 v11, v9  }
0x111: {  	v11 =	vadd.s32 v1, v13;
	[tilespmem:v15+s29+$0x0] =	vst.idx.msk $0xffff, v7;
	v7 =	vadd.f32 v16, v9  }
0x112: {  	[tilespmem:v17+s29+$0x0] =	vst.idx.msk $0xffff, v10;
	v15 =	vld [tilespmem:s0+$0xFFFFFF20]  }
0x113: {  	v10 =	vld [tilespmem:s0+$0xFFFFFF60];
	[tilespmem:v14+s29+$0x0] =	vst.idx.msk $0xffff, v7  }
0x114: {  	v14 =	vld [tilespmem:s0+$0xFFFFFFA0];
	v7 =	vadd.f32 v8, v6  }
0x115: {  	s14 =	simm.s32 $0xA5F0;
	s20 =	simm.s32 $0x7;
	v16 =	vadd.s32 v1, v19  }
0x116: {  	s18 =	simm.s32 $0x4;
	v26 =	vadd.s32 v2, v13;
	v18 =	vld [tilespmem:s14+$0xFFFFFFD0];
	v17 =	vadd.s32 v1, v20;
	[tilespmem:v11+s29+$0x0] =	vst.idx.msk $0xffff, v7;
	v7 =	vmov s20  }
0x117: {  	v21 =	vadd.s32 v1, v12;
	v8 =	vmov s18;
	v7 =	vand.u32 $0x7F, v7;
	v22 =	vld [tilespmem:s0+$0xFFFFFFF0]  }
0x118: {  	s25 =	simm.s32 $0x5;
	v23 =	vld [tilespmem:s14+$0xFFFFFF10];
	v8 =	vand.u32 $0x7C, v8;
	v10 =	vadd.f32 v10, v6;
	v24 =	vadd.s32 v0, v7  }
0x119: {  	s26 =	simm.s32 $0x6;
	v25 =	vld [tilespmem:s14+$0xFFFFFF50];
	v15 =	vadd.f32 v15, v6;
	v11 =	vadd.f32 v14, v6;
	v14 =	vmov s25  }
0x11a: {  	v27 =	vadd.s32 v0, v8;
	[tilespmem:v16+s29+$0x0] =	vst.idx.msk $0xffff, v10;
	v16 =	vmov s26;
	v10 =	vand.u32 $0x7D, v14;
	v14 =	vld [tilespmem:s14+$0xFFFFFF90]  }
0x11b: {  	[tilespmem:v17+s29+$0x0] =	vst.idx.msk $0xffff, v11;
	v17 =	vadd.s32 v0, v10;
	v11 =	vand.u32 $0x7E, v16;
	v16 =	vadd.f32 v18, v9;
	v18 =	vld [tilespmem:s0+$0xFFFFFF70]  }
0x11c: {  	[tilespmem:v21+s29+$0x0] =	vst.idx.msk $0xffff, v15;
	v15 =	vadd.s32 v0, v11;
	v21 =	vld [tilespmem:s0+$0xFFFFFFB0];
	v22 =	vadd.f32 v22, v5  }
0x11d: {  	v23 =	vadd.f32 v23, v9;
	[tilespmem:v24+s29+$0x0] =	vst.idx.msk $0xffff, v16;
	v16 =	vld [tilespmem:s0+$0xFFFFFF30];
	v24 =	vadd.s32 v2, v19  }
0x11e: {  	v29 =	vadd.s32 v2, v20;
	v25 =	vadd.f32 v25, v9;
	v28 =	vld [tilespmem:s14+$0xFFFFFFE0];
	[tilespmem:v26+s29+$0x0] =	vst.idx.msk $0xffff, v22  }
0x11f: {  	[tilespmem:v27+s29+$0x0] =	vst.idx.msk $0xffff, v23;
	v23 =	vadd.s32 v2, v12;
	v14 =	vadd.f32 v14, v9;
	v26 =	vld [tilespmem:s0+$0x0]  }
0x120: {  	v27 =	vld [tilespmem:s14+$0xFFFFFF20];
	[tilespmem:v17+s29+$0x0] =	vst.idx.msk $0xffff, v25;
	v25 =	vadd.s32 v1, v7;
	v18 =	vadd.f32 v18, v5  }
0x121: {  	v31 =	vadd.s32 v3, v13;
	v30 =	vld [tilespmem:s14+$0xFFFFFF60];
	[tilespmem:v15+s29+$0x0] =	vst.idx.msk $0xffff, v14;
	v14 =	vadd.f32 v21, v5  }
0x122: {  	v22 =	vadd.s32 v1, v8;
	v17 =	vld [tilespmem:s14+$0xFFFFFFA0];
	v13 =	vadd.f32 v16, v5;
	[tilespmem:v24+s29+$0x0] =	vst.idx.msk $0xffff, v18  }
0x123: {  	s20 =	simm.s32 $0x8;
	v21 =	vadd.s32 v1, v10;
	[tilespmem:v29+s29+$0x0] =	vst.idx.msk $0xffff, v14;
	v18 =	vadd.f32 v28, v6;
	v16 =	vld [tilespmem:s0+$0xFFFFFF80]  }
0x124: {  	v24 =	vmov s20;
	v14 =	vadd.s32 v1, v11;
	v15 =	vld [tilespmem:s0+$0xFFFFFFC0];
	[tilespmem:v23+s29+$0x0] =	vst.idx.msk $0xffff, v13;
	v63 =	vadd.f32 v26, v4  }
0x125: {  	s31 =	simm.s32 $0xB;
	s18 =	simm.s32 $0xA6F0;
	v19 =	vadd.s32 v3, v19;
	v13 =	vand.u32 $0x7C, v24;
	v24 =	vadd.f32 v27, v6;
	[tilespmem:v25+s29+$0x0] =	vst.idx.msk $0xffff, v18;
	v18 =	vld [tilespmem:s0+$0xFFFFFF40]  }
0x126: {  	v20 =	vadd.s32 v3, v20;
	v26 =	vmov s31;
	v23 =	vld [tilespmem:s18+$0xFFFFFFD0];
	s0 =	simm.s32 $0xC;
	v25 =	vadd.f32 v30, v6;
	[tilespmem:v31+s29+$0x0] =	vst.idx.msk $0xffff, v63  }
.LBB2_8:
0x127: {  	p0 =	slt.u32 s0, $0x7C;
	s16 =	sadd.s32 $0x1, s20;
	v26 =	vand.u32 $0x7F, v26;
	[tilespmem:v22+s29+$0x0] =	vst.idx.msk $0xffff, v24;
	v17 =	vadd.f32 v17, v6;
	v22 =	vld [tilespmem:s14+$0xFFFFFFF0];
	v24 =	vadd.s32 v3, v12  }
0x128: {  	v30 =	vmovc v11;
	v27 =	vld [tilespmem:s18+$0xFFFFFF10];
	v28 =	vmov s16;
	s16 =	sadd.s32 $0x2, s20;
	v29 =	vadd.s32 v0, v26;
	[tilespmem:v21+s29+$0x0] =	vst.idx.msk $0xffff, v25;
	v16 =	vadd.f32 v16, v4;
	s20 =	smov.u32 s0  }
0x129: {  	v12 =	vmovc v8;
	v21 =	vld [tilespmem:s18+$0xFFFFFF50];
	v11 =	vmov s16;
	[tilespmem:v14+s29+$0x0] =	vst.idx.msk $0xffff, v17;
	v14 =	vadd.s32 v2, v7;
	v15 =	vadd.f32 v15, v4  }
0x12a: {  	v17 =	vadd.s32 v0, v13;
	v28 =	vand.u32 $0x7D, v28;
	v25 =	vld [tilespmem:s18+$0xFFFFFF90];
	v31 =	vadd.f32 v18, v4;
	[tilespmem:v19+s29+$0x0] =	vst.idx.msk $0xffff, v16  }
0x12b: {  	v16 =	vadd.s32 v0, v28;
	v11 =	vand.u32 $0x7E, v11;
	v18 =	vadd.f32 v23, v9;
	v19 =	vld [tilespmem:s14+$0xFFFFFF70];
	[tilespmem:v20+s29+$0x0] =	vst.idx.msk $0xffff, v15  }
0x12c: {  	v8 =	vmov v13;
	v15 =	vadd.s32 v0, v11;
	v20 =	vld [tilespmem:s14+$0xFFFFFFB0];
	v22 =	vadd.f32 v22, v5;
	[tilespmem:v24+s29+$0x0] =	vst.idx.msk $0xffff, v31  }
0x12d: {  	v23 =	vadd.s32 v2, v10;
	v13 =	vadd.f32 v27, v9;
	[tilespmem:v29+s29+$0x0] =	vst.idx.msk $0xffff, v18;
	v18 =	vld [tilespmem:s14+$0xFFFFFF30]  }
0x12e: {  	v27 =	vadd.s32 v2, v30;
	v21 =	vadd.f32 v21, v9;
	v24 =	vld [tilespmem:s18+$0xFFFFFFE0];
	[tilespmem:v14+s29+$0x0] =	vst.idx.msk $0xffff, v22  }
0x12f: {  	[tilespmem:v17+s29+$0x0] =	vst.idx.msk $0xffff, v13;
	v13 =	vadd.f32 v25, v9;
	v25 =	vadd.s32 v2, v12;
	v29 =	vld [tilespmem:s14+$0x0]  }
0x130: {  	v32 =	vadd.s32 v1, v26;
	v31 =	vld [tilespmem:s18+$0xFFFFFF20];
	[tilespmem:v16+s29+$0x0] =	vst.idx.msk $0xffff, v21;
	v14 =	vadd.f32 v19, v5  }
0x131: {  	v34 =	vadd.s32 v3, v7;
	v7 =	vmov v26;
	v33 =	vld [tilespmem:s18+$0xFFFFFF60];
	[tilespmem:v15+s29+$0x0] =	vst.idx.msk $0xffff, v13;
	v13 =	vadd.f32 v20, v5  }
.Ltmp3:
0x132: {  	v22 =	vadd.s32 v1, v8;
	v17 =	vld [tilespmem:s18+$0xFFFFFFA0];
	v15 =	vadd.f32 v18, v5;
	[tilespmem:v23+s29+$0x0] =	vst.idx.msk $0xffff, v14;
	(pc) =	sbr.rel @p0 .LBB2_8-.Ltmp3, $4  }
0x133: {  	v21 =	vadd.s32 v1, v28;
	v18 =	vadd.f32 v24, v6;
	v16 =	vld [tilespmem:s14+$0xFFFFFF80];
	[tilespmem:v27+s29+$0x0] =	vst.idx.msk $0xffff, v13  }
0x134: {  	v14 =	vadd.s32 v1, v11;
	v13 =	vmov s0;
	[tilespmem:v25+s29+$0x0] =	vst.idx.msk $0xffff, v15;
	v15 =	vld [tilespmem:s14+$0xFFFFFFC0];
	v27 =	vadd.f32 v29, v4  }
0x135: {  	s16 =	sadd.s32 $0x3, s0;
	v19 =	vadd.s32 v3, v10;
	v13 =	vand.u32 $0x7C, v13;
	v24 =	vadd.f32 v31, v6;
	[tilespmem:v32+s29+$0x0] =	vst.idx.msk $0xffff, v18;
	v18 =	vld [tilespmem:s14+$0xFFFFFF40];
	s14 =	smov.u32 s18;
	s18 =	sadd.s32 $0x100, s18  }
0x136: {  	v26 =	vmov s16;
	v10 =	vmovc v28;
	v20 =	vadd.s32 v3, v30;
	s0 =	sadd.s32 $0x4, s0;
	v23 =	vld [tilespmem:s18+$0xFFFFFFD0];
	v25 =	vadd.f32 v33, v6;
	[tilespmem:v34+s29+$0x0] =	vst.idx.msk $0xffff, v27  }
0x137: {  	s0 =	sadd.s32 $0x1, s20  }
0x138: {  	v26 =	vand.u32 $0x7F, v26;
	s26 =	sadd.s32 $0x2, s20;
	v28 =	vld [tilespmem:s18+$0xFFFFFF50];
	v27 =	vmov s0  }
0x139: {  	v31 =	vld [tilespmem:s18+$0xFFFFFF90];
	v29 =	vadd.s32 v0, v26;
	v30 =	vmov s26;
	v27 =	vand.u32 $0x7D, v27  }
0x13a: {  	v32 =	vld [tilespmem:s18+$0xFFFFFF10];
	v30 =	vand.u32 $0x7E, v30;
	v33 =	vadd.s32 v0, v27  }
0x13b: {  	v34 =	vadd.s32 v0, v30  }
0x13c: {  	[tilespmem:v22+s29+$0x0] =	vst.idx.msk $0xffff, v24;
	v22 =	vadd.s32 v0, v13;
	v23 =	vadd.f32 v23, v9  }
0x13d: {  	[tilespmem:v21+s29+$0x0] =	vst.idx.msk $0xffff, v25;
	v21 =	vadd.f32 v28, v9  }
0x13e: {  	[tilespmem:v29+s29+$0x0] =	vst.idx.msk $0xffff, v23;
	v23 =	vadd.f32 v31, v9  }
0x13f: {  	v9 =	vadd.f32 v32, v9;
	v24 =	vld [tilespmem:s18+$0xFFFFFFE0];
	[tilespmem:v33+s29+$0x0] =	vst.idx.msk $0xffff, v21  }
0x140: {  	v17 =	vadd.f32 v17, v6;
	v12 =	vadd.s32 v3, v12;
	[tilespmem:v34+s29+$0x0] =	vst.idx.msk $0xffff, v23;
	v21 =	vld [tilespmem:s18+$0xFFFFFF60]  }
0x141: {  	v16 =	vadd.f32 v16, v4;
	[tilespmem:v22+s29+$0x0] =	vst.idx.msk $0xffff, v9;
	v9 =	vadd.s32 v1, v26;
	v22 =	vld [tilespmem:s18+$0xFFFFFFA0]  }
0x142: {  	[tilespmem:v14+s29+$0x0] =	vst.idx.msk $0xffff, v17;
	v14 =	vadd.f32 v15, v4;
	v17 =	vadd.s32 v1, v27;
	v15 =	vld [tilespmem:s18+$0xFFFFFF20]  }
0x143: {  	v18 =	vadd.f32 v18, v4;
	[tilespmem:v19+s29+$0x0] =	vst.idx.msk $0xffff, v16;
	v16 =	vadd.s32 v1, v30;
	v23 =	vld [tilespmem:s14+$0xFFFFFFF0]  }
0x144: {  	v19 =	vld [tilespmem:s14+$0xFFFFFF70];
	[tilespmem:v20+s29+$0x0] =	vst.idx.msk $0xffff, v14;
	v14 =	vadd.s32 v1, v13;
	v20 =	vadd.f32 v24, v6  }
0x145: {  	v25 =	vld [tilespmem:s14+$0xFFFFFFB0];
	[tilespmem:v12+s29+$0x0] =	vst.idx.msk $0xffff, v18;
	v24 =	vadd.s32 v2, v7;
	v12 =	vadd.f32 v21, v6  }
0x146: {  	v18 =	vld [tilespmem:s14+$0xFFFFFF30];
	v21 =	vadd.s32 v2, v10;
	[tilespmem:v9+s29+$0x0] =	vst.idx.msk $0xffff, v20;
	v9 =	vadd.f32 v22, v6  }
0x147: {  	v20 =	vadd.s32 v2, v11;
	v6 =	vadd.f32 v15, v6;
	v15 =	vld [tilespmem:s18+$0xFFFFFFF0];
	[tilespmem:v17+s29+$0x0] =	vst.idx.msk $0xffff, v12  }
0x148: {  	v12 =	vadd.f32 v23, v5;
	v17 =	vadd.s32 v2, v8;
	[tilespmem:v16+s29+$0x0] =	vst.idx.msk $0xffff, v9;
	v9 =	vld [tilespmem:s18+$0xFFFFFF70]  }
0x149: {  	v16 =	vadd.f32 v19, v5;
	[tilespmem:v14+s29+$0x0] =	vst.idx.msk $0xffff, v6;
	v6 =	vadd.s32 v2, v26;
	v14 =	vld [tilespmem:s18+$0xFFFFFFB0]  }
0x14a: {  	v22 =	vadd.s32 v2, v27;
	v19 =	vld [tilespmem:s18+$0xFFFFFF30];
	[tilespmem:v24+s29+$0x0] =	vst.idx.msk $0xffff, v12;
	v12 =	vadd.f32 v25, v5  }
0x14b: {  	v18 =	vadd.f32 v18, v5;
	v23 =	vld [tilespmem:s14+$0x0];
	[tilespmem:v21+s29+$0x0] =	vst.idx.msk $0xffff, v16;
	v16 =	vadd.s32 v2, v30  }
0x14c: {  	v21 =	vld [tilespmem:s14+$0xFFFFFF80];
	[tilespmem:v20+s29+$0x0] =	vst.idx.msk $0xffff, v12;
	v12 =	vadd.f32 v15, v5;
	v15 =	vadd.s32 v2, v13  }
0x14d: {  	v7 =	vadd.s32 v3, v7;
	[tilespmem:v17+s29+$0x0] =	vst.idx.msk $0xffff, v18;
	v17 =	vld [tilespmem:s14+$0xFFFFFFC0];
	v9 =	vadd.f32 v9, v5  }
0x14e: {  	v10 =	vadd.s32 v3, v10;
	v18 =	vld [tilespmem:s14+$0xFFFFFF40];
	[tilespmem:v6+s29+$0x0] =	vst.idx.msk $0xffff, v12;
	v6 =	vadd.f32 v14, v5  }
0x14f: {  	v11 =	vadd.s32 v3, v11;
	v5 =	vadd.f32 v19, v5;
	v12 =	vld [tilespmem:s18+$0x0];
	[tilespmem:v22+s29+$0x0] =	vst.idx.msk $0xffff, v9  }
0x150: {  	v8 =	vadd.s32 v3, v8;
	v9 =	vadd.f32 v23, v4;
	[tilespmem:v16+s29+$0x0] =	vst.idx.msk $0xffff, v6;
	v14 =	vld [tilespmem:s18+$0xFFFFFF80]  }
0x151: {  	v16 =	vadd.s32 v3, v26;
	v6 =	vadd.f32 v21, v4;
	[tilespmem:v15+s29+$0x0] =	vst.idx.msk $0xffff, v5;
	v5 =	vld [tilespmem:s18+$0xFFFFFFC0]  }
0x152: {  	v15 =	vadd.s32 v3, v27;
	[tilespmem:v7+s29+$0x0] =	vst.idx.msk $0xffff, v9;
	v7 =	vadd.f32 v17, v4;
	v9 =	vld [tilespmem:s18+$0xFFFFFF40]  }
0x153: {  	v17 =	vadd.f32 v18, v4;
	[tilespmem:v10+s29+$0x0] =	vst.idx.msk $0xffff, v6;
	v6 =	vadd.s32 v3, v30  }
0x154: {  	v10 =	vadd.s32 v3, v13;
	[tilespmem:v11+s29+$0x0] =	vst.idx.msk $0xffff, v7;
	v7 =	vadd.f32 v12, v4  }
0x155: {  	[tilespmem:v8+s29+$0x0] =	vst.idx.msk $0xffff, v17;
	v8 =	vadd.f32 v14, v4  }
0x156: {  	[tilespmem:v16+s29+$0x0] =	vst.idx.msk $0xffff, v7;
	v5 =	vadd.f32 v5, v4  }
0x157: {  	v4 =	vadd.f32 v9, v4;
	[tilespmem:v15+s29+$0x0] =	vst.idx.msk $0xffff, v8  }
0x158: {  	[tilespmem:v6+s29+$0x0] =	vst.idx.msk $0xffff, v5  }
0x159: {  	[tilespmem:v10+s29+$0x0] =	vst.idx.msk $0xffff, v4  }
0x15a: {  	s31 =	simm.s32 $0x3;
	s0 =	simm.s32 $0xC400;
	v9 =	vld [tilespmem:$0x16CC0]  }
0x15b: {  	v4 =	vmov s31;
	v7 =	vld [tilespmem:s0+$0xC0]  }
0x15c: {  	v13 =	vand.u32 $0x7F, v4  }
0x15d: {  	s16 =	simm.s32 $0x0;
	v6 =	vld [tilespmem:$0x16CD0];
	v8 =	vadd.s32 v0, v13  }
0x15e: {  	s17 =	simm.s32 $0x1;
	v4 =	vmov s16;
	v10 =	vld [tilespmem:s0+$0x0];
	s16 =	simm.s32 $0x2  }
0x15f: {  	v11 =	vld [tilespmem:s0+$0x40];
	v12 =	vand.u32 $0x7C, v4;
	v4 =	vmov s17;
	v14 =	vmov s16  }
0x160: {  	v16 =	vld [tilespmem:s0+$0x80];
	v15 =	vadd.s32 v0, v12;
	v19 =	vand.u32 $0x7D, v4;
	v7 =	vadd.f32 v7, v9  }
0x161: {  	v5 =	vld [tilespmem:$0x16CE0];
	v20 =	vand.u32 $0x7E, v14;
	v17 =	vadd.s32 v0, v19  }
0x162: {  	v4 =	vld [tilespmem:$0x16CF0];
	v14 =	vadd.s32 v0, v20;
	[tilespmem:v8+s30+$0x0] =	vst.idx.msk $0xffff, v7  }
0x163: {  	v7 =	vadd.f32 v10, v9;
	v8 =	vld [tilespmem:s0+$0xD0]  }
0x164: {  	v10 =	vadd.f32 v11, v9  }
0x165: {  	v11 =	vadd.s32 v1, v13;
	[tilespmem:v15+s30+$0x0] =	vst.idx.msk $0xffff, v7;
	v7 =	vadd.f32 v16, v9  }
0x166: {  	[tilespmem:v17+s30+$0x0] =	vst.idx.msk $0xffff, v10;
	v15 =	vld [tilespmem:s0+$0x10]  }
0x167: {  	v10 =	vld [tilespmem:s0+$0x50];
	[tilespmem:v14+s30+$0x0] =	vst.idx.msk $0xffff, v7  }
0x168: {  	v14 =	vld [tilespmem:s0+$0x90];
	v7 =	vadd.f32 v8, v6  }
0x169: {  	s20 =	simm.s32 $0x7;
	s14 =	simm.s32 $0xC500;
	v16 =	vadd.s32 v1, v19  }
0x16a: {  	s18 =	simm.s32 $0x4;
	v18 =	vld [tilespmem:s14+$0xC0];
	v26 =	vadd.s32 v2, v13;
	v17 =	vadd.s32 v1, v20;
	[tilespmem:v11+s30+$0x0] =	vst.idx.msk $0xffff, v7;
	v7 =	vmov s20  }
0x16b: {  	v21 =	vadd.s32 v1, v12;
	v8 =	vmov s18;
	v7 =	vand.u32 $0x7F, v7;
	v22 =	vld [tilespmem:s0+$0xE0]  }
0x16c: {  	s25 =	simm.s32 $0x5;
	v23 =	vld [tilespmem:s14+$0x0];
	v8 =	vand.u32 $0x7C, v8;
	v10 =	vadd.f32 v10, v6;
	v24 =	vadd.s32 v0, v7  }
0x16d: {  	s26 =	simm.s32 $0x6;
	v25 =	vld [tilespmem:s14+$0x40];
	v15 =	vadd.f32 v15, v6;
	v11 =	vadd.f32 v14, v6;
	v14 =	vmov s25  }
0x16e: {  	v27 =	vadd.s32 v0, v8;
	[tilespmem:v16+s30+$0x0] =	vst.idx.msk $0xffff, v10;
	v16 =	vmov s26;
	v10 =	vand.u32 $0x7D, v14;
	v14 =	vld [tilespmem:s14+$0x80]  }
0x16f: {  	[tilespmem:v17+s30+$0x0] =	vst.idx.msk $0xffff, v11;
	v17 =	vadd.s32 v0, v10;
	v11 =	vand.u32 $0x7E, v16;
	v16 =	vadd.f32 v18, v9;
	v18 =	vld [tilespmem:s0+$0x60]  }
0x170: {  	[tilespmem:v21+s30+$0x0] =	vst.idx.msk $0xffff, v15;
	v15 =	vadd.s32 v0, v11;
	v21 =	vld [tilespmem:s0+$0xA0];
	v22 =	vadd.f32 v22, v5  }
0x171: {  	v23 =	vadd.f32 v23, v9;
	[tilespmem:v24+s30+$0x0] =	vst.idx.msk $0xffff, v16;
	v16 =	vld [tilespmem:s0+$0x20];
	v24 =	vadd.s32 v2, v19  }
0x172: {  	v60 =	vadd.s32 v2, v20;
	v25 =	vadd.f32 v25, v9;
	v59 =	vld [tilespmem:s14+$0xD0];
	[tilespmem:v26+s30+$0x0] =	vst.idx.msk $0xffff, v22  }
0x173: {  	[tilespmem:v27+s30+$0x0] =	vst.idx.msk $0xffff, v23;
	v23 =	vadd.s32 v2, v12;
	v14 =	vadd.f32 v14, v9;
	v26 =	vld [tilespmem:s0+$0xF0]  }
0x174: {  	v27 =	vld [tilespmem:s14+$0x10];
	[tilespmem:v17+s30+$0x0] =	vst.idx.msk $0xffff, v25;
	v25 =	vadd.s32 v1, v7;
	v18 =	vadd.f32 v18, v5  }
0x175: {  	v62 =	vadd.s32 v3, v13;
	v61 =	vld [tilespmem:s14+$0x50];
	[tilespmem:v15+s30+$0x0] =	vst.idx.msk $0xffff, v14;
	v14 =	vadd.f32 v21, v5  }
0x176: {  	v22 =	vadd.s32 v1, v8;
	v17 =	vld [tilespmem:s14+$0x90];
	v13 =	vadd.f32 v16, v5;
	[tilespmem:v24+s30+$0x0] =	vst.idx.msk $0xffff, v18  }
0x177: {  	s20 =	simm.s32 $0x8;
	v21 =	vadd.s32 v1, v10;
	[tilespmem:v60+s30+$0x0] =	vst.idx.msk $0xffff, v14;
	v18 =	vadd.f32 v59, v6;
	v16 =	vld [tilespmem:s0+$0x70]  }
0x178: {  	v24 =	vmov s20;
	v14 =	vadd.s32 v1, v11;
	v15 =	vld [tilespmem:s0+$0xB0];
	[tilespmem:v23+s30+$0x0] =	vst.idx.msk $0xffff, v13;
	v63 =	vadd.f32 v26, v4  }
0x179: {  	s31 =	simm.s32 $0xB;
	s18 =	simm.s32 $0xC600;
	v19 =	vadd.s32 v3, v19;
	v13 =	vand.u32 $0x7C, v24;
	v24 =	vadd.f32 v27, v6;
	[tilespmem:v25+s30+$0x0] =	vst.idx.msk $0xffff, v18;
	v18 =	vld [tilespmem:s0+$0x30]  }
0x17a: {  	v20 =	vadd.s32 v3, v20;
	v26 =	vmov s31;
	v23 =	vld [tilespmem:s18+$0xC0];
	s0 =	simm.s32 $0xC;
	v25 =	vadd.f32 v61, v6;
	[tilespmem:v62+s30+$0x0] =	vst.idx.msk $0xffff, v63  }
.LBB2_10:
0x17b: {  	p0 =	slt.u32 s0, $0x7C;
	s16 =	sadd.s32 $0x1, s20;
	v26 =	vand.u32 $0x7F, v26;
	[tilespmem:v22+s30+$0x0] =	vst.idx.msk $0xffff, v24;
	v17 =	vadd.f32 v17, v6;
	v22 =	vld [tilespmem:s14+$0xE0];
	v24 =	vadd.s32 v3, v12  }
0x17c: {  	v30 =	vmovc v11;
	v27 =	vld [tilespmem:s18+$0x0];
	v28 =	vmov s16;
	s16 =	sadd.s32 $0x2, s20;
	v29 =	vadd.s32 v0, v26;
	[tilespmem:v21+s30+$0x0] =	vst.idx.msk $0xffff, v25;
	v16 =	vadd.f32 v16, v4;
	s20 =	smov.u32 s0  }
0x17d: {  	v12 =	vmovc v8;
	v21 =	vld [tilespmem:s18+$0x40];
	v11 =	vmov s16;
	[tilespmem:v14+s30+$0x0] =	vst.idx.msk $0xffff, v17;
	v14 =	vadd.s32 v2, v7;
	v15 =	vadd.f32 v15, v4  }
0x17e: {  	v17 =	vadd.s32 v0, v13;
	v28 =	vand.u32 $0x7D, v28;
	v25 =	vld [tilespmem:s18+$0x80];
	v31 =	vadd.f32 v18, v4;
	[tilespmem:v19+s30+$0x0] =	vst.idx.msk $0xffff, v16  }
0x17f: {  	v16 =	vadd.s32 v0, v28;
	v11 =	vand.u32 $0x7E, v11;
	v18 =	vadd.f32 v23, v9;
	v19 =	vld [tilespmem:s14+$0x60];
	[tilespmem:v20+s30+$0x0] =	vst.idx.msk $0xffff, v15  }
0x180: {  	v8 =	vmov v13;
	v15 =	vadd.s32 v0, v11;
	v20 =	vld [tilespmem:s14+$0xA0];
	v22 =	vadd.f32 v22, v5;
	[tilespmem:v24+s30+$0x0] =	vst.idx.msk $0xffff, v31  }
0x181: {  	v23 =	vadd.s32 v2, v10;
	v13 =	vadd.f32 v27, v9;
	[tilespmem:v29+s30+$0x0] =	vst.idx.msk $0xffff, v18;
	v18 =	vld [tilespmem:s14+$0x20]  }
0x182: {  	v27 =	vadd.s32 v2, v30;
	v21 =	vadd.f32 v21, v9;
	v24 =	vld [tilespmem:s18+$0xD0];
	[tilespmem:v14+s30+$0x0] =	vst.idx.msk $0xffff, v22  }
0x183: {  	[tilespmem:v17+s30+$0x0] =	vst.idx.msk $0xffff, v13;
	v13 =	vadd.f32 v25, v9;
	v25 =	vadd.s32 v2, v12;
	v29 =	vld [tilespmem:s14+$0xF0]  }
0x184: {  	v32 =	vadd.s32 v1, v26;
	v31 =	vld [tilespmem:s18+$0x10];
	[tilespmem:v16+s30+$0x0] =	vst.idx.msk $0xffff, v21;
	v14 =	vadd.f32 v19, v5  }
0x185: {  	v34 =	vadd.s32 v3, v7;
	v7 =	vmov v26;
	v33 =	vld [tilespmem:s18+$0x50];
	[tilespmem:v15+s30+$0x0] =	vst.idx.msk $0xffff, v13;
	v13 =	vadd.f32 v20, v5  }
.Ltmp4:
0x186: {  	v22 =	vadd.s32 v1, v8;
	v17 =	vld [tilespmem:s18+$0x90];
	v15 =	vadd.f32 v18, v5;
	[tilespmem:v23+s30+$0x0] =	vst.idx.msk $0xffff, v14;
	(pc) =	sbr.rel @p0 .LBB2_10-.Ltmp4, $4  }
0x187: {  	v21 =	vadd.s32 v1, v28;
	v18 =	vadd.f32 v24, v6;
	v16 =	vld [tilespmem:s14+$0x70];
	[tilespmem:v27+s30+$0x0] =	vst.idx.msk $0xffff, v13  }
0x188: {  	v14 =	vadd.s32 v1, v11;
	v13 =	vmov s0;
	[tilespmem:v25+s30+$0x0] =	vst.idx.msk $0xffff, v15;
	v15 =	vld [tilespmem:s14+$0xB0];
	v27 =	vadd.f32 v29, v4  }
0x189: {  	s16 =	sadd.s32 $0x3, s0;
	v19 =	vadd.s32 v3, v10;
	v13 =	vand.u32 $0x7C, v13;
	v24 =	vadd.f32 v31, v6;
	[tilespmem:v32+s30+$0x0] =	vst.idx.msk $0xffff, v18;
	v18 =	vld [tilespmem:s14+$0x30];
	s14 =	smov.u32 s18;
	s18 =	sadd.s32 $0x100, s18  }
0x18a: {  	v26 =	vmov s16;
	v10 =	vmovc v28;
	v20 =	vadd.s32 v3, v30;
	s0 =	sadd.s32 $0x4, s0;
	v23 =	vld [tilespmem:s18+$0xC0];
	v25 =	vadd.f32 v33, v6;
	[tilespmem:v34+s30+$0x0] =	vst.idx.msk $0xffff, v27  }
0x18b: {  	s0 =	sadd.s32 $0x1, s20  }
0x18c: {  	v26 =	vand.u32 $0x7F, v26;
	s31 =	sadd.s32 $0x2, s20;
	v28 =	vld [tilespmem:s18+$0x40];
	v27 =	vmov s0  }
0x18d: {  	v31 =	vld [tilespmem:s18+$0x80];
	v29 =	vadd.s32 v0, v26;
	v30 =	vmov s31;
	v27 =	vand.u32 $0x7D, v27  }
0x18e: {  	v32 =	vld [tilespmem:s18+$0x0];
	v30 =	vand.u32 $0x7E, v30;
	v33 =	vadd.s32 v0, v27  }
0x18f: {  	v34 =	vadd.s32 v0, v30  }
0x190: {  	[tilespmem:v22+s30+$0x0] =	vst.idx.msk $0xffff, v24;
	v44 =	vadd.s32 v0, v13;
	v23 =	vadd.f32 v23, v9  }
0x191: {  	[tilespmem:v21+s30+$0x0] =	vst.idx.msk $0xffff, v25;
	v45 =	vadd.f32 v28, v9  }
0x192: {  	v46 =	vadd.f32 v31, v9;
	[tilespmem:v29+s30+$0x0] =	vst.idx.msk $0xffff, v23  }
0x193: {  	v47 =	vadd.f32 v32, v9;
	v48 =	vld [tilespmem:s18+$0xD0];
	[tilespmem:v33+s30+$0x0] =	vst.idx.msk $0xffff, v45  }
0x194: {  	v17 =	vadd.f32 v17, v6;
	v12 =	vadd.s32 v3, v12;
	[tilespmem:v34+s30+$0x0] =	vst.idx.msk $0xffff, v46;
	v21 =	vld [tilespmem:s18+$0x50]  }
0x195: {  	v16 =	vadd.f32 v16, v4;
	v49 =	vadd.s32 v1, v26;
	[tilespmem:v44+s30+$0x0] =	vst.idx.msk $0xffff, v47;
	v50 =	vld [tilespmem:s18+$0x90]  }
0x196: {  	[tilespmem:v14+s30+$0x0] =	vst.idx.msk $0xffff, v17;
	v51 =	vadd.f32 v15, v4;
	v53 =	vadd.s32 v1, v27;
	v52 =	vld [tilespmem:s18+$0x10]  }
0x197: {  	v54 =	vld [tilespmem:s14+$0xE0];
	v18 =	vadd.f32 v18, v4;
	[tilespmem:v19+s30+$0x0] =	vst.idx.msk $0xffff, v16;
	v55 =	vadd.s32 v1, v30  }
0x198: {  	v57 =	vadd.s32 v1, v13;
	v60 =	vld [tilespmem:s14+$0xA0];
	[tilespmem:v20+s30+$0x0] =	vst.idx.msk $0xffff, v51;
	v58 =	vadd.f32 v48, v6  }
0x199: {  	v59 =	vadd.s32 v2, v7;
	v56 =	vld [tilespmem:s14+$0x60];
	[tilespmem:v12+s30+$0x0] =	vst.idx.msk $0xffff, v18;
	v61 =	vadd.f32 v21, v6  }
0x19a: {  	v62 =	vld [tilespmem:s14+$0x20];
	v29 =	vadd.s32 v2, v11;
	[tilespmem:v49+s30+$0x0] =	vst.idx.msk $0xffff, v58;
	v28 =	vadd.f32 v50, v6  }
0x19b: {  	v63 =	vadd.s32 v2, v10;
	v31 =	vadd.f32 v52, v6;
	v32 =	vld [tilespmem:s18+$0xE0];
	[tilespmem:v53+s30+$0x0] =	vst.idx.msk $0xffff, v61  }
0x19c: {  	v33 =	vadd.f32 v54, v5;
	v34 =	vadd.s32 v2, v8;
	[tilespmem:v55+s30+$0x0] =	vst.idx.msk $0xffff, v28;
	v35 =	vld [tilespmem:s18+$0x60]  }
0x19d: {  	v37 =	vadd.s32 v2, v26;
	v39 =	vadd.f32 v60, v5;
	[tilespmem:v57+s30+$0x0] =	vst.idx.msk $0xffff, v31;
	v38 =	vld [tilespmem:s18+$0xA0]  }
0x19e: {  	v41 =	vadd.s32 v2, v27;
	v36 =	vadd.f32 v56, v5;
	[tilespmem:v59+s30+$0x0] =	vst.idx.msk $0xffff, v33;
	v40 =	vld [tilespmem:s18+$0x20]  }
0x19f: {  	v43 =	vadd.s32 v2, v30;
	v18 =	vadd.f32 v62, v5;
	v42 =	vld [tilespmem:s14+$0xF0];
	[tilespmem:v29+s30+$0x0] =	vst.idx.msk $0xffff, v39  }
0x1a0: {  	v45 =	vadd.s32 v2, v13;
	[tilespmem:v63+s30+$0x0] =	vst.idx.msk $0xffff, v36;
	v47 =	vld [tilespmem:s14+$0xB0];
	v44 =	vadd.f32 v32, v5  }
0x1a1: {  	v46 =	vadd.s32 v3, v7;
	[tilespmem:v34+s30+$0x0] =	vst.idx.msk $0xffff, v18;
	v21 =	vld [tilespmem:s14+$0x70];
	v9 =	vadd.f32 v35, v5  }
0x1a2: {  	v18 =	vld [tilespmem:s14+$0x30];
	v50 =	vadd.s32 v3, v11;
	[tilespmem:v37+s30+$0x0] =	vst.idx.msk $0xffff, v44;
	v49 =	vadd.f32 v38, v5  }
0x1a3: {  	v48 =	vadd.s32 v3, v10;
	v5 =	vadd.f32 v40, v5;
	v12 =	vld [tilespmem:s18+$0xF0];
	[tilespmem:v41+s30+$0x0] =	vst.idx.msk $0xffff, v9  }
0x1a4: {  	v52 =	vadd.s32 v3, v8;
	v51 =	vadd.f32 v42, v4;
	[tilespmem:v43+s30+$0x0] =	vst.idx.msk $0xffff, v49;
	v53 =	vld [tilespmem:s18+$0x70]  }
0x1a5: {  	v55 =	vadd.s32 v3, v26;
	v56 =	vadd.f32 v47, v4;
	[tilespmem:v45+s30+$0x0] =	vst.idx.msk $0xffff, v5;
	v5 =	vld [tilespmem:s18+$0xB0]  }
0x1a6: {  	v58 =	vadd.s32 v3, v27;
	[tilespmem:v46+s30+$0x0] =	vst.idx.msk $0xffff, v51;
	v54 =	vadd.f32 v21, v4;
	v57 =	vld [tilespmem:s18+$0x30]  }
0x1a7: {  	v60 =	vadd.s32 v3, v30;
	v59 =	vadd.f32 v18, v4;
	[tilespmem:v50+s30+$0x0] =	vst.idx.msk $0xffff, v56  }
0x1a8: {  	v62 =	vadd.s32 v3, v13;
	[tilespmem:v48+s30+$0x0] =	vst.idx.msk $0xffff, v54;
	v61 =	vadd.f32 v12, v4  }
0x1a9: {  	[tilespmem:v52+s30+$0x0] =	vst.idx.msk $0xffff, v59;
	v63 =	vadd.f32 v53, v4  }
0x1aa: {  	[tilespmem:v55+s30+$0x0] =	vst.idx.msk $0xffff, v61;
	v5 =	vadd.f32 v5, v4  }
0x1ab: {  	v4 =	vadd.f32 v57, v4;
	[tilespmem:v58+s30+$0x0] =	vst.idx.msk $0xffff, v63  }
0x1ac: {  	[tilespmem:v60+s30+$0x0] =	vst.idx.msk $0xffff, v5  }
0x1ad: {  	s16 =	simm.s32 $0x300;
	[tilespmem:v62+s30+$0x0] =	vst.idx.msk $0xffff, v4  }
0x1ae: {  	[tilespmem:s19], [sflag:$0x2] =	stream.indirect.gather [hbm4b:s5+s15], $0x40, s16, s15, $0xb8;
	[tilespmem:$0x19E00] =	vst v63  }
0x1af: {  	s17 =	simm.s32 $0x380  }
0x1b0: {  	[tilespmem:s21], [sflag:$0x2] =	stream.indirect.gather [hbm4b:s5+s15], $0x40, s17, s15, $0xb8;
	[tilespmem:$0x19E00] =	vst v63  }
0x1b1: {  	s18 =	simm.s32 $0x12800  }
0x1b2: {  	[hbm4b:s9+s3] =	stream.linear.scatter [tilespmem:s18], [sflag:$0x4], $0x80, $0x38;
	[tilespmem:$0x19E00] =	vst v63  }
0x1b3: {  	s20 =	simm.s32 $0x12888;
	s25 =	sadd.s32 $0x10, s9  }
0x1b4: {  	[hbm4b:s25+s3] =	stream.linear.scatter [tilespmem:s20], [sflag:$0x4], $0x80, $0x38;
	[tilespmem:$0x19E00] =	vst v63  }
0x1b5: {  	s26 =	simm.s32 $0x12910;
	s31 =	sadd.s32 $0x20, s9;
	s0 =	simm.s32 $0x440  }
0x1b6: {  	[hbm4b:s31+s3] =	stream.linear.scatter [tilespmem:s26], [sflag:$0x4], $0x80, $0x38;
	[tilespmem:$0x19E00] =	vst v63  }
0x1b7: {  	s14 =	simm.s32 $0x12998;
	s16 =	sadd.s32 $0x30, s9;
	s17 =	simm.s32 $0x12A20  }
0x1b8: {  	[hbm4b:s16+s3] =	stream.linear.scatter [tilespmem:s14], [sflag:$0x4], $0x80, $0x38;
	[tilespmem:$0x19E00] =	vst v63  }
0x1b9: {  	s18 =	sadd.s32 $0x40, s9;
	s20 =	simm.s32 $0x12AA8;
	s25 =	sadd.s32 $0x50, s9  }
0x1ba: {  	[hbm4b:s18+s3] =	stream.linear.scatter [tilespmem:s17], [sflag:$0x4], $0x80, $0x38;
	[tilespmem:$0x19E00] =	vst v63  }
0x1bb: {  	s26 =	simm.s32 $0x12B30;
	s31 =	sadd.s32 $0x60, s9;
	s16 =	simm.s32 $0x2200  }
0x1bc: {  	[hbm4b:s25+s3] =	stream.linear.scatter [tilespmem:s20], [sflag:$0x4], $0x80, $0x38;
	[tilespmem:$0x19E00] =	vst v63  }
0x1bd: {  	s14 =	sadd.s32 $0x1000, s9;
	s18 =	simm.s32 $0x12BB8;
	s20 =	sadd.s32 $0x70, s9  }
0x1be: {  	[hbm4b:s31+s3] =	stream.linear.scatter [tilespmem:s26], [sflag:$0x4], $0x80, $0x38;
	[tilespmem:$0x19E00] =	vst v63  }
.LBB2_12:
0x1bf: {  	[hbm4b:s20+s3] =	stream.linear.scatter [tilespmem:s18], [sflag:$0x4], $0x80, $0x38;
	[tilespmem:$0x19E00] =	vst v63  }
0x1c0: {  	s18 =	smov.u32 s0;
	s0 =	smov.u32 s16  }
0x1c1: {  	s25 =	sadd.s32 $0x1100, s16;
	s0 =	sshra.s32 s0, $0x2;
	s20 =	sadd.s32 $0x12800, s18  }
0x1c2: {  	[hbm4b:s14+s3] =	stream.linear.scatter [tilespmem:s20], [sflag:$0x4], $0x80, $0x38;
	[tilespmem:$0x19E00] =	vst v63  }
0x1c3: {  	p0 =	sne.s32 s16, $0xFF00;
	s16 =	sadd.s32 $0x12888, s18;
	s20 =	sadd.s32 $0x10, s14  }
0x1c4: {  	[hbm4b:s20+s3] =	stream.linear.scatter [tilespmem:s16], [sflag:$0x4], $0x80, $0x38;
	[tilespmem:$0x19E00] =	vst v63  }
0x1c5: {  	s16 =	sadd.s32 $0x12910, s18;
	s20 =	sadd.s32 $0x20, s14  }
0x1c6: {  	[hbm4b:s20+s3] =	stream.linear.scatter [tilespmem:s16], [sflag:$0x4], $0x80, $0x38;
	[tilespmem:$0x19E00] =	vst v63  }
0x1c7: {  	s16 =	sadd.s32 $0x12998, s18;
	s20 =	sadd.s32 $0x30, s14  }
0x1c8: {  	[hbm4b:s20+s3] =	stream.linear.scatter [tilespmem:s16], [sflag:$0x4], $0x80, $0x38;
	[tilespmem:$0x19E00] =	vst v63  }
0x1c9: {  	s16 =	sadd.s32 $0x12A20, s18;
	s20 =	sadd.s32 $0x40, s14  }
0x1ca: {  	[hbm4b:s20+s3] =	stream.linear.scatter [tilespmem:s16], [sflag:$0x4], $0x80, $0x38;
	[tilespmem:$0x19E00] =	vst v63  }
.Ltmp5:
0x1cb: {  	s16 =	sadd.s32 $0x12AA8, s18;
	s20 =	sadd.s32 $0x50, s14;
	(pc) =	sbr.rel @p0 .LBB2_12-.Ltmp5, $4  }
0x1cc: {  	[hbm4b:s20+s3] =	stream.linear.scatter [tilespmem:s16], [sflag:$0x4], $0x80, $0x38;
	[tilespmem:$0x19E00] =	vst v63  }
0x1cd: {  	s16 =	sadd.s32 $0x12B30, s18;
	s20 =	sadd.s32 $0x60, s14;
	s18 =	sadd.s32 $0x12BB8, s18  }
0x1ce: {  	[hbm4b:s20+s3] =	stream.linear.scatter [tilespmem:s16], [sflag:$0x4], $0x80, $0x38;
	[tilespmem:$0x19E00] =	vst v63  }
0x1cf: {  	s20 =	sadd.s32 $0x70, s14;
	s14 =	sadd.s32 $0x1000, s14;
	s16 =	smov.u32 s25  }
0x1d0: {  	[hbm4b:s20+s3] =	stream.linear.scatter [tilespmem:s18], [sflag:$0x4], $0x80, $0x38;
	[tilespmem:$0x19E00] =	vst v63  }
0x1d1: {  	s16 =	sadd.s32 $0x12800, s0  }
0x1d2: {  	[hbm4b:s14+s3] =	stream.linear.scatter [tilespmem:s16], [sflag:$0x4], $0x80, $0x38;
	[tilespmem:$0x19E00] =	vst v63  }
0x1d3: {  	s25 =	sadd.s32 $0x12888, s0;
	s26 =	sadd.s32 $0x10, s14  }
0x1d4: {  	[hbm4b:s26+s3] =	stream.linear.scatter [tilespmem:s25], [sflag:$0x4], $0x80, $0x38;
	[tilespmem:$0x19E00] =	vst v63  }
0x1d5: {  	s31 =	sadd.s32 $0x12910, s0;
	s17 =	sadd.s32 $0x20, s14  }
0x1d6: {  	[hbm4b:s17+s3] =	stream.linear.scatter [tilespmem:s31], [sflag:$0x4], $0x80, $0x38;
	[tilespmem:$0x19E00] =	vst v63  }
0x1d7: {  	s18 =	sadd.s32 $0x12998, s0;
	s20 =	sadd.s32 $0x30, s14  }
0x1d8: {  	[hbm4b:s20+s3] =	stream.linear.scatter [tilespmem:s18], [sflag:$0x4], $0x80, $0x38;
	[tilespmem:$0x19E00] =	vst v63  }
0x1d9: {  	s25 =	sadd.s32 $0x12A20, s0;
	s26 =	sadd.s32 $0x40, s14  }
0x1da: {  	[hbm4b:s26+s3] =	stream.linear.scatter [tilespmem:s25], [sflag:$0x4], $0x80, $0x38;
	[tilespmem:$0x19E00] =	vst v63  }
0x1db: {  	s31 =	sadd.s32 $0x12AA8, s0;
	s17 =	sadd.s32 $0x50, s14  }
0x1dc: {  	[hbm4b:s17+s3] =	stream.linear.scatter [tilespmem:s31], [sflag:$0x4], $0x80, $0x38;
	[tilespmem:$0x19E00] =	vst v63  }
0x1dd: {  	s20 =	sadd.s32 $0x12B30, s0;
	s25 =	sadd.s32 $0x60, s14  }
0x1de: {  	[hbm4b:s25+s3] =	stream.linear.scatter [tilespmem:s20], [sflag:$0x4], $0x80, $0x38;
	[tilespmem:$0x19E00] =	vst v63  }
0x1df: {  	s26 =	sadd.s32 $0x12BB8, s0;
	s31 =	sadd.s32 $0x70, s14;
	s14 =	simm.s32 $0x1  }
0x1e0: {  	[hbm4b:s31+s3] =	stream.linear.scatter [tilespmem:s26], [sflag:$0x4], $0x80, $0x38;
	[tilespmem:$0x19E00] =	vst v63  }
.LBB2_14:
0x1e1: {  	_ =	swait.ge [sflag:s22], $0x2000  }
0x1e2: {  	[sflag:s22] =	ssyncset.done $0x0  }
0x1e3: {  	[sflag:s22] =	ssyncadd.s32 $0xFFFFE000  }
0x1e4: {  	_ =	swait.ge [sflag:s22], $0x2000  }
0x1e5: {  	[sflag:s22] =	ssyncset.done $0x0  }
0x1e6: {  	[sflag:s22] =	ssyncadd.s32 $0xFFFFE000  }
0x1e7: {  	_ =	swait.ge [sflag:s1], $0x4000  }
0x1e8: {  	s0 =	sshll.u32 s14, $0x8;
	[sflag:s1] =	ssyncset.done $0x0  }
0x1e9: {  	s18 =	sand.u32 $0x3FFFFF00, s0;
	[sflag:s1] =	ssyncadd.s32 $0xFFFFC000  }
0x1ea: {  	s16 =	simm.s32 $0x3;
	s0 =	simm.s32 $0x6480;
	v9 =	vld [tilespmem:s18+$0x16C00]  }
0x1eb: {  	v4 =	vmov s16;
	v7 =	vld [tilespmem:s0+$0x40]  }
0x1ec: {  	v13 =	vand.u32 $0x7F, v4  }
0x1ed: {  	s26 =	simm.s32 $0x0;
	v8 =	vadd.s32 v0, v13;
	v6 =	vld [tilespmem:s18+$0x16C10]  }
0x1ee: {  	s31 =	simm.s32 $0x1;
	s20 =	simm.s32 $0x2;
	v4 =	vmov s26;
	v10 =	vld [tilespmem:s0+$0xFFFFFF80]  }
0x1ef: {  	v14 =	vmov s20;
	v12 =	vand.u32 $0x7C, v4;
	v4 =	vmov s31;
	v11 =	vld [tilespmem:s0+$0xFFFFFFC0]  }
0x1f0: {  	v15 =	vadd.s32 v0, v12;
	v19 =	vand.u32 $0x7D, v4;
	v16 =	vld [tilespmem:s0+$0x0];
	v7 =	vadd.f32 v7, v9  }
0x1f1: {  	v20 =	vand.u32 $0x7E, v14;
	v17 =	vadd.s32 v0, v19;
	v5 =	vld [tilespmem:s18+$0x16C20]  }
0x1f2: {  	v14 =	vadd.s32 v0, v20;
	v4 =	vld [tilespmem:s18+$0x16C30];
	[tilespmem:v8+s23+$0x0] =	vst.idx.msk $0xffff, v7  }
0x1f3: {  	v7 =	vadd.f32 v10, v9;
	v8 =	vld [tilespmem:s0+$0x50]  }
0x1f4: {  	v10 =	vadd.f32 v11, v9  }
0x1f5: {  	v11 =	vadd.s32 v1, v13;
	[tilespmem:v15+s23+$0x0] =	vst.idx.msk $0xffff, v7;
	v7 =	vadd.f32 v16, v9  }
0x1f6: {  	[tilespmem:v17+s23+$0x0] =	vst.idx.msk $0xffff, v10;
	v15 =	vld [tilespmem:s0+$0xFFFFFF90]  }
0x1f7: {  	v10 =	vld [tilespmem:s0+$0xFFFFFFD0];
	[tilespmem:v14+s23+$0x0] =	vst.idx.msk $0xffff, v7  }
0x1f8: {  	v14 =	vld [tilespmem:s0+$0x10];
	v7 =	vadd.f32 v8, v6  }
0x1f9: {  	s25 =	simm.s32 $0x7;
	s20 =	simm.s32 $0x6580;
	v16 =	vadd.s32 v1, v19  }
0x1fa: {  	s17 =	simm.s32 $0x4;
	v26 =	vadd.s32 v2, v13;
	v18 =	vld [tilespmem:s20+$0x40];
	v17 =	vadd.s32 v1, v20;
	[tilespmem:v11+s23+$0x0] =	vst.idx.msk $0xffff, v7;
	v7 =	vmov s25  }
0x1fb: {  	v21 =	vadd.s32 v1, v12;
	v8 =	vmov s17;
	v7 =	vand.u32 $0x7F, v7;
	v22 =	vld [tilespmem:s0+$0x60]  }
0x1fc: {  	v23 =	vld [tilespmem:s20+$0xFFFFFF80];
	v8 =	vand.u32 $0x7C, v8;
	v10 =	vadd.f32 v10, v6;
	s25 =	simm.s32 $0x5;
	v24 =	vadd.s32 v0, v7  }
0x1fd: {  	s26 =	simm.s32 $0x6;
	v25 =	vld [tilespmem:s20+$0xFFFFFFC0];
	v15 =	vadd.f32 v15, v6;
	v11 =	vadd.f32 v14, v6;
	v14 =	vmov s25  }
0x1fe: {  	v27 =	vadd.s32 v0, v8;
	[tilespmem:v16+s23+$0x0] =	vst.idx.msk $0xffff, v10;
	v16 =	vmov s26;
	v10 =	vand.u32 $0x7D, v14;
	v14 =	vld [tilespmem:s20+$0x0]  }
0x1ff: {  	[tilespmem:v17+s23+$0x0] =	vst.idx.msk $0xffff, v11;
	v17 =	vadd.s32 v0, v10;
	v11 =	vand.u32 $0x7E, v16;
	v16 =	vadd.f32 v18, v9;
	v18 =	vld [tilespmem:s0+$0xFFFFFFE0]  }
0x200: {  	[tilespmem:v21+s23+$0x0] =	vst.idx.msk $0xffff, v15;
	v15 =	vadd.s32 v0, v11;
	v21 =	vld [tilespmem:s0+$0x20];
	v22 =	vadd.f32 v22, v5  }
0x201: {  	v23 =	vadd.f32 v23, v9;
	[tilespmem:v24+s23+$0x0] =	vst.idx.msk $0xffff, v16;
	v16 =	vld [tilespmem:s0+$0xFFFFFFA0];
	v24 =	vadd.s32 v2, v19  }
0x202: {  	v29 =	vadd.s32 v2, v20;
	v25 =	vadd.f32 v25, v9;
	v28 =	vld [tilespmem:s20+$0x50];
	[tilespmem:v26+s23+$0x0] =	vst.idx.msk $0xffff, v22  }
0x203: {  	[tilespmem:v27+s23+$0x0] =	vst.idx.msk $0xffff, v23;
	v23 =	vadd.s32 v2, v12;
	v14 =	vadd.f32 v14, v9;
	v26 =	vld [tilespmem:s0+$0x70]  }
0x204: {  	v27 =	vld [tilespmem:s20+$0xFFFFFF90];
	[tilespmem:v17+s23+$0x0] =	vst.idx.msk $0xffff, v25;
	v25 =	vadd.s32 v1, v7;
	v18 =	vadd.f32 v18, v5  }
0x205: {  	v31 =	vadd.s32 v3, v13;
	v30 =	vld [tilespmem:s20+$0xFFFFFFD0];
	[tilespmem:v15+s23+$0x0] =	vst.idx.msk $0xffff, v14;
	v14 =	vadd.f32 v21, v5  }
0x206: {  	v22 =	vadd.s32 v1, v8;
	v17 =	vld [tilespmem:s20+$0x10];
	v13 =	vadd.f32 v16, v5;
	[tilespmem:v24+s23+$0x0] =	vst.idx.msk $0xffff, v18  }
0x207: {  	s26 =	simm.s32 $0x8;
	v21 =	vadd.s32 v1, v10;
	[tilespmem:v29+s23+$0x0] =	vst.idx.msk $0xffff, v14;
	v18 =	vadd.f32 v28, v6;
	v16 =	vld [tilespmem:s0+$0xFFFFFFF0]  }
0x208: {  	v24 =	vmov s26;
	v14 =	vadd.s32 v1, v11;
	v15 =	vld [tilespmem:s0+$0x30];
	[tilespmem:v23+s23+$0x0] =	vst.idx.msk $0xffff, v13;
	v63 =	vadd.f32 v26, v4  }
0x209: {  	s31 =	simm.s32 $0xB;
	s25 =	simm.s32 $0x6680;
	v19 =	vadd.s32 v3, v19;
	v13 =	vand.u32 $0x7C, v24;
	v24 =	vadd.f32 v27, v6;
	[tilespmem:v25+s23+$0x0] =	vst.idx.msk $0xffff, v18;
	v18 =	vld [tilespmem:s0+$0xFFFFFFB0]  }
0x20a: {  	v20 =	vadd.s32 v3, v20;
	v26 =	vmov s31;
	v23 =	vld [tilespmem:s25+$0x40];
	s0 =	simm.s32 $0xC;
	v25 =	vadd.f32 v30, v6;
	[tilespmem:v31+s23+$0x0] =	vst.idx.msk $0xffff, v63  }
.LBB2_15:
0x20b: {  	p0 =	slt.u32 s0, $0x7C;
	s16 =	sadd.s32 $0x1, s26;
	v26 =	vand.u32 $0x7F, v26;
	[tilespmem:v22+s23+$0x0] =	vst.idx.msk $0xffff, v24;
	v17 =	vadd.f32 v17, v6;
	v22 =	vld [tilespmem:s20+$0x60];
	v24 =	vadd.s32 v3, v12  }
0x20c: {  	v30 =	vmovc v11;
	v27 =	vld [tilespmem:s25+$0xFFFFFF80];
	v28 =	vmov s16;
	s16 =	sadd.s32 $0x2, s26;
	v29 =	vadd.s32 v0, v26;
	[tilespmem:v21+s23+$0x0] =	vst.idx.msk $0xffff, v25;
	v16 =	vadd.f32 v16, v4;
	s26 =	smov.u32 s0  }
0x20d: {  	v12 =	vmovc v8;
	v21 =	vld [tilespmem:s25+$0xFFFFFFC0];
	v11 =	vmov s16;
	[tilespmem:v14+s23+$0x0] =	vst.idx.msk $0xffff, v17;
	v14 =	vadd.s32 v2, v7;
	v15 =	vadd.f32 v15, v4  }
0x20e: {  	v17 =	vadd.s32 v0, v13;
	v28 =	vand.u32 $0x7D, v28;
	v25 =	vld [tilespmem:s25+$0x0];
	v31 =	vadd.f32 v18, v4;
	[tilespmem:v19+s23+$0x0] =	vst.idx.msk $0xffff, v16  }
0x20f: {  	v16 =	vadd.s32 v0, v28;
	v11 =	vand.u32 $0x7E, v11;
	v18 =	vadd.f32 v23, v9;
	v19 =	vld [tilespmem:s20+$0xFFFFFFE0];
	[tilespmem:v20+s23+$0x0] =	vst.idx.msk $0xffff, v15  }
0x210: {  	v8 =	vmov v13;
	v15 =	vadd.s32 v0, v11;
	v20 =	vld [tilespmem:s20+$0x20];
	v22 =	vadd.f32 v22, v5;
	[tilespmem:v24+s23+$0x0] =	vst.idx.msk $0xffff, v31  }
0x211: {  	v23 =	vadd.s32 v2, v10;
	v13 =	vadd.f32 v27, v9;
	[tilespmem:v29+s23+$0x0] =	vst.idx.msk $0xffff, v18;
	v18 =	vld [tilespmem:s20+$0xFFFFFFA0]  }
0x212: {  	v27 =	vadd.s32 v2, v30;
	v21 =	vadd.f32 v21, v9;
	v24 =	vld [tilespmem:s25+$0x50];
	[tilespmem:v14+s23+$0x0] =	vst.idx.msk $0xffff, v22  }
0x213: {  	[tilespmem:v17+s23+$0x0] =	vst.idx.msk $0xffff, v13;
	v13 =	vadd.f32 v25, v9;
	v25 =	vadd.s32 v2, v12;
	v29 =	vld [tilespmem:s20+$0x70]  }
0x214: {  	v32 =	vadd.s32 v1, v26;
	v31 =	vld [tilespmem:s25+$0xFFFFFF90];
	[tilespmem:v16+s23+$0x0] =	vst.idx.msk $0xffff, v21;
	v14 =	vadd.f32 v19, v5  }
0x215: {  	v34 =	vadd.s32 v3, v7;
	v7 =	vmov v26;
	v33 =	vld [tilespmem:s25+$0xFFFFFFD0];
	[tilespmem:v15+s23+$0x0] =	vst.idx.msk $0xffff, v13;
	v13 =	vadd.f32 v20, v5  }
.Ltmp6:
0x216: {  	v22 =	vadd.s32 v1, v8;
	v17 =	vld [tilespmem:s25+$0x10];
	v15 =	vadd.f32 v18, v5;
	[tilespmem:v23+s23+$0x0] =	vst.idx.msk $0xffff, v14;
	(pc) =	sbr.rel @p0 .LBB2_15-.Ltmp6, $4  }
0x217: {  	v21 =	vadd.s32 v1, v28;
	v18 =	vadd.f32 v24, v6;
	v16 =	vld [tilespmem:s20+$0xFFFFFFF0];
	[tilespmem:v27+s23+$0x0] =	vst.idx.msk $0xffff, v13  }
0x218: {  	v14 =	vadd.s32 v1, v11;
	v13 =	vmov s0;
	[tilespmem:v25+s23+$0x0] =	vst.idx.msk $0xffff, v15;
	v15 =	vld [tilespmem:s20+$0x30];
	v27 =	vadd.f32 v29, v4  }
0x219: {  	s16 =	sadd.s32 $0x3, s0;
	v19 =	vadd.s32 v3, v10;
	v13 =	vand.u32 $0x7C, v13;
	v24 =	vadd.f32 v31, v6;
	[tilespmem:v32+s23+$0x0] =	vst.idx.msk $0xffff, v18;
	v18 =	vld [tilespmem:s20+$0xFFFFFFB0];
	s20 =	smov.u32 s25;
	s25 =	sadd.s32 $0x100, s25  }
0x21a: {  	v26 =	vmov s16;
	v10 =	vmovc v28;
	v20 =	vadd.s32 v3, v30;
	s0 =	sadd.s32 $0x4, s0;
	v23 =	vld [tilespmem:s25+$0x40];
	v25 =	vadd.f32 v33, v6;
	[tilespmem:v34+s23+$0x0] =	vst.idx.msk $0xffff, v27  }
0x21b: {  	s0 =	sadd.s32 $0x1, s26  }
0x21c: {  	v26 =	vand.u32 $0x7F, v26;
	s17 =	sadd.s32 $0x2, s26;
	v28 =	vld [tilespmem:s25+$0xFFFFFFC0];
	v27 =	vmov s0  }
0x21d: {  	v31 =	vld [tilespmem:s25+$0x0];
	v29 =	vadd.s32 v0, v26;
	v30 =	vmov s17;
	v27 =	vand.u32 $0x7D, v27  }
0x21e: {  	v32 =	vld [tilespmem:s25+$0xFFFFFF80];
	v30 =	vand.u32 $0x7E, v30;
	v33 =	vadd.s32 v0, v27  }
0x21f: {  	v34 =	vadd.s32 v0, v30  }
0x220: {  	[tilespmem:v22+s23+$0x0] =	vst.idx.msk $0xffff, v24;
	v22 =	vadd.s32 v0, v13;
	v23 =	vadd.f32 v23, v9  }
0x221: {  	[tilespmem:v21+s23+$0x0] =	vst.idx.msk $0xffff, v25;
	v21 =	vadd.f32 v28, v9  }
0x222: {  	[tilespmem:v29+s23+$0x0] =	vst.idx.msk $0xffff, v23;
	v23 =	vadd.f32 v31, v9  }
0x223: {  	v9 =	vadd.f32 v32, v9;
	v24 =	vld [tilespmem:s25+$0x50];
	[tilespmem:v33+s23+$0x0] =	vst.idx.msk $0xffff, v21  }
0x224: {  	v17 =	vadd.f32 v17, v6;
	v12 =	vadd.s32 v3, v12;
	[tilespmem:v34+s23+$0x0] =	vst.idx.msk $0xffff, v23;
	v21 =	vld [tilespmem:s25+$0xFFFFFFD0]  }
0x225: {  	v16 =	vadd.f32 v16, v4;
	[tilespmem:v22+s23+$0x0] =	vst.idx.msk $0xffff, v9;
	v9 =	vadd.s32 v1, v26;
	v22 =	vld [tilespmem:s25+$0x10]  }
0x226: {  	[tilespmem:v14+s23+$0x0] =	vst.idx.msk $0xffff, v17;
	v14 =	vadd.f32 v15, v4;
	v17 =	vadd.s32 v1, v27;
	v15 =	vld [tilespmem:s25+$0xFFFFFF90]  }
0x227: {  	v18 =	vadd.f32 v18, v4;
	[tilespmem:v19+s23+$0x0] =	vst.idx.msk $0xffff, v16;
	v16 =	vadd.s32 v1, v30;
	v23 =	vld [tilespmem:s20+$0x60]  }
0x228: {  	v19 =	vld [tilespmem:s20+$0xFFFFFFE0];
	[tilespmem:v20+s23+$0x0] =	vst.idx.msk $0xffff, v14;
	v14 =	vadd.s32 v1, v13;
	v20 =	vadd.f32 v24, v6  }
0x229: {  	v25 =	vld [tilespmem:s20+$0x20];
	[tilespmem:v12+s23+$0x0] =	vst.idx.msk $0xffff, v18;
	v24 =	vadd.s32 v2, v7;
	v12 =	vadd.f32 v21, v6  }
0x22a: {  	v18 =	vld [tilespmem:s20+$0xFFFFFFA0];
	v21 =	vadd.s32 v2, v10;
	[tilespmem:v9+s23+$0x0] =	vst.idx.msk $0xffff, v20;
	v9 =	vadd.f32 v22, v6  }
0x22b: {  	v20 =	vadd.s32 v2, v11;
	v6 =	vadd.f32 v15, v6;
	v15 =	vld [tilespmem:s25+$0x60];
	[tilespmem:v17+s23+$0x0] =	vst.idx.msk $0xffff, v12  }
0x22c: {  	v12 =	vadd.f32 v23, v5;
	v17 =	vadd.s32 v2, v8;
	[tilespmem:v16+s23+$0x0] =	vst.idx.msk $0xffff, v9;
	v9 =	vld [tilespmem:s25+$0xFFFFFFE0]  }
0x22d: {  	v16 =	vadd.f32 v19, v5;
	[tilespmem:v14+s23+$0x0] =	vst.idx.msk $0xffff, v6;
	v6 =	vadd.s32 v2, v26;
	v14 =	vld [tilespmem:s25+$0x20]  }
0x22e: {  	v22 =	vadd.s32 v2, v27;
	v19 =	vld [tilespmem:s25+$0xFFFFFFA0];
	[tilespmem:v24+s23+$0x0] =	vst.idx.msk $0xffff, v12;
	v12 =	vadd.f32 v25, v5  }
0x22f: {  	v18 =	vadd.f32 v18, v5;
	v23 =	vld [tilespmem:s20+$0x70];
	[tilespmem:v21+s23+$0x0] =	vst.idx.msk $0xffff, v16;
	v16 =	vadd.s32 v2, v30  }
0x230: {  	v21 =	vld [tilespmem:s20+$0xFFFFFFF0];
	[tilespmem:v20+s23+$0x0] =	vst.idx.msk $0xffff, v12;
	v12 =	vadd.f32 v15, v5;
	v15 =	vadd.s32 v2, v13  }
0x231: {  	v7 =	vadd.s32 v3, v7;
	[tilespmem:v17+s23+$0x0] =	vst.idx.msk $0xffff, v18;
	v17 =	vld [tilespmem:s20+$0x30];
	v9 =	vadd.f32 v9, v5  }
0x232: {  	v10 =	vadd.s32 v3, v10;
	v18 =	vld [tilespmem:s20+$0xFFFFFFB0];
	[tilespmem:v6+s23+$0x0] =	vst.idx.msk $0xffff, v12;
	v6 =	vadd.f32 v14, v5  }
0x233: {  	v11 =	vadd.s32 v3, v11;
	v5 =	vadd.f32 v19, v5;
	v12 =	vld [tilespmem:s25+$0x70];
	[tilespmem:v22+s23+$0x0] =	vst.idx.msk $0xffff, v9  }
0x234: {  	v8 =	vadd.s32 v3, v8;
	v9 =	vadd.f32 v23, v4;
	[tilespmem:v16+s23+$0x0] =	vst.idx.msk $0xffff, v6;
	v14 =	vld [tilespmem:s25+$0xFFFFFFF0]  }
0x235: {  	v16 =	vadd.s32 v3, v26;
	v6 =	vadd.f32 v21, v4;
	[tilespmem:v15+s23+$0x0] =	vst.idx.msk $0xffff, v5;
	v5 =	vld [tilespmem:s25+$0x30]  }
0x236: {  	v15 =	vadd.s32 v3, v27;
	[tilespmem:v7+s23+$0x0] =	vst.idx.msk $0xffff, v9;
	v7 =	vadd.f32 v17, v4;
	v9 =	vld [tilespmem:s25+$0xFFFFFFB0]  }
0x237: {  	v17 =	vadd.f32 v18, v4;
	[tilespmem:v10+s23+$0x0] =	vst.idx.msk $0xffff, v6;
	v6 =	vadd.s32 v3, v30  }
0x238: {  	v10 =	vadd.s32 v3, v13;
	[tilespmem:v11+s23+$0x0] =	vst.idx.msk $0xffff, v7;
	v7 =	vadd.f32 v12, v4  }
0x239: {  	[tilespmem:v8+s23+$0x0] =	vst.idx.msk $0xffff, v17;
	v8 =	vadd.f32 v14, v4  }
0x23a: {  	[tilespmem:v16+s23+$0x0] =	vst.idx.msk $0xffff, v7;
	v5 =	vadd.f32 v5, v4  }
0x23b: {  	v4 =	vadd.f32 v9, v4;
	[tilespmem:v15+s23+$0x0] =	vst.idx.msk $0xffff, v8  }
0x23c: {  	[tilespmem:v6+s23+$0x0] =	vst.idx.msk $0xffff, v5  }
0x23d: {  	[tilespmem:v10+s23+$0x0] =	vst.idx.msk $0xffff, v4  }
0x23e: {  	s16 =	simm.s32 $0x3;
	s0 =	simm.s32 $0x84F0;
	v9 =	vld [tilespmem:s18+$0x16C40]  }
0x23f: {  	v4 =	vmov s16;
	v7 =	vld [tilespmem:s0+$0xFFFFFFD0]  }
0x240: {  	v13 =	vand.u32 $0x7F, v4  }
0x241: {  	s20 =	simm.s32 $0x0;
	v6 =	vld [tilespmem:s18+$0x16C50];
	v8 =	vadd.s32 v0, v13  }
0x242: {  	s26 =	simm.s32 $0x2;
	s25 =	simm.s32 $0x1;
	v4 =	vmov s20;
	v10 =	vld [tilespmem:s0+$0xFFFFFF10]  }
0x243: {  	v14 =	vmov s26;
	v11 =	vld [tilespmem:s0+$0xFFFFFF50];
	v12 =	vand.u32 $0x7C, v4;
	v4 =	vmov s25  }
0x244: {  	v16 =	vld [tilespmem:s0+$0xFFFFFF90];
	v15 =	vadd.s32 v0, v12;
	v19 =	vand.u32 $0x7D, v4;
	v7 =	vadd.f32 v7, v9  }
0x245: {  	v20 =	vand.u32 $0x7E, v14;
	v5 =	vld [tilespmem:s18+$0x16C60];
	v17 =	vadd.s32 v0, v19  }
0x246: {  	v14 =	vadd.s32 v0, v20;
	v4 =	vld [tilespmem:s18+$0x16C70];
	[tilespmem:v8+s24+$0x0] =	vst.idx.msk $0xffff, v7  }
0x247: {  	v7 =	vadd.f32 v10, v9;
	v8 =	vld [tilespmem:s0+$0xFFFFFFE0]  }
0x248: {  	v10 =	vadd.f32 v11, v9  }
0x249: {  	v11 =	vadd.s32 v1, v13;
	[tilespmem:v15+s24+$0x0] =	vst.idx.msk $0xffff, v7;
	v7 =	vadd.f32 v16, v9  }
0x24a: {  	[tilespmem:v17+s24+$0x0] =	vst.idx.msk $0xffff, v10;
	v15 =	vld [tilespmem:s0+$0xFFFFFF20]  }
0x24b: {  	v10 =	vld [tilespmem:s0+$0xFFFFFF60];
	[tilespmem:v14+s24+$0x0] =	vst.idx.msk $0xffff, v7  }
0x24c: {  	v14 =	vld [tilespmem:s0+$0xFFFFFFA0];
	v7 =	vadd.f32 v8, v6  }
0x24d: {  	s17 =	simm.s32 $0x7;
	s20 =	simm.s32 $0x85F0;
	v16 =	vadd.s32 v1, v19  }
0x24e: {  	s31 =	simm.s32 $0x4;
	v18 =	vld [tilespmem:s20+$0xFFFFFFD0];
	v26 =	vadd.s32 v2, v13;
	v17 =	vadd.s32 v1, v20;
	[tilespmem:v11+s24+$0x0] =	vst.idx.msk $0xffff, v7;
	v7 =	vmov s17  }
0x24f: {  	v21 =	vadd.s32 v1, v12;
	v8 =	vmov s31;
	v7 =	vand.u32 $0x7F, v7;
	v22 =	vld [tilespmem:s0+$0xFFFFFFF0]  }
0x250: {  	s25 =	simm.s32 $0x5;
	v23 =	vld [tilespmem:s20+$0xFFFFFF10];
	v8 =	vand.u32 $0x7C, v8;
	v10 =	vadd.f32 v10, v6;
	v24 =	vadd.s32 v0, v7  }
0x251: {  	s26 =	simm.s32 $0x6;
	v25 =	vld [tilespmem:s20+$0xFFFFFF50];
	v15 =	vadd.f32 v15, v6;
	v11 =	vadd.f32 v14, v6;
	v14 =	vmov s25  }
0x252: {  	v27 =	vadd.s32 v0, v8;
	[tilespmem:v16+s24+$0x0] =	vst.idx.msk $0xffff, v10;
	v16 =	vmov s26;
	v10 =	vand.u32 $0x7D, v14;
	v14 =	vld [tilespmem:s20+$0xFFFFFF90]  }
0x253: {  	[tilespmem:v17+s24+$0x0] =	vst.idx.msk $0xffff, v11;
	v17 =	vadd.s32 v0, v10;
	v11 =	vand.u32 $0x7E, v16;
	v16 =	vadd.f32 v18, v9;
	v18 =	vld [tilespmem:s0+$0xFFFFFF70]  }
0x254: {  	[tilespmem:v21+s24+$0x0] =	vst.idx.msk $0xffff, v15;
	v15 =	vadd.s32 v0, v11;
	v21 =	vld [tilespmem:s0+$0xFFFFFFB0];
	v22 =	vadd.f32 v22, v5  }
0x255: {  	v23 =	vadd.f32 v23, v9;
	[tilespmem:v24+s24+$0x0] =	vst.idx.msk $0xffff, v16;
	v16 =	vld [tilespmem:s0+$0xFFFFFF30];
	v24 =	vadd.s32 v2, v19  }
0x256: {  	v60 =	vadd.s32 v2, v20;
	v25 =	vadd.f32 v25, v9;
	v59 =	vld [tilespmem:s20+$0xFFFFFFE0];
	[tilespmem:v26+s24+$0x0] =	vst.idx.msk $0xffff, v22  }
0x257: {  	[tilespmem:v27+s24+$0x0] =	vst.idx.msk $0xffff, v23;
	v23 =	vadd.s32 v2, v12;
	v14 =	vadd.f32 v14, v9;
	v26 =	vld [tilespmem:s0+$0x0]  }
0x258: {  	v27 =	vld [tilespmem:s20+$0xFFFFFF20];
	[tilespmem:v17+s24+$0x0] =	vst.idx.msk $0xffff, v25;
	v25 =	vadd.s32 v1, v7;
	v18 =	vadd.f32 v18, v5  }
0x259: {  	v62 =	vadd.s32 v3, v13;
	v61 =	vld [tilespmem:s20+$0xFFFFFF60];
	[tilespmem:v15+s24+$0x0] =	vst.idx.msk $0xffff, v14;
	v14 =	vadd.f32 v21, v5  }
0x25a: {  	v22 =	vadd.s32 v1, v8;
	v17 =	vld [tilespmem:s20+$0xFFFFFFA0];
	v13 =	vadd.f32 v16, v5;
	[tilespmem:v24+s24+$0x0] =	vst.idx.msk $0xffff, v18  }
0x25b: {  	s26 =	simm.s32 $0x8;
	v21 =	vadd.s32 v1, v10;
	[tilespmem:v60+s24+$0x0] =	vst.idx.msk $0xffff, v14;
	v18 =	vadd.f32 v59, v6;
	v16 =	vld [tilespmem:s0+$0xFFFFFF80]  }
0x25c: {  	v24 =	vmov s26;
	v14 =	vadd.s32 v1, v11;
	v15 =	vld [tilespmem:s0+$0xFFFFFFC0];
	[tilespmem:v23+s24+$0x0] =	vst.idx.msk $0xffff, v13;
	v63 =	vadd.f32 v26, v4  }
0x25d: {  	s31 =	simm.s32 $0xB;
	s25 =	simm.s32 $0x86F0;
	v19 =	vadd.s32 v3, v19;
	v13 =	vand.u32 $0x7C, v24;
	v24 =	vadd.f32 v27, v6;
	[tilespmem:v25+s24+$0x0] =	vst.idx.msk $0xffff, v18;
	v18 =	vld [tilespmem:s0+$0xFFFFFF40]  }
0x25e: {  	v20 =	vadd.s32 v3, v20;
	v26 =	vmov s31;
	v23 =	vld [tilespmem:s25+$0xFFFFFFD0];
	s0 =	simm.s32 $0xC;
	v25 =	vadd.f32 v61, v6;
	[tilespmem:v62+s24+$0x0] =	vst.idx.msk $0xffff, v63  }
.LBB2_17:
0x25f: {  	p0 =	slt.u32 s0, $0x7C;
	s16 =	sadd.s32 $0x1, s26;
	v26 =	vand.u32 $0x7F, v26;
	[tilespmem:v22+s24+$0x0] =	vst.idx.msk $0xffff, v24;
	v17 =	vadd.f32 v17, v6;
	v22 =	vld [tilespmem:s20+$0xFFFFFFF0];
	v24 =	vadd.s32 v3, v12  }
0x260: {  	v30 =	vmovc v11;
	v27 =	vld [tilespmem:s25+$0xFFFFFF10];
	v28 =	vmov s16;
	s16 =	sadd.s32 $0x2, s26;
	v29 =	vadd.s32 v0, v26;
	[tilespmem:v21+s24+$0x0] =	vst.idx.msk $0xffff, v25;
	v16 =	vadd.f32 v16, v4;
	s26 =	smov.u32 s0  }
0x261: {  	v12 =	vmovc v8;
	v21 =	vld [tilespmem:s25+$0xFFFFFF50];
	v11 =	vmov s16;
	[tilespmem:v14+s24+$0x0] =	vst.idx.msk $0xffff, v17;
	v14 =	vadd.s32 v2, v7;
	v15 =	vadd.f32 v15, v4  }
0x262: {  	v17 =	vadd.s32 v0, v13;
	v28 =	vand.u32 $0x7D, v28;
	v25 =	vld [tilespmem:s25+$0xFFFFFF90];
	v31 =	vadd.f32 v18, v4;
	[tilespmem:v19+s24+$0x0] =	vst.idx.msk $0xffff, v16  }
0x263: {  	v16 =	vadd.s32 v0, v28;
	v11 =	vand.u32 $0x7E, v11;
	v18 =	vadd.f32 v23, v9;
	v19 =	vld [tilespmem:s20+$0xFFFFFF70];
	[tilespmem:v20+s24+$0x0] =	vst.idx.msk $0xffff, v15  }
0x264: {  	v8 =	vmov v13;
	v15 =	vadd.s32 v0, v11;
	v20 =	vld [tilespmem:s20+$0xFFFFFFB0];
	v22 =	vadd.f32 v22, v5;
	[tilespmem:v24+s24+$0x0] =	vst.idx.msk $0xffff, v31  }
0x265: {  	v23 =	vadd.s32 v2, v10;
	v13 =	vadd.f32 v27, v9;
	[tilespmem:v29+s24+$0x0] =	vst.idx.msk $0xffff, v18;
	v18 =	vld [tilespmem:s20+$0xFFFFFF30]  }
0x266: {  	v27 =	vadd.s32 v2, v30;
	v21 =	vadd.f32 v21, v9;
	v24 =	vld [tilespmem:s25+$0xFFFFFFE0];
	[tilespmem:v14+s24+$0x0] =	vst.idx.msk $0xffff, v22  }
0x267: {  	[tilespmem:v17+s24+$0x0] =	vst.idx.msk $0xffff, v13;
	v13 =	vadd.f32 v25, v9;
	v25 =	vadd.s32 v2, v12;
	v29 =	vld [tilespmem:s20+$0x0]  }
0x268: {  	v32 =	vadd.s32 v1, v26;
	v31 =	vld [tilespmem:s25+$0xFFFFFF20];
	[tilespmem:v16+s24+$0x0] =	vst.idx.msk $0xffff, v21;
	v14 =	vadd.f32 v19, v5  }
0x269: {  	v34 =	vadd.s32 v3, v7;
	v7 =	vmov v26;
	v33 =	vld [tilespmem:s25+$0xFFFFFF60];
	[tilespmem:v15+s24+$0x0] =	vst.idx.msk $0xffff, v13;
	v13 =	vadd.f32 v20, v5  }
.Ltmp7:
0x26a: {  	v22 =	vadd.s32 v1, v8;
	v17 =	vld [tilespmem:s25+$0xFFFFFFA0];
	v15 =	vadd.f32 v18, v5;
	[tilespmem:v23+s24+$0x0] =	vst.idx.msk $0xffff, v14;
	(pc) =	sbr.rel @p0 .LBB2_17-.Ltmp7, $4  }
0x26b: {  	v21 =	vadd.s32 v1, v28;
	v18 =	vadd.f32 v24, v6;
	v16 =	vld [tilespmem:s20+$0xFFFFFF80];
	[tilespmem:v27+s24+$0x0] =	vst.idx.msk $0xffff, v13  }
0x26c: {  	v14 =	vadd.s32 v1, v11;
	v13 =	vmov s0;
	[tilespmem:v25+s24+$0x0] =	vst.idx.msk $0xffff, v15;
	v15 =	vld [tilespmem:s20+$0xFFFFFFC0];
	v27 =	vadd.f32 v29, v4  }
0x26d: {  	s16 =	sadd.s32 $0x3, s0;
	v19 =	vadd.s32 v3, v10;
	v13 =	vand.u32 $0x7C, v13;
	v24 =	vadd.f32 v31, v6;
	[tilespmem:v32+s24+$0x0] =	vst.idx.msk $0xffff, v18;
	v18 =	vld [tilespmem:s20+$0xFFFFFF40];
	s20 =	smov.u32 s25;
	s25 =	sadd.s32 $0x100, s25  }
0x26e: {  	v26 =	vmov s16;
	v10 =	vmovc v28;
	v20 =	vadd.s32 v3, v30;
	s0 =	sadd.s32 $0x4, s0;
	v23 =	vld [tilespmem:s25+$0xFFFFFFD0];
	v25 =	vadd.f32 v33, v6;
	[tilespmem:v34+s24+$0x0] =	vst.idx.msk $0xffff, v27  }
0x26f: {  	s0 =	sadd.s32 $0x1, s26  }
0x270: {  	v26 =	vand.u32 $0x7F, v26;
	s17 =	sadd.s32 $0x2, s26;
	v28 =	vld [tilespmem:s25+$0xFFFFFF50];
	v27 =	vmov s0  }
0x271: {  	v31 =	vld [tilespmem:s25+$0xFFFFFF90];
	v29 =	vadd.s32 v0, v26;
	v30 =	vmov s17;
	v27 =	vand.u32 $0x7D, v27  }
0x272: {  	v32 =	vld [tilespmem:s25+$0xFFFFFF10];
	v30 =	vand.u32 $0x7E, v30;
	v33 =	vadd.s32 v0, v27  }
0x273: {  	v34 =	vadd.s32 v0, v30  }
0x274: {  	[tilespmem:v22+s24+$0x0] =	vst.idx.msk $0xffff, v24;
	v44 =	vadd.s32 v0, v13;
	v23 =	vadd.f32 v23, v9  }
0x275: {  	[tilespmem:v21+s24+$0x0] =	vst.idx.msk $0xffff, v25;
	v45 =	vadd.f32 v28, v9  }
0x276: {  	v46 =	vadd.f32 v31, v9;
	[tilespmem:v29+s24+$0x0] =	vst.idx.msk $0xffff, v23  }
0x277: {  	v47 =	vadd.f32 v32, v9;
	v48 =	vld [tilespmem:s25+$0xFFFFFFE0];
	[tilespmem:v33+s24+$0x0] =	vst.idx.msk $0xffff, v45  }
0x278: {  	v17 =	vadd.f32 v17, v6;
	v12 =	vadd.s32 v3, v12;
	[tilespmem:v34+s24+$0x0] =	vst.idx.msk $0xffff, v46;
	v21 =	vld [tilespmem:s25+$0xFFFFFF60]  }
0x279: {  	v16 =	vadd.f32 v16, v4;
	v49 =	vadd.s32 v1, v26;
	[tilespmem:v44+s24+$0x0] =	vst.idx.msk $0xffff, v47;
	v50 =	vld [tilespmem:s25+$0xFFFFFFA0]  }
0x27a: {  	[tilespmem:v14+s24+$0x0] =	vst.idx.msk $0xffff, v17;
	v51 =	vadd.f32 v15, v4;
	v53 =	vadd.s32 v1, v27;
	v52 =	vld [tilespmem:s25+$0xFFFFFF20]  }
0x27b: {  	v54 =	vld [tilespmem:s20+$0xFFFFFFF0];
	v18 =	vadd.f32 v18, v4;
	[tilespmem:v19+s24+$0x0] =	vst.idx.msk $0xffff, v16;
	v55 =	vadd.s32 v1, v30  }
0x27c: {  	v57 =	vadd.s32 v1, v13;
	v60 =	vld [tilespmem:s20+$0xFFFFFFB0];
	[tilespmem:v20+s24+$0x0] =	vst.idx.msk $0xffff, v51;
	v58 =	vadd.f32 v48, v6  }
0x27d: {  	v59 =	vadd.s32 v2, v7;
	v56 =	vld [tilespmem:s20+$0xFFFFFF70];
	[tilespmem:v12+s24+$0x0] =	vst.idx.msk $0xffff, v18;
	v61 =	vadd.f32 v21, v6  }
0x27e: {  	v62 =	vld [tilespmem:s20+$0xFFFFFF30];
	v29 =	vadd.s32 v2, v11;
	[tilespmem:v49+s24+$0x0] =	vst.idx.msk $0xffff, v58;
	v28 =	vadd.f32 v50, v6  }
0x27f: {  	v63 =	vadd.s32 v2, v10;
	v31 =	vadd.f32 v52, v6;
	v32 =	vld [tilespmem:s25+$0xFFFFFFF0];
	[tilespmem:v53+s24+$0x0] =	vst.idx.msk $0xffff, v61  }
0x280: {  	v33 =	vadd.f32 v54, v5;
	v34 =	vadd.s32 v2, v8;
	[tilespmem:v55+s24+$0x0] =	vst.idx.msk $0xffff, v28;
	v35 =	vld [tilespmem:s25+$0xFFFFFF70]  }
0x281: {  	v37 =	vadd.s32 v2, v26;
	v39 =	vadd.f32 v60, v5;
	[tilespmem:v57+s24+$0x0] =	vst.idx.msk $0xffff, v31;
	v38 =	vld [tilespmem:s25+$0xFFFFFFB0]  }
0x282: {  	v41 =	vadd.s32 v2, v27;
	v36 =	vadd.f32 v56, v5;
	[tilespmem:v59+s24+$0x0] =	vst.idx.msk $0xffff, v33;
	v40 =	vld [tilespmem:s25+$0xFFFFFF30]  }
0x283: {  	v43 =	vadd.s32 v2, v30;
	v18 =	vadd.f32 v62, v5;
	v42 =	vld [tilespmem:s20+$0x0];
	[tilespmem:v29+s24+$0x0] =	vst.idx.msk $0xffff, v39  }
0x284: {  	v45 =	vadd.s32 v2, v13;
	[tilespmem:v63+s24+$0x0] =	vst.idx.msk $0xffff, v36;
	v47 =	vld [tilespmem:s20+$0xFFFFFFC0];
	v44 =	vadd.f32 v32, v5  }
0x285: {  	v46 =	vadd.s32 v3, v7;
	[tilespmem:v34+s24+$0x0] =	vst.idx.msk $0xffff, v18;
	v21 =	vld [tilespmem:s20+$0xFFFFFF80];
	v9 =	vadd.f32 v35, v5  }
0x286: {  	v18 =	vld [tilespmem:s20+$0xFFFFFF40];
	v50 =	vadd.s32 v3, v11;
	[tilespmem:v37+s24+$0x0] =	vst.idx.msk $0xffff, v44;
	v49 =	vadd.f32 v38, v5  }
0x287: {  	v48 =	vadd.s32 v3, v10;
	v5 =	vadd.f32 v40, v5;
	v12 =	vld [tilespmem:s25+$0x0];
	[tilespmem:v41+s24+$0x0] =	vst.idx.msk $0xffff, v9  }
0x288: {  	v52 =	vadd.s32 v3, v8;
	v51 =	vadd.f32 v42, v4;
	[tilespmem:v43+s24+$0x0] =	vst.idx.msk $0xffff, v49;
	v53 =	vld [tilespmem:s25+$0xFFFFFF80]  }
0x289: {  	v55 =	vadd.s32 v3, v26;
	v56 =	vadd.f32 v47, v4;
	[tilespmem:v45+s24+$0x0] =	vst.idx.msk $0xffff, v5;
	v5 =	vld [tilespmem:s25+$0xFFFFFFC0]  }
0x28a: {  	v58 =	vadd.s32 v3, v27;
	[tilespmem:v46+s24+$0x0] =	vst.idx.msk $0xffff, v51;
	v54 =	vadd.f32 v21, v4;
	v57 =	vld [tilespmem:s25+$0xFFFFFF40]  }
0x28b: {  	v60 =	vadd.s32 v3, v30;
	v59 =	vadd.f32 v18, v4;
	[tilespmem:v50+s24+$0x0] =	vst.idx.msk $0xffff, v56  }
0x28c: {  	v62 =	vadd.s32 v3, v13;
	[tilespmem:v48+s24+$0x0] =	vst.idx.msk $0xffff, v54;
	v61 =	vadd.f32 v12, v4  }
0x28d: {  	[tilespmem:v52+s24+$0x0] =	vst.idx.msk $0xffff, v59;
	v63 =	vadd.f32 v53, v4  }
0x28e: {  	p0 =	seq.s32 s14, $0x31;
	[tilespmem:v55+s24+$0x0] =	vst.idx.msk $0xffff, v61;
	v5 =	vadd.f32 v5, v4  }
0x28f: {  	s0 =	sshll.u32 @!p0 s14, $0x9;
	v4 =	vadd.f32 v57, v4;
	[tilespmem:v58+s24+$0x0] =	vst.idx.msk $0xffff, v63  }
0x290: {  	s0 =	sadd.s32 @!p0 $0x200, s0;
	[tilespmem:v60+s24+$0x0] =	vst.idx.msk $0xffff, v5  }
0x291: {  	s16 =	simm.s32 @!p0 $0x80;
	s0 =	sand.u32 @!p0 $0xFE00, s0;
	s20 =	simm.s32 @!p0 $0x6400;
	[tilespmem:v62+s24+$0x0] =	vst.idx.msk $0xffff, v4  }
0x292: {  	[tilespmem:s20], [sflag:$0x1] =	stream.indirect.gather @!p0 [hbm4b:s5+s16], $0x40, s0, s16, $0xb8;
	[tilespmem:$0x19E00] =	vst v63  }
0x293: {  	s0 =	sor.u32 @!p0 $0x80, s0;
	s20 =	simm.s32 @!p0 $0x8400  }
0x294: {  	[tilespmem:s20], [sflag:$0x1] =	stream.indirect.gather @!p0 [hbm4b:s5+s16], $0x40, s0, s16, $0xb8;
	[tilespmem:$0x19E00] =	vst v63  }
0x295: {  	s20 =	sshll.u32 s14, $0x14  }
0x296: {  	s0 =	sor.u32 s4, s20  }
0x297: {  	s0 =	sshrl.u32 s0, $0x3  }
0x298: {  	s25 =	simm.s32 $0xE400;
	s16 =	sadd.s32 s2, s0  }
0x299: {  	[hbm4b:s16+s3] =	stream.linear.scatter [tilespmem:s25], [sflag:$0x3], $0x80, $0x38;
	[tilespmem:$0x19E00] =	vst v63  }
0x29a: {  	s26 =	simm.s32 $0xE488;
	s17 =	sadd.s32 $0x10, s16  }
0x29b: {  	[hbm4b:s17+s3] =	stream.linear.scatter [tilespmem:s26], [sflag:$0x3], $0x80, $0x38;
	[tilespmem:$0x19E00] =	vst v63  }
0x29c: {  	s20 =	simm.s32 $0xE510;
	s25 =	sadd.s32 $0x20, s16  }
0x29d: {  	[hbm4b:s25+s3] =	stream.linear.scatter [tilespmem:s20], [sflag:$0x3], $0x80, $0x38;
	[tilespmem:$0x19E00] =	vst v63  }
0x29e: {  	s26 =	simm.s32 $0xE598;
	s17 =	sadd.s32 $0x30, s16  }
0x29f: {  	[hbm4b:s17+s3] =	stream.linear.scatter [tilespmem:s26], [sflag:$0x3], $0x80, $0x38;
	[tilespmem:$0x19E00] =	vst v63  }
0x2a0: {  	s0 =	simm.s32 $0x440;
	s20 =	simm.s32 $0xE620;
	s25 =	sadd.s32 $0x40, s16  }
0x2a1: {  	[hbm4b:s25+s3] =	stream.linear.scatter [tilespmem:s20], [sflag:$0x3], $0x80, $0x38;
	[tilespmem:$0x19E00] =	vst v63  }
0x2a2: {  	s31 =	sadd.s32 $0x70, s16;
	s26 =	simm.s32 $0xE6A8;
	s17 =	sadd.s32 $0x50, s16  }
0x2a3: {  	[hbm4b:s17+s3] =	stream.linear.scatter [tilespmem:s26], [sflag:$0x3], $0x80, $0x38;
	[tilespmem:$0x19E00] =	vst v63  }
0x2a4: {  	s25 =	simm.s32 $0xE730;
	s20 =	sshll.u32 s14, $0x1;
	s26 =	sadd.s32 $0x60, s16  }
0x2a5: {  	[hbm4b:s26+s3] =	stream.linear.scatter [tilespmem:s25], [sflag:$0x3], $0x80, $0x38;
	[tilespmem:$0x19E00] =	vst v63  }
0x2a6: {  	s16 =	sadd.s32 $0x1000, s16;
	s25 =	simm.s32 $0x2200;
	s26 =	simm.s32 $0xE7B8  }
.LBB2_19:
0x2a7: {  	[hbm4b:s31+s3] =	stream.linear.scatter [tilespmem:s26], [sflag:$0x3], $0x80, $0x38;
	[tilespmem:$0x19E00] =	vst v63  }
0x2a8: {  	s26 =	smov.u32 s0;
	s0 =	smov.u32 s25  }
0x2a9: {  	s17 =	sadd.s32 $0x1100, s25;
	s0 =	sshra.s32 s0, $0x2;
	s31 =	sadd.s32 $0xE400, s26  }
0x2aa: {  	[hbm4b:s16+s3] =	stream.linear.scatter [tilespmem:s31], [sflag:$0x3], $0x80, $0x38;
	[tilespmem:$0x19E00] =	vst v63  }
0x2ab: {  	p1 =	sne.s32 s25, $0xFF00;
	s25 =	sadd.s32 $0xE488, s26;
	s31 =	sadd.s32 $0x10, s16  }
0x2ac: {  	[hbm4b:s31+s3] =	stream.linear.scatter [tilespmem:s25], [sflag:$0x3], $0x80, $0x38;
	[tilespmem:$0x19E00] =	vst v63  }
0x2ad: {  	s25 =	sadd.s32 $0xE510, s26;
	s31 =	sadd.s32 $0x20, s16  }
0x2ae: {  	[hbm4b:s31+s3] =	stream.linear.scatter [tilespmem:s25], [sflag:$0x3], $0x80, $0x38;
	[tilespmem:$0x19E00] =	vst v63  }
0x2af: {  	s25 =	sadd.s32 $0xE598, s26;
	s31 =	sadd.s32 $0x30, s16  }
0x2b0: {  	[hbm4b:s31+s3] =	stream.linear.scatter [tilespmem:s25], [sflag:$0x3], $0x80, $0x38;
	[tilespmem:$0x19E00] =	vst v63  }
0x2b1: {  	s25 =	sadd.s32 $0xE620, s26;
	s31 =	sadd.s32 $0x40, s16  }
0x2b2: {  	[hbm4b:s31+s3] =	stream.linear.scatter [tilespmem:s25], [sflag:$0x3], $0x80, $0x38;
	[tilespmem:$0x19E00] =	vst v63  }
.Ltmp8:
0x2b3: {  	s25 =	sadd.s32 $0xE6A8, s26;
	s31 =	sadd.s32 $0x50, s16;
	(pc) =	sbr.rel @p1 .LBB2_19-.Ltmp8, $4  }
0x2b4: {  	[hbm4b:s31+s3] =	stream.linear.scatter [tilespmem:s25], [sflag:$0x3], $0x80, $0x38;
	[tilespmem:$0x19E00] =	vst v63  }
0x2b5: {  	s25 =	sadd.s32 $0xE730, s26;
	s31 =	sadd.s32 $0x60, s16;
	s26 =	sadd.s32 $0xE7B8, s26  }
0x2b6: {  	[hbm4b:s31+s3] =	stream.linear.scatter [tilespmem:s25], [sflag:$0x3], $0x80, $0x38;
	[tilespmem:$0x19E00] =	vst v63  }
0x2b7: {  	s31 =	sadd.s32 $0x70, s16;
	s16 =	sadd.s32 $0x1000, s16;
	s25 =	smov.u32 s17  }
0x2b8: {  	[hbm4b:s31+s3] =	stream.linear.scatter [tilespmem:s26], [sflag:$0x3], $0x80, $0x38;
	[tilespmem:$0x19E00] =	vst v63  }
0x2b9: {  	s17 =	sadd.s32 $0xE400, s0  }
0x2ba: {  	[hbm4b:s16+s3] =	stream.linear.scatter [tilespmem:s17], [sflag:$0x3], $0x80, $0x38;
	[tilespmem:$0x19E00] =	vst v63  }
0x2bb: {  	s26 =	sadd.s32 $0xE488, s0;
	s25 =	sadd.s32 $0x10, s16  }
0x2bc: {  	[hbm4b:s25+s3] =	stream.linear.scatter [tilespmem:s26], [sflag:$0x3], $0x80, $0x38;
	[tilespmem:$0x19E00] =	vst v63  }
0x2bd: {  	s25 =	sadd.s32 $0xE510, s0;
	s26 =	sadd.s32 $0x20, s16  }
0x2be: {  	[hbm4b:s26+s3] =	stream.linear.scatter [tilespmem:s25], [sflag:$0x3], $0x80, $0x38;
	[tilespmem:$0x19E00] =	vst v63  }
0x2bf: {  	s25 =	sadd.s32 $0xE598, s0;
	s26 =	sadd.s32 $0x30, s16  }
0x2c0: {  	[hbm4b:s26+s3] =	stream.linear.scatter [tilespmem:s25], [sflag:$0x3], $0x80, $0x38;
	[tilespmem:$0x19E00] =	vst v63  }
0x2c1: {  	s25 =	sadd.s32 $0xE620, s0;
	s26 =	sadd.s32 $0x40, s16  }
0x2c2: {  	[hbm4b:s26+s3] =	stream.linear.scatter [tilespmem:s25], [sflag:$0x3], $0x80, $0x38;
	[tilespmem:$0x19E00] =	vst v63  }
0x2c3: {  	s25 =	sadd.s32 $0xE6A8, s0;
	s26 =	sadd.s32 $0x50, s16  }
0x2c4: {  	[hbm4b:s26+s3] =	stream.linear.scatter [tilespmem:s25], [sflag:$0x3], $0x80, $0x38;
	[tilespmem:$0x19E00] =	vst v63  }
0x2c5: {  	s25 =	sadd.s32 $0xE730, s0;
	s26 =	sadd.s32 $0x60, s16  }
0x2c6: {  	[hbm4b:s26+s3] =	stream.linear.scatter [tilespmem:s25], [sflag:$0x3], $0x80, $0x38;
	[tilespmem:$0x19E00] =	vst v63  }
0x2c7: {  	s17 =	sadd.s32 $0x70, s16;
	s26 =	sadd.s32 $0xE7B8, s0  }
0x2c8: {  	[hbm4b:s17+s3] =	stream.linear.scatter [tilespmem:s26], [sflag:$0x3], $0x80, $0x38;
	[tilespmem:$0x19E00] =	vst v63  }
0x2c9: {  	_ =	swait.ge [sflag:s28], $0x2000  }
0x2ca: {  	[sflag:s28] =	ssyncset.done $0x0  }
0x2cb: {  	[sflag:s28] =	ssyncadd.s32 $0xFFFFE000  }
0x2cc: {  	_ =	swait.ge [sflag:s28], $0x2000  }
0x2cd: {  	[sflag:s28] =	ssyncset.done $0x0  }
0x2ce: {  	s25 =	sshll.u32 s14, $0x2;
	[sflag:s28] =	ssyncadd.s32 $0xFFFFE000  }
0x2cf: {  	s25 =	sor.u32 $0x2, s25;
	_ =	swait.ge [sflag:s11], $0x4000  }
0x2d0: {  	s0 =	sshll.u32 s25, $0x6;
	[sflag:s11] =	ssyncset.done $0x0  }
0x2d1: {  	s0 =	sand.u32 $0x3FFFFF80, s0;
	[sflag:s11] =	ssyncadd.s32 $0xFFFFC000  }
0x2d2: {  	s16 =	simm.s32 $0xA4F0;
	s26 =	simm.s32 $0x3;
	v9 =	vld [tilespmem:s0+$0x16C00]  }
0x2d3: {  	v4 =	vmov s26;
	v7 =	vld [tilespmem:s16+$0xFFFFFFD0]  }
0x2d4: {  	v13 =	vand.u32 $0x7F, v4  }
0x2d5: {  	s26 =	simm.s32 $0x0;
	v8 =	vadd.s32 v0, v13;
	v6 =	vld [tilespmem:s0+$0x16C10]  }
0x2d6: {  	s17 =	simm.s32 $0x1;
	v4 =	vmov s26;
	s26 =	simm.s32 $0x2;
	v10 =	vld [tilespmem:s16+$0xFFFFFF10]  }
0x2d7: {  	v12 =	vand.u32 $0x7C, v4;
	v4 =	vmov s17;
	v14 =	vmov s26;
	v11 =	vld [tilespmem:s16+$0xFFFFFF50]  }
0x2d8: {  	v15 =	vadd.s32 v0, v12;
	v19 =	vand.u32 $0x7D, v4;
	v16 =	vld [tilespmem:s16+$0xFFFFFF90];
	v7 =	vadd.f32 v7, v9  }
0x2d9: {  	v20 =	vand.u32 $0x7E, v14;
	v17 =	vadd.s32 v0, v19;
	v5 =	vld [tilespmem:s0+$0x16C20]  }
0x2da: {  	v14 =	vadd.s32 v0, v20;
	v4 =	vld [tilespmem:s0+$0x16C30];
	[tilespmem:v8+s29+$0x0] =	vst.idx.msk $0xffff, v7  }
0x2db: {  	v7 =	vadd.f32 v10, v9;
	v8 =	vld [tilespmem:s16+$0xFFFFFFE0]  }
0x2dc: {  	v10 =	vadd.f32 v11, v9  }
0x2dd: {  	v11 =	vadd.s32 v1, v13;
	[tilespmem:v15+s29+$0x0] =	vst.idx.msk $0xffff, v7;
	v7 =	vadd.f32 v16, v9  }
0x2de: {  	[tilespmem:v17+s29+$0x0] =	vst.idx.msk $0xffff, v10;
	v15 =	vld [tilespmem:s16+$0xFFFFFF20]  }
0x2df: {  	v10 =	vld [tilespmem:s16+$0xFFFFFF60];
	[tilespmem:v14+s29+$0x0] =	vst.idx.msk $0xffff, v7  }
0x2e0: {  	v14 =	vld [tilespmem:s16+$0xFFFFFFA0];
	v7 =	vadd.f32 v8, v6  }
0x2e1: {  	s17 =	simm.s32 $0x7;
	s26 =	simm.s32 $0xA5F0;
	v16 =	vadd.s32 v1, v19  }
0x2e2: {  	v26 =	vadd.s32 v2, v13;
	s0 =	simm.s32 $0x4;
	v18 =	vld [tilespmem:s26+$0xFFFFFFD0];
	v17 =	vadd.s32 v1, v20;
	[tilespmem:v11+s29+$0x0] =	vst.idx.msk $0xffff, v7;
	v7 =	vmov s17  }
0x2e3: {  	v21 =	vadd.s32 v1, v12;
	v8 =	vmov s0;
	v7 =	vand.u32 $0x7F, v7;
	v22 =	vld [tilespmem:s16+$0xFFFFFFF0]  }
0x2e4: {  	v23 =	vld [tilespmem:s26+$0xFFFFFF10];
	v8 =	vand.u32 $0x7C, v8;
	v10 =	vadd.f32 v10, v6;
	s17 =	simm.s32 $0x5;
	v24 =	vadd.s32 v0, v7  }
0x2e5: {  	v25 =	vld [tilespmem:s26+$0xFFFFFF50];
	v15 =	vadd.f32 v15, v6;
	v11 =	vadd.f32 v14, v6;
	v14 =	vmov s17;
	s17 =	simm.s32 $0x6  }
0x2e6: {  	v27 =	vadd.s32 v0, v8;
	[tilespmem:v16+s29+$0x0] =	vst.idx.msk $0xffff, v10;
	v16 =	vmov s17;
	v10 =	vand.u32 $0x7D, v14;
	v14 =	vld [tilespmem:s26+$0xFFFFFF90]  }
0x2e7: {  	[tilespmem:v17+s29+$0x0] =	vst.idx.msk $0xffff, v11;
	v17 =	vadd.s32 v0, v10;
	v11 =	vand.u32 $0x7E, v16;
	v16 =	vadd.f32 v18, v9;
	v18 =	vld [tilespmem:s16+$0xFFFFFF70]  }
0x2e8: {  	[tilespmem:v21+s29+$0x0] =	vst.idx.msk $0xffff, v15;
	v15 =	vadd.s32 v0, v11;
	v21 =	vld [tilespmem:s16+$0xFFFFFFB0];
	v22 =	vadd.f32 v22, v5  }
0x2e9: {  	v23 =	vadd.f32 v23, v9;
	[tilespmem:v24+s29+$0x0] =	vst.idx.msk $0xffff, v16;
	v16 =	vld [tilespmem:s16+$0xFFFFFF30];
	v24 =	vadd.s32 v2, v19  }
0x2ea: {  	v29 =	vadd.s32 v2, v20;
	v25 =	vadd.f32 v25, v9;
	v28 =	vld [tilespmem:s26+$0xFFFFFFE0];
	[tilespmem:v26+s29+$0x0] =	vst.idx.msk $0xffff, v22  }
0x2eb: {  	[tilespmem:v27+s29+$0x0] =	vst.idx.msk $0xffff, v23;
	v23 =	vadd.s32 v2, v12;
	v14 =	vadd.f32 v14, v9;
	v26 =	vld [tilespmem:s16+$0x0]  }
0x2ec: {  	v27 =	vld [tilespmem:s26+$0xFFFFFF20];
	[tilespmem:v17+s29+$0x0] =	vst.idx.msk $0xffff, v25;
	v25 =	vadd.s32 v1, v7;
	v18 =	vadd.f32 v18, v5  }
0x2ed: {  	v31 =	vadd.s32 v3, v13;
	v30 =	vld [tilespmem:s26+$0xFFFFFF60];
	[tilespmem:v15+s29+$0x0] =	vst.idx.msk $0xffff, v14;
	v14 =	vadd.f32 v21, v5  }
0x2ee: {  	v22 =	vadd.s32 v1, v8;
	v17 =	vld [tilespmem:s26+$0xFFFFFFA0];
	v13 =	vadd.f32 v16, v5;
	[tilespmem:v24+s29+$0x0] =	vst.idx.msk $0xffff, v18  }
0x2ef: {  	s0 =	simm.s32 $0x8;
	v21 =	vadd.s32 v1, v10;
	[tilespmem:v29+s29+$0x0] =	vst.idx.msk $0xffff, v14;
	v18 =	vadd.f32 v28, v6;
	v16 =	vld [tilespmem:s16+$0xFFFFFF80]  }
0x2f0: {  	v24 =	vmov s0;
	v14 =	vadd.s32 v1, v11;
	v15 =	vld [tilespmem:s16+$0xFFFFFFC0];
	[tilespmem:v23+s29+$0x0] =	vst.idx.msk $0xffff, v13;
	v63 =	vadd.f32 v26, v4  }
0x2f1: {  	s31 =	simm.s32 $0xA6F0;
	s17 =	simm.s32 $0xB;
	v19 =	vadd.s32 v3, v19;
	v13 =	vand.u32 $0x7C, v24;
	v24 =	vadd.f32 v27, v6;
	[tilespmem:v25+s29+$0x0] =	vst.idx.msk $0xffff, v18;
	v18 =	vld [tilespmem:s16+$0xFFFFFF40]  }
0x2f2: {  	v20 =	vadd.s32 v3, v20;
	v26 =	vmov s17;
	v23 =	vld [tilespmem:s31+$0xFFFFFFD0];
	s16 =	simm.s32 $0xC;
	v25 =	vadd.f32 v30, v6;
	[tilespmem:v31+s29+$0x0] =	vst.idx.msk $0xffff, v63  }
.LBB2_21:
0x2f3: {  	p1 =	slt.u32 s16, $0x7C;
	s17 =	sadd.s32 $0x1, s0;
	v26 =	vand.u32 $0x7F, v26;
	[tilespmem:v22+s29+$0x0] =	vst.idx.msk $0xffff, v24;
	v17 =	vadd.f32 v17, v6;
	v22 =	vld [tilespmem:s26+$0xFFFFFFF0];
	v24 =	vadd.s32 v3, v12  }
0x2f4: {  	v30 =	vmovc v11;
	v27 =	vld [tilespmem:s31+$0xFFFFFF10];
	v28 =	vmov s17;
	s17 =	sadd.s32 $0x2, s0;
	v29 =	vadd.s32 v0, v26;
	[tilespmem:v21+s29+$0x0] =	vst.idx.msk $0xffff, v25;
	v16 =	vadd.f32 v16, v4;
	s0 =	smov.u32 s16  }
0x2f5: {  	v12 =	vmovc v8;
	v21 =	vld [tilespmem:s31+$0xFFFFFF50];
	v11 =	vmov s17;
	[tilespmem:v14+s29+$0x0] =	vst.idx.msk $0xffff, v17;
	v14 =	vadd.s32 v2, v7;
	v15 =	vadd.f32 v15, v4  }
0x2f6: {  	v17 =	vadd.s32 v0, v13;
	v28 =	vand.u32 $0x7D, v28;
	v25 =	vld [tilespmem:s31+$0xFFFFFF90];
	v31 =	vadd.f32 v18, v4;
	[tilespmem:v19+s29+$0x0] =	vst.idx.msk $0xffff, v16  }
0x2f7: {  	v16 =	vadd.s32 v0, v28;
	v11 =	vand.u32 $0x7E, v11;
	v18 =	vadd.f32 v23, v9;
	v19 =	vld [tilespmem:s26+$0xFFFFFF70];
	[tilespmem:v20+s29+$0x0] =	vst.idx.msk $0xffff, v15  }
0x2f8: {  	v8 =	vmov v13;
	v15 =	vadd.s32 v0, v11;
	v20 =	vld [tilespmem:s26+$0xFFFFFFB0];
	v22 =	vadd.f32 v22, v5;
	[tilespmem:v24+s29+$0x0] =	vst.idx.msk $0xffff, v31  }
0x2f9: {  	v23 =	vadd.s32 v2, v10;
	v13 =	vadd.f32 v27, v9;
	[tilespmem:v29+s29+$0x0] =	vst.idx.msk $0xffff, v18;
	v18 =	vld [tilespmem:s26+$0xFFFFFF30]  }
0x2fa: {  	v27 =	vadd.s32 v2, v30;
	v21 =	vadd.f32 v21, v9;
	v24 =	vld [tilespmem:s31+$0xFFFFFFE0];
	[tilespmem:v14+s29+$0x0] =	vst.idx.msk $0xffff, v22  }
0x2fb: {  	[tilespmem:v17+s29+$0x0] =	vst.idx.msk $0xffff, v13;
	v13 =	vadd.f32 v25, v9;
	v25 =	vadd.s32 v2, v12;
	v29 =	vld [tilespmem:s26+$0x0]  }
0x2fc: {  	v32 =	vadd.s32 v1, v26;
	v31 =	vld [tilespmem:s31+$0xFFFFFF20];
	[tilespmem:v16+s29+$0x0] =	vst.idx.msk $0xffff, v21;
	v14 =	vadd.f32 v19, v5  }
0x2fd: {  	v34 =	vadd.s32 v3, v7;
	v7 =	vmov v26;
	v33 =	vld [tilespmem:s31+$0xFFFFFF60];
	[tilespmem:v15+s29+$0x0] =	vst.idx.msk $0xffff, v13;
	v13 =	vadd.f32 v20, v5  }
.Ltmp9:
0x2fe: {  	v22 =	vadd.s32 v1, v8;
	v17 =	vld [tilespmem:s31+$0xFFFFFFA0];
	v15 =	vadd.f32 v18, v5;
	[tilespmem:v23+s29+$0x0] =	vst.idx.msk $0xffff, v14;
	(pc) =	sbr.rel @p1 .LBB2_21-.Ltmp9, $4  }
0x2ff: {  	v21 =	vadd.s32 v1, v28;
	v18 =	vadd.f32 v24, v6;
	v16 =	vld [tilespmem:s26+$0xFFFFFF80];
	[tilespmem:v27+s29+$0x0] =	vst.idx.msk $0xffff, v13  }
0x300: {  	v14 =	vadd.s32 v1, v11;
	v13 =	vmov s16;
	[tilespmem:v25+s29+$0x0] =	vst.idx.msk $0xffff, v15;
	v15 =	vld [tilespmem:s26+$0xFFFFFFC0];
	v27 =	vadd.f32 v29, v4  }
0x301: {  	s17 =	sadd.s32 $0x3, s16;
	v19 =	vadd.s32 v3, v10;
	v13 =	vand.u32 $0x7C, v13;
	v24 =	vadd.f32 v31, v6;
	[tilespmem:v32+s29+$0x0] =	vst.idx.msk $0xffff, v18;
	v18 =	vld [tilespmem:s26+$0xFFFFFF40];
	s26 =	smov.u32 s31;
	s31 =	sadd.s32 $0x100, s31  }
0x302: {  	v26 =	vmov s17;
	v10 =	vmovc v28;
	v20 =	vadd.s32 v3, v30;
	s16 =	sadd.s32 $0x4, s16;
	v23 =	vld [tilespmem:s31+$0xFFFFFFD0];
	v25 =	vadd.f32 v33, v6;
	[tilespmem:v34+s29+$0x0] =	vst.idx.msk $0xffff, v27  }
0x303: {  	s16 =	sadd.s32 $0x1, s0  }
0x304: {  	v26 =	vand.u32 $0x7F, v26;
	v28 =	vld [tilespmem:s31+$0xFFFFFF50];
	v27 =	vmov s16;
	s16 =	sadd.s32 $0x2, s0  }
0x305: {  	v31 =	vld [tilespmem:s31+$0xFFFFFF90];
	v29 =	vadd.s32 v0, v26;
	v30 =	vmov s16;
	v27 =	vand.u32 $0x7D, v27  }
0x306: {  	v32 =	vld [tilespmem:s31+$0xFFFFFF10];
	v33 =	vadd.s32 v0, v27;
	v30 =	vand.u32 $0x7E, v30  }
0x307: {  	v34 =	vadd.s32 v0, v30  }
0x308: {  	[tilespmem:v22+s29+$0x0] =	vst.idx.msk $0xffff, v24;
	v22 =	vadd.s32 v0, v13;
	v23 =	vadd.f32 v23, v9  }
0x309: {  	[tilespmem:v21+s29+$0x0] =	vst.idx.msk $0xffff, v25;
	v21 =	vadd.f32 v28, v9  }
0x30a: {  	[tilespmem:v29+s29+$0x0] =	vst.idx.msk $0xffff, v23;
	v23 =	vadd.f32 v31, v9  }
0x30b: {  	v9 =	vadd.f32 v32, v9;
	v24 =	vld [tilespmem:s31+$0xFFFFFFE0];
	[tilespmem:v33+s29+$0x0] =	vst.idx.msk $0xffff, v21  }
0x30c: {  	v17 =	vadd.f32 v17, v6;
	v12 =	vadd.s32 v3, v12;
	v21 =	vld [tilespmem:s31+$0xFFFFFF60];
	[tilespmem:v34+s29+$0x0] =	vst.idx.msk $0xffff, v23  }
0x30d: {  	v16 =	vadd.f32 v16, v4;
	[tilespmem:v22+s29+$0x0] =	vst.idx.msk $0xffff, v9;
	v9 =	vadd.s32 v1, v26;
	v22 =	vld [tilespmem:s31+$0xFFFFFFA0]  }
0x30e: {  	[tilespmem:v14+s29+$0x0] =	vst.idx.msk $0xffff, v17;
	v14 =	vadd.f32 v15, v4;
	v17 =	vadd.s32 v1, v27;
	v15 =	vld [tilespmem:s31+$0xFFFFFF20]  }
0x30f: {  	v18 =	vadd.f32 v18, v4;
	[tilespmem:v19+s29+$0x0] =	vst.idx.msk $0xffff, v16;
	v16 =	vadd.s32 v1, v30;
	v23 =	vld [tilespmem:s26+$0xFFFFFFF0]  }
0x310: {  	v19 =	vld [tilespmem:s26+$0xFFFFFF70];
	[tilespmem:v20+s29+$0x0] =	vst.idx.msk $0xffff, v14;
	v14 =	vadd.s32 v1, v13;
	v20 =	vadd.f32 v24, v6  }
0x311: {  	v25 =	vld [tilespmem:s26+$0xFFFFFFB0];
	[tilespmem:v12+s29+$0x0] =	vst.idx.msk $0xffff, v18;
	v24 =	vadd.s32 v2, v7;
	v12 =	vadd.f32 v21, v6  }
0x312: {  	v18 =	vld [tilespmem:s26+$0xFFFFFF30];
	v21 =	vadd.s32 v2, v10;
	[tilespmem:v9+s29+$0x0] =	vst.idx.msk $0xffff, v20;
	v9 =	vadd.f32 v22, v6  }
0x313: {  	v20 =	vadd.s32 v2, v11;
	v6 =	vadd.f32 v15, v6;
	v15 =	vld [tilespmem:s31+$0xFFFFFFF0];
	[tilespmem:v17+s29+$0x0] =	vst.idx.msk $0xffff, v12  }
0x314: {  	v12 =	vadd.f32 v23, v5;
	v17 =	vadd.s32 v2, v8;
	[tilespmem:v16+s29+$0x0] =	vst.idx.msk $0xffff, v9;
	v9 =	vld [tilespmem:s31+$0xFFFFFF70]  }
0x315: {  	v16 =	vadd.f32 v19, v5;
	[tilespmem:v14+s29+$0x0] =	vst.idx.msk $0xffff, v6;
	v6 =	vadd.s32 v2, v26;
	v14 =	vld [tilespmem:s31+$0xFFFFFFB0]  }
0x316: {  	v22 =	vadd.s32 v2, v27;
	[tilespmem:v24+s29+$0x0] =	vst.idx.msk $0xffff, v12;
	v12 =	vadd.f32 v25, v5;
	v19 =	vld [tilespmem:s31+$0xFFFFFF30]  }
0x317: {  	v18 =	vadd.f32 v18, v5;
	v23 =	vld [tilespmem:s26+$0x0];
	[tilespmem:v21+s29+$0x0] =	vst.idx.msk $0xffff, v16;
	v16 =	vadd.s32 v2, v30  }
0x318: {  	v21 =	vld [tilespmem:s26+$0xFFFFFF80];
	[tilespmem:v20+s29+$0x0] =	vst.idx.msk $0xffff, v12;
	v12 =	vadd.f32 v15, v5;
	v15 =	vadd.s32 v2, v13  }
0x319: {  	v7 =	vadd.s32 v3, v7;
	[tilespmem:v17+s29+$0x0] =	vst.idx.msk $0xffff, v18;
	v17 =	vld [tilespmem:s26+$0xFFFFFFC0];
	v9 =	vadd.f32 v9, v5  }
0x31a: {  	v10 =	vadd.s32 v3, v10;
	v18 =	vld [tilespmem:s26+$0xFFFFFF40];
	[tilespmem:v6+s29+$0x0] =	vst.idx.msk $0xffff, v12;
	v6 =	vadd.f32 v14, v5  }
0x31b: {  	v11 =	vadd.s32 v3, v11;
	v12 =	vld [tilespmem:s31+$0x0];
	v5 =	vadd.f32 v19, v5;
	[tilespmem:v22+s29+$0x0] =	vst.idx.msk $0xffff, v9  }
0x31c: {  	v8 =	vadd.s32 v3, v8;
	v9 =	vadd.f32 v23, v4;
	v14 =	vld [tilespmem:s31+$0xFFFFFF80];
	[tilespmem:v16+s29+$0x0] =	vst.idx.msk $0xffff, v6  }
0x31d: {  	v6 =	vadd.f32 v21, v4;
	v16 =	vadd.s32 v3, v26;
	[tilespmem:v15+s29+$0x0] =	vst.idx.msk $0xffff, v5;
	v5 =	vld [tilespmem:s31+$0xFFFFFFC0]  }
0x31e: {  	v15 =	vadd.s32 v3, v27;
	[tilespmem:v7+s29+$0x0] =	vst.idx.msk $0xffff, v9;
	v7 =	vadd.f32 v17, v4;
	v9 =	vld [tilespmem:s31+$0xFFFFFF40]  }
0x31f: {  	v17 =	vadd.f32 v18, v4;
	[tilespmem:v10+s29+$0x0] =	vst.idx.msk $0xffff, v6;
	v6 =	vadd.s32 v3, v30  }
0x320: {  	v10 =	vadd.s32 v3, v13;
	[tilespmem:v11+s29+$0x0] =	vst.idx.msk $0xffff, v7;
	v7 =	vadd.f32 v12, v4  }
0x321: {  	[tilespmem:v8+s29+$0x0] =	vst.idx.msk $0xffff, v17;
	v8 =	vadd.f32 v14, v4  }
0x322: {  	[tilespmem:v16+s29+$0x0] =	vst.idx.msk $0xffff, v7;
	v5 =	vadd.f32 v5, v4  }
0x323: {  	v4 =	vadd.f32 v9, v4;
	[tilespmem:v15+s29+$0x0] =	vst.idx.msk $0xffff, v8  }
0x324: {  	[tilespmem:v6+s29+$0x0] =	vst.idx.msk $0xffff, v5  }
0x325: {  	[tilespmem:v10+s29+$0x0] =	vst.idx.msk $0xffff, v4  }
0x326: {  	s17 =	simm.s32 $0x3;
	s16 =	simm.s32 $0xC400;
	v9 =	vld [tilespmem:s18+$0x16CC0]  }
0x327: {  	v4 =	vmov s17;
	v7 =	vld [tilespmem:s16+$0xC0]  }
0x328: {  	v13 =	vand.u32 $0x7F, v4  }
0x329: {  	s26 =	simm.s32 $0x0;
	v6 =	vld [tilespmem:s18+$0x16CD0];
	v8 =	vadd.s32 v0, v13  }
0x32a: {  	s31 =	simm.s32 $0x1;
	s17 =	simm.s32 $0x2;
	v4 =	vmov s26;
	v10 =	vld [tilespmem:s16+$0x0]  }
0x32b: {  	v11 =	vld [tilespmem:s16+$0x40];
	v14 =	vmov s17;
	v12 =	vand.u32 $0x7C, v4;
	v4 =	vmov s31  }
0x32c: {  	v16 =	vld [tilespmem:s16+$0x80];
	v15 =	vadd.s32 v0, v12;
	v19 =	vand.u32 $0x7D, v4;
	v7 =	vadd.f32 v7, v9  }
0x32d: {  	v5 =	vld [tilespmem:s18+$0x16CE0];
	v20 =	vand.u32 $0x7E, v14;
	v17 =	vadd.s32 v0, v19  }
0x32e: {  	v4 =	vld [tilespmem:s18+$0x16CF0];
	v14 =	vadd.s32 v0, v20;
	[tilespmem:v8+s30+$0x0] =	vst.idx.msk $0xffff, v7  }
0x32f: {  	v7 =	vadd.f32 v10, v9;
	v8 =	vld [tilespmem:s16+$0xD0]  }
0x330: {  	v10 =	vadd.f32 v11, v9  }
0x331: {  	v11 =	vadd.s32 v1, v13;
	[tilespmem:v15+s30+$0x0] =	vst.idx.msk $0xffff, v7;
	v7 =	vadd.f32 v16, v9  }
0x332: {  	[tilespmem:v17+s30+$0x0] =	vst.idx.msk $0xffff, v10;
	v15 =	vld [tilespmem:s16+$0x10]  }
0x333: {  	v10 =	vld [tilespmem:s16+$0x50];
	[tilespmem:v14+s30+$0x0] =	vst.idx.msk $0xffff, v7  }
0x334: {  	v14 =	vld [tilespmem:s16+$0x90];
	v7 =	vadd.f32 v8, v6  }
0x335: {  	s31 =	simm.s32 $0x7;
	s18 =	simm.s32 $0xC500;
	v16 =	vadd.s32 v1, v19  }
0x336: {  	s26 =	simm.s32 $0x4;
	v26 =	vadd.s32 v2, v13;
	v18 =	vld [tilespmem:s18+$0xC0];
	v17 =	vadd.s32 v1, v20;
	[tilespmem:v11+s30+$0x0] =	vst.idx.msk $0xffff, v7;
	v7 =	vmov s31  }
0x337: {  	v21 =	vadd.s32 v1, v12;
	v8 =	vmov s26;
	v7 =	vand.u32 $0x7F, v7;
	v22 =	vld [tilespmem:s16+$0xE0]  }
0x338: {  	s17 =	simm.s32 $0x5;
	v23 =	vld [tilespmem:s18+$0x0];
	v8 =	vand.u32 $0x7C, v8;
	v10 =	vadd.f32 v10, v6;
	v24 =	vadd.s32 v0, v7  }
0x339: {  	v25 =	vld [tilespmem:s18+$0x40];
	s26 =	simm.s32 $0x6;
	v15 =	vadd.f32 v15, v6;
	v11 =	vadd.f32 v14, v6;
	v14 =	vmov s17  }
0x33a: {  	v27 =	vadd.s32 v0, v8;
	[tilespmem:v16+s30+$0x0] =	vst.idx.msk $0xffff, v10;
	v16 =	vmov s26;
	v10 =	vand.u32 $0x7D, v14;
	v14 =	vld [tilespmem:s18+$0x80]  }
0x33b: {  	[tilespmem:v17+s30+$0x0] =	vst.idx.msk $0xffff, v11;
	v17 =	vadd.s32 v0, v10;
	v11 =	vand.u32 $0x7E, v16;
	v16 =	vadd.f32 v18, v9;
	v18 =	vld [tilespmem:s16+$0x60]  }
0x33c: {  	[tilespmem:v21+s30+$0x0] =	vst.idx.msk $0xffff, v15;
	v15 =	vadd.s32 v0, v11;
	v21 =	vld [tilespmem:s16+$0xA0];
	v22 =	vadd.f32 v22, v5  }
0x33d: {  	v23 =	vadd.f32 v23, v9;
	[tilespmem:v24+s30+$0x0] =	vst.idx.msk $0xffff, v16;
	v16 =	vld [tilespmem:s16+$0x20];
	v24 =	vadd.s32 v2, v19  }
0x33e: {  	v60 =	vadd.s32 v2, v20;
	v25 =	vadd.f32 v25, v9;
	v59 =	vld [tilespmem:s18+$0xD0];
	[tilespmem:v26+s30+$0x0] =	vst.idx.msk $0xffff, v22  }
0x33f: {  	[tilespmem:v27+s30+$0x0] =	vst.idx.msk $0xffff, v23;
	v23 =	vadd.s32 v2, v12;
	v14 =	vadd.f32 v14, v9;
	v26 =	vld [tilespmem:s16+$0xF0]  }
0x340: {  	v27 =	vld [tilespmem:s18+$0x10];
	[tilespmem:v17+s30+$0x0] =	vst.idx.msk $0xffff, v25;
	v25 =	vadd.s32 v1, v7;
	v18 =	vadd.f32 v18, v5  }
0x341: {  	v62 =	vadd.s32 v3, v13;
	v61 =	vld [tilespmem:s18+$0x50];
	[tilespmem:v15+s30+$0x0] =	vst.idx.msk $0xffff, v14;
	v14 =	vadd.f32 v21, v5  }
0x342: {  	v22 =	vadd.s32 v1, v8;
	v17 =	vld [tilespmem:s18+$0x90];
	v13 =	vadd.f32 v16, v5;
	[tilespmem:v24+s30+$0x0] =	vst.idx.msk $0xffff, v18  }
0x343: {  	s0 =	simm.s32 $0x8;
	v21 =	vadd.s32 v1, v10;
	[tilespmem:v60+s30+$0x0] =	vst.idx.msk $0xffff, v14;
	v18 =	vadd.f32 v59, v6;
	v16 =	vld [tilespmem:s16+$0x70]  }
0x344: {  	v24 =	vmov s0;
	v14 =	vadd.s32 v1, v11;
	v15 =	vld [tilespmem:s16+$0xB0];
	[tilespmem:v23+s30+$0x0] =	vst.idx.msk $0xffff, v13;
	v63 =	vadd.f32 v26, v4  }
0x345: {  	s31 =	simm.s32 $0xB;
	s26 =	simm.s32 $0xC600;
	v19 =	vadd.s32 v3, v19;
	v13 =	vand.u32 $0x7C, v24;
	v24 =	vadd.f32 v27, v6;
	[tilespmem:v25+s30+$0x0] =	vst.idx.msk $0xffff, v18;
	v18 =	vld [tilespmem:s16+$0x30]  }
0x346: {  	v20 =	vadd.s32 v3, v20;
	v26 =	vmov s31;
	v23 =	vld [tilespmem:s26+$0xC0];
	s16 =	simm.s32 $0xC;
	v25 =	vadd.f32 v61, v6;
	[tilespmem:v62+s30+$0x0] =	vst.idx.msk $0xffff, v63  }
.LBB2_23:
0x347: {  	p1 =	slt.u32 s16, $0x7C;
	s17 =	sadd.s32 $0x1, s0;
	v26 =	vand.u32 $0x7F, v26;
	[tilespmem:v22+s30+$0x0] =	vst.idx.msk $0xffff, v24;
	v17 =	vadd.f32 v17, v6;
	v22 =	vld [tilespmem:s18+$0xE0];
	v24 =	vadd.s32 v3, v12  }
0x348: {  	v30 =	vmovc v11;
	v27 =	vld [tilespmem:s26+$0x0];
	v28 =	vmov s17;
	s17 =	sadd.s32 $0x2, s0;
	v29 =	vadd.s32 v0, v26;
	[tilespmem:v21+s30+$0x0] =	vst.idx.msk $0xffff, v25;
	v16 =	vadd.f32 v16, v4;
	s0 =	smov.u32 s16  }
0x349: {  	v12 =	vmovc v8;
	v21 =	vld [tilespmem:s26+$0x40];
	v11 =	vmov s17;
	[tilespmem:v14+s30+$0x0] =	vst.idx.msk $0xffff, v17;
	v14 =	vadd.s32 v2, v7;
	v15 =	vadd.f32 v15, v4  }
0x34a: {  	v17 =	vadd.s32 v0, v13;
	v28 =	vand.u32 $0x7D, v28;
	v25 =	vld [tilespmem:s26+$0x80];
	v31 =	vadd.f32 v18, v4;
	[tilespmem:v19+s30+$0x0] =	vst.idx.msk $0xffff, v16  }
0x34b: {  	v16 =	vadd.s32 v0, v28;
	v11 =	vand.u32 $0x7E, v11;
	v18 =	vadd.f32 v23, v9;
	v19 =	vld [tilespmem:s18+$0x60];
	[tilespmem:v20+s30+$0x0] =	vst.idx.msk $0xffff, v15  }
0x34c: {  	v8 =	vmov v13;
	v15 =	vadd.s32 v0, v11;
	v20 =	vld [tilespmem:s18+$0xA0];
	v22 =	vadd.f32 v22, v5;
	[tilespmem:v24+s30+$0x0] =	vst.idx.msk $0xffff, v31  }
0x34d: {  	v23 =	vadd.s32 v2, v10;
	v13 =	vadd.f32 v27, v9;
	[tilespmem:v29+s30+$0x0] =	vst.idx.msk $0xffff, v18;
	v18 =	vld [tilespmem:s18+$0x20]  }
0x34e: {  	v27 =	vadd.s32 v2, v30;
	v21 =	vadd.f32 v21, v9;
	v24 =	vld [tilespmem:s26+$0xD0];
	[tilespmem:v14+s30+$0x0] =	vst.idx.msk $0xffff, v22  }
0x34f: {  	[tilespmem:v17+s30+$0x0] =	vst.idx.msk $0xffff, v13;
	v13 =	vadd.f32 v25, v9;
	v25 =	vadd.s32 v2, v12;
	v29 =	vld [tilespmem:s18+$0xF0]  }
0x350: {  	v32 =	vadd.s32 v1, v26;
	v31 =	vld [tilespmem:s26+$0x10];
	[tilespmem:v16+s30+$0x0] =	vst.idx.msk $0xffff, v21;
	v14 =	vadd.f32 v19, v5  }
0x351: {  	v34 =	vadd.s32 v3, v7;
	v7 =	vmov v26;
	v33 =	vld [tilespmem:s26+$0x50];
	[tilespmem:v15+s30+$0x0] =	vst.idx.msk $0xffff, v13;
	v13 =	vadd.f32 v20, v5  }
.Ltmp10:
0x352: {  	v22 =	vadd.s32 v1, v8;
	v17 =	vld [tilespmem:s26+$0x90];
	v15 =	vadd.f32 v18, v5;
	[tilespmem:v23+s30+$0x0] =	vst.idx.msk $0xffff, v14;
	(pc) =	sbr.rel @p1 .LBB2_23-.Ltmp10, $4  }
0x353: {  	v21 =	vadd.s32 v1, v28;
	v18 =	vadd.f32 v24, v6;
	v16 =	vld [tilespmem:s18+$0x70];
	[tilespmem:v27+s30+$0x0] =	vst.idx.msk $0xffff, v13  }
0x354: {  	v14 =	vadd.s32 v1, v11;
	v13 =	vmov s16;
	[tilespmem:v25+s30+$0x0] =	vst.idx.msk $0xffff, v15;
	v15 =	vld [tilespmem:s18+$0xB0];
	v27 =	vadd.f32 v29, v4  }
0x355: {  	s17 =	sadd.s32 $0x3, s16;
	v19 =	vadd.s32 v3, v10;
	v13 =	vand.u32 $0x7C, v13;
	v24 =	vadd.f32 v31, v6;
	[tilespmem:v32+s30+$0x0] =	vst.idx.msk $0xffff, v18;
	v18 =	vld [tilespmem:s18+$0x30];
	s18 =	smov.u32 s26;
	s26 =	sadd.s32 $0x100, s26  }
0x356: {  	v26 =	vmov s17;
	v10 =	vmovc v28;
	v20 =	vadd.s32 v3, v30;
	s16 =	sadd.s32 $0x4, s16;
	v23 =	vld [tilespmem:s26+$0xC0];
	v25 =	vadd.f32 v33, v6;
	[tilespmem:v34+s30+$0x0] =	vst.idx.msk $0xffff, v27  }
0x357: {  	s16 =	sadd.s32 $0x1, s0  }
0x358: {  	v26 =	vand.u32 $0x7F, v26;
	s17 =	sadd.s32 $0x2, s0;
	v28 =	vld [tilespmem:s26+$0x40];
	v27 =	vmov s16  }
0x359: {  	v31 =	vld [tilespmem:s26+$0x80];
	v29 =	vadd.s32 v0, v26;
	v30 =	vmov s17;
	v27 =	vand.u32 $0x7D, v27  }
0x35a: {  	v32 =	vld [tilespmem:s26+$0x0];
	v30 =	vand.u32 $0x7E, v30;
	v33 =	vadd.s32 v0, v27  }
0x35b: {  	v34 =	vadd.s32 v0, v30  }
0x35c: {  	[tilespmem:v22+s30+$0x0] =	vst.idx.msk $0xffff, v24;
	v44 =	vadd.s32 v0, v13;
	v23 =	vadd.f32 v23, v9  }
0x35d: {  	[tilespmem:v21+s30+$0x0] =	vst.idx.msk $0xffff, v25;
	v45 =	vadd.f32 v28, v9  }
0x35e: {  	v46 =	vadd.f32 v31, v9;
	[tilespmem:v29+s30+$0x0] =	vst.idx.msk $0xffff, v23  }
0x35f: {  	v47 =	vadd.f32 v32, v9;
	v48 =	vld [tilespmem:s26+$0xD0];
	[tilespmem:v33+s30+$0x0] =	vst.idx.msk $0xffff, v45  }
0x360: {  	v17 =	vadd.f32 v17, v6;
	v12 =	vadd.s32 v3, v12;
	[tilespmem:v34+s30+$0x0] =	vst.idx.msk $0xffff, v46;
	v21 =	vld [tilespmem:s26+$0x50]  }
0x361: {  	v16 =	vadd.f32 v16, v4;
	v49 =	vadd.s32 v1, v26;
	[tilespmem:v44+s30+$0x0] =	vst.idx.msk $0xffff, v47;
	v50 =	vld [tilespmem:s26+$0x90]  }
0x362: {  	[tilespmem:v14+s30+$0x0] =	vst.idx.msk $0xffff, v17;
	v51 =	vadd.f32 v15, v4;
	v53 =	vadd.s32 v1, v27;
	v52 =	vld [tilespmem:s26+$0x10]  }
0x363: {  	v54 =	vld [tilespmem:s18+$0xE0];
	v18 =	vadd.f32 v18, v4;
	[tilespmem:v19+s30+$0x0] =	vst.idx.msk $0xffff, v16;
	v55 =	vadd.s32 v1, v30  }
0x364: {  	v57 =	vadd.s32 v1, v13;
	v60 =	vld [tilespmem:s18+$0xA0];
	[tilespmem:v20+s30+$0x0] =	vst.idx.msk $0xffff, v51;
	v58 =	vadd.f32 v48, v6  }
0x365: {  	v59 =	vadd.s32 v2, v7;
	v56 =	vld [tilespmem:s18+$0x60];
	[tilespmem:v12+s30+$0x0] =	vst.idx.msk $0xffff, v18;
	v61 =	vadd.f32 v21, v6  }
0x366: {  	v62 =	vld [tilespmem:s18+$0x20];
	v29 =	vadd.s32 v2, v11;
	[tilespmem:v49+s30+$0x0] =	vst.idx.msk $0xffff, v58;
	v28 =	vadd.f32 v50, v6  }
0x367: {  	v63 =	vadd.s32 v2, v10;
	v31 =	vadd.f32 v52, v6;
	v32 =	vld [tilespmem:s26+$0xE0];
	[tilespmem:v53+s30+$0x0] =	vst.idx.msk $0xffff, v61  }
0x368: {  	v33 =	vadd.f32 v54, v5;
	v34 =	vadd.s32 v2, v8;
	[tilespmem:v55+s30+$0x0] =	vst.idx.msk $0xffff, v28;
	v35 =	vld [tilespmem:s26+$0x60]  }
0x369: {  	v37 =	vadd.s32 v2, v26;
	v39 =	vadd.f32 v60, v5;
	[tilespmem:v57+s30+$0x0] =	vst.idx.msk $0xffff, v31;
	v38 =	vld [tilespmem:s26+$0xA0]  }
0x36a: {  	v41 =	vadd.s32 v2, v27;
	v36 =	vadd.f32 v56, v5;
	[tilespmem:v59+s30+$0x0] =	vst.idx.msk $0xffff, v33;
	v40 =	vld [tilespmem:s26+$0x20]  }
0x36b: {  	v43 =	vadd.s32 v2, v30;
	v18 =	vadd.f32 v62, v5;
	v42 =	vld [tilespmem:s18+$0xF0];
	[tilespmem:v29+s30+$0x0] =	vst.idx.msk $0xffff, v39  }
0x36c: {  	v45 =	vadd.s32 v2, v13;
	[tilespmem:v63+s30+$0x0] =	vst.idx.msk $0xffff, v36;
	v47 =	vld [tilespmem:s18+$0xB0];
	v44 =	vadd.f32 v32, v5  }
0x36d: {  	v46 =	vadd.s32 v3, v7;
	[tilespmem:v34+s30+$0x0] =	vst.idx.msk $0xffff, v18;
	v21 =	vld [tilespmem:s18+$0x70];
	v9 =	vadd.f32 v35, v5  }
0x36e: {  	v18 =	vld [tilespmem:s18+$0x30];
	v50 =	vadd.s32 v3, v11;
	[tilespmem:v37+s30+$0x0] =	vst.idx.msk $0xffff, v44;
	v49 =	vadd.f32 v38, v5  }
0x36f: {  	v48 =	vadd.s32 v3, v10;
	v5 =	vadd.f32 v40, v5;
	v12 =	vld [tilespmem:s26+$0xF0];
	[tilespmem:v41+s30+$0x0] =	vst.idx.msk $0xffff, v9  }
0x370: {  	v52 =	vadd.s32 v3, v8;
	v51 =	vadd.f32 v42, v4;
	[tilespmem:v43+s30+$0x0] =	vst.idx.msk $0xffff, v49;
	v53 =	vld [tilespmem:s26+$0x70]  }
0x371: {  	v55 =	vadd.s32 v3, v26;
	v56 =	vadd.f32 v47, v4;
	[tilespmem:v45+s30+$0x0] =	vst.idx.msk $0xffff, v5;
	v5 =	vld [tilespmem:s26+$0xB0]  }
0x372: {  	v58 =	vadd.s32 v3, v27;
	[tilespmem:v46+s30+$0x0] =	vst.idx.msk $0xffff, v51;
	v54 =	vadd.f32 v21, v4;
	v57 =	vld [tilespmem:s26+$0x30]  }
0x373: {  	v60 =	vadd.s32 v3, v30;
	v59 =	vadd.f32 v18, v4;
	[tilespmem:v50+s30+$0x0] =	vst.idx.msk $0xffff, v56  }
0x374: {  	v62 =	vadd.s32 v3, v13;
	[tilespmem:v48+s30+$0x0] =	vst.idx.msk $0xffff, v54;
	v61 =	vadd.f32 v12, v4  }
0x375: {  	[tilespmem:v52+s30+$0x0] =	vst.idx.msk $0xffff, v59;
	v63 =	vadd.f32 v53, v4  }
0x376: {  	[tilespmem:v55+s30+$0x0] =	vst.idx.msk $0xffff, v61;
	v5 =	vadd.f32 v5, v4  }
0x377: {  	s0 =	sshll.u32 @!p0 s20, $0x8;
	v4 =	vadd.f32 v57, v4;
	[tilespmem:v58+s30+$0x0] =	vst.idx.msk $0xffff, v63  }
0x378: {  	s0 =	sadd.s32 @!p0 $0x300, s0;
	[tilespmem:v60+s30+$0x0] =	vst.idx.msk $0xffff, v5  }
0x379: {  	s16 =	simm.s32 @!p0 $0x80;
	s17 =	simm.s32 @!p0 $0xA400;
	s0 =	sand.u32 @!p0 $0xFF00, s0;
	[tilespmem:v62+s30+$0x0] =	vst.idx.msk $0xffff, v4  }
0x37a: {  	[tilespmem:s17], [sflag:$0x2] =	stream.indirect.gather @!p0 [hbm4b:s5+s16], $0x40, s0, s16, $0xb8;
	[tilespmem:$0x19E00] =	vst v63  }
0x37b: {  	s26 =	sshll.u32 s25, $0x12;
	s0 =	sor.u32 @!p0 $0x80, s0;
	s17 =	simm.s32 @!p0 $0xC400  }
0x37c: {  	[tilespmem:s17], [sflag:$0x2] =	stream.indirect.gather @!p0 [hbm4b:s5+s16], $0x40, s0, s16, $0xb8;
	[tilespmem:$0x19E00] =	vst v63  }
0x37d: {  	s0 =	sor.u32 s4, s26  }
0x37e: {  	s0 =	sshrl.u32 s0, $0x3  }
0x37f: {  	s31 =	simm.s32 $0x12800;
	s16 =	sadd.s32 s2, s0  }
0x380: {  	[hbm4b:s16+s3] =	stream.linear.scatter [tilespmem:s31], [sflag:$0x4], $0x80, $0x38;
	[tilespmem:$0x19E00] =	vst v63  }
0x381: {  	s17 =	simm.s32 $0x12888;
	s18 =	sadd.s32 $0x10, s16  }
0x382: {  	[hbm4b:s18+s3] =	stream.linear.scatter [tilespmem:s17], [sflag:$0x4], $0x80, $0x38;
	[tilespmem:$0x19E00] =	vst v63  }
0x383: {  	s20 =	simm.s32 $0x12910;
	s26 =	simm.s32 $0x12998;
	s25 =	sadd.s32 $0x20, s16  }
0x384: {  	[hbm4b:s25+s3] =	stream.linear.scatter [tilespmem:s20], [sflag:$0x4], $0x80, $0x38;
	[tilespmem:$0x19E00] =	vst v63  }
0x385: {  	s0 =	simm.s32 $0x440;
	s31 =	sadd.s32 $0x30, s16;
	s17 =	simm.s32 $0x12A20  }
0x386: {  	[hbm4b:s31+s3] =	stream.linear.scatter [tilespmem:s26], [sflag:$0x4], $0x80, $0x38;
	[tilespmem:$0x19E00] =	vst v63  }
0x387: {  	s18 =	sadd.s32 $0x40, s16;
	s20 =	simm.s32 $0x12AA8;
	s25 =	sadd.s32 $0x50, s16  }
0x388: {  	[hbm4b:s18+s3] =	stream.linear.scatter [tilespmem:s17], [sflag:$0x4], $0x80, $0x38;
	[tilespmem:$0x19E00] =	vst v63  }
0x389: {  	s26 =	simm.s32 $0x12B30;
	s31 =	sadd.s32 $0x60, s16;
	s18 =	simm.s32 $0x2200  }
0x38a: {  	[hbm4b:s25+s3] =	stream.linear.scatter [tilespmem:s20], [sflag:$0x4], $0x80, $0x38;
	[tilespmem:$0x19E00] =	vst v63  }
0x38b: {  	s20 =	simm.s32 $0x12BB8;
	s25 =	sadd.s32 $0x70, s16;
	s16 =	sadd.s32 $0x1000, s16  }
0x38c: {  	[hbm4b:s31+s3] =	stream.linear.scatter [tilespmem:s26], [sflag:$0x4], $0x80, $0x38;
	[tilespmem:$0x19E00] =	vst v63  }
.LBB2_25:
0x38d: {  	[hbm4b:s25+s3] =	stream.linear.scatter [tilespmem:s20], [sflag:$0x4], $0x80, $0x38;
	[tilespmem:$0x19E00] =	vst v63  }
0x38e: {  	s17 =	smov.u32 s0;
	s0 =	smov.u32 s18  }
0x38f: {  	s26 =	sadd.s32 $0x1100, s18;
	s0 =	sshra.s32 s0, $0x2;
	s20 =	sadd.s32 $0x12800, s17  }
0x390: {  	[hbm4b:s16+s3] =	stream.linear.scatter [tilespmem:s20], [sflag:$0x4], $0x80, $0x38;
	[tilespmem:$0x19E00] =	vst v63  }
0x391: {  	p0 =	sne.s32 s18, $0xFF00;
	s18 =	sadd.s32 $0x12888, s17;
	s20 =	sadd.s32 $0x10, s16  }
0x392: {  	[hbm4b:s20+s3] =	stream.linear.scatter [tilespmem:s18], [sflag:$0x4], $0x80, $0x38;
	[tilespmem:$0x19E00] =	vst v63  }
0x393: {  	s18 =	sadd.s32 $0x12910, s17;
	s20 =	sadd.s32 $0x20, s16  }
0x394: {  	[hbm4b:s20+s3] =	stream.linear.scatter [tilespmem:s18], [sflag:$0x4], $0x80, $0x38;
	[tilespmem:$0x19E00] =	vst v63  }
0x395: {  	s18 =	sadd.s32 $0x12998, s17;
	s20 =	sadd.s32 $0x30, s16  }
0x396: {  	[hbm4b:s20+s3] =	stream.linear.scatter [tilespmem:s18], [sflag:$0x4], $0x80, $0x38;
	[tilespmem:$0x19E00] =	vst v63  }
0x397: {  	s18 =	sadd.s32 $0x12A20, s17;
	s20 =	sadd.s32 $0x40, s16  }
0x398: {  	[hbm4b:s20+s3] =	stream.linear.scatter [tilespmem:s18], [sflag:$0x4], $0x80, $0x38;
	[tilespmem:$0x19E00] =	vst v63  }
.Ltmp11:
0x399: {  	s18 =	sadd.s32 $0x12AA8, s17;
	s20 =	sadd.s32 $0x50, s16;
	(pc) =	sbr.rel @p0 .LBB2_25-.Ltmp11, $4  }
0x39a: {  	[hbm4b:s20+s3] =	stream.linear.scatter [tilespmem:s18], [sflag:$0x4], $0x80, $0x38;
	[tilespmem:$0x19E00] =	vst v63  }
0x39b: {  	s25 =	sadd.s32 $0x70, s16;
	s18 =	sadd.s32 $0x12B30, s17;
	s20 =	sadd.s32 $0x60, s16  }
0x39c: {  	[hbm4b:s20+s3] =	stream.linear.scatter [tilespmem:s18], [sflag:$0x4], $0x80, $0x38;
	[tilespmem:$0x19E00] =	vst v63  }
0x39d: {  	s16 =	sadd.s32 $0x1000, s16;
	s20 =	sadd.s32 $0x12BB8, s17;
	s18 =	smov.u32 s26  }
0x39e: {  	[hbm4b:s25+s3] =	stream.linear.scatter [tilespmem:s20], [sflag:$0x4], $0x80, $0x38;
	[tilespmem:$0x19E00] =	vst v63  }
0x39f: {  	s17 =	sadd.s32 $0x12800, s0  }
0x3a0: {  	[hbm4b:s16+s3] =	stream.linear.scatter [tilespmem:s17], [sflag:$0x4], $0x80, $0x38;
	[tilespmem:$0x19E00] =	vst v63  }
0x3a1: {  	s31 =	sadd.s32 $0x12888, s0;
	s18 =	sadd.s32 $0x10, s16  }
0x3a2: {  	[hbm4b:s18+s3] =	stream.linear.scatter [tilespmem:s31], [sflag:$0x4], $0x80, $0x38;
	[tilespmem:$0x19E00] =	vst v63  }
0x3a3: {  	s20 =	sadd.s32 $0x12910, s0;
	s25 =	sadd.s32 $0x20, s16  }
0x3a4: {  	[hbm4b:s25+s3] =	stream.linear.scatter [tilespmem:s20], [sflag:$0x4], $0x80, $0x38;
	[tilespmem:$0x19E00] =	vst v63  }
0x3a5: {  	s26 =	sadd.s32 $0x12998, s0;
	s31 =	sadd.s32 $0x30, s16  }
0x3a6: {  	[hbm4b:s31+s3] =	stream.linear.scatter [tilespmem:s26], [sflag:$0x4], $0x80, $0x38;
	[tilespmem:$0x19E00] =	vst v63  }
0x3a7: {  	s14 =	sadd.s32 $0x1, s14;
	s20 =	sadd.s32 $0x12A20, s0;
	s25 =	sadd.s32 $0x40, s16  }
0x3a8: {  	[hbm4b:s25+s3] =	stream.linear.scatter [tilespmem:s20], [sflag:$0x4], $0x80, $0x38;
	[tilespmem:$0x19E00] =	vst v63  }
0x3a9: {  	p0 =	sne.s32 s14, $0x32;
	s26 =	sadd.s32 $0x12AA8, s0;
	s31 =	sadd.s32 $0x50, s16  }
0x3aa: {  	[hbm4b:s31+s3] =	stream.linear.scatter [tilespmem:s26], [sflag:$0x4], $0x80, $0x38;
	[tilespmem:$0x19E00] =	vst v63  }
.Ltmp12:
0x3ab: {  	_ = 	snop;
	(pc) =	sbr.rel @p0 .LBB2_14-.Ltmp12, $4  }
0x3ac: {  	s20 =	sadd.s32 $0x12B30, s0;
	s25 =	sadd.s32 $0x60, s16  }
0x3ad: {  	[hbm4b:s25+s3] =	stream.linear.scatter [tilespmem:s20], [sflag:$0x4], $0x80, $0x38;
	[tilespmem:$0x19E00] =	vst v63  }
0x3ae: {  	s26 =	sadd.s32 $0x12BB8, s0;
	s31 =	sadd.s32 $0x70, s16  }
0x3af: {  	[hbm4b:s31+s3] =	stream.linear.scatter [tilespmem:s26], [sflag:$0x4], $0x80, $0x38;
	[tilespmem:$0x19E00] =	vst v63  }
0x3b0: {  	s12 =	sadd.s32 $0x1, s12  }
0x3b1: {  	_ =	swait.ge [sflag:s1], $0x4000;
	p0 =	sne.s32 s12, s10  }
.Ltmp13:
0x3b2: {  	[sflag:s1] =	ssyncset.done $0x0;
	(pc) =	sbr.rel @p0 .LBB2_1-.Ltmp13, $4  }
0x3b3: {  	[sflag:s1] =	ssyncadd.s32 $0xFFFFC000  }
0x3b4: {  	_ =	swait.ge [sflag:s11], $0x4000  }
0x3b5: {  	[sflag:s11] =	ssyncset.done $0x0  }
0x3b6: {  	s17 =	simm.s32 $0x6400;
	s25 =	simm.s32 $0x8400;
	[sflag:s11] =	ssyncadd.s32 $0xFFFFC000  }
0x3b7: {  	_ =	sfence.sel $0x180000  }
0x3b8: {  	[bflag:$0x0] =	sbarrier.arrive $0xFFFF  }
0x3b9: {  	_ =	strace $0x90000047  }
0x3ba: {  	s0 =	stileid.u32;
	[bflag:$0x2] =	sbarrier.arrive $0xFFFF  }
0x3bb: {  	p0 =	sne.s32 s0, $0x0;
	s0 =	rddreg [dreg:$0x3]  }
0x3bc: {  	s0 =	sadd.s32 @!p0 $0x100000, s0  }
0x3bd: {  	[sflag:s0] =	ssyncadd.tile.s32 @!p0 $0x1;
	_ =	shalt  }
.Lfunc_end2:
_tile_overlayer_lowered:
.L_overlay_start_2:
0x3be: {  	(tag) =	ssettag $0x2  }
0x3bf: {  	s0 =	rddreg [dreg:$0x0];
	s2 =	stileid.u32  }
0x3c0: {  	s1 =	rddreg [dreg:$0x1];
	p0 =	sne.s32 s2, $0x0  }
0x3c1: {  	s3 =	rddreg [dreg:$0x2];
	[bflag:$0x3] =	sbarrier.arrive $0xFFFF;
	s2 =	simm.s32 @!p0 $0x1C05  }
0x3c2: {  	[timem:s3], [sflag:s2] =	dma.local @!p0 [hbm:s0], s1  }
0x3c3: {  	s0 =	simm.s32 @!p0 $0x5  }
0x3c4: {  	_ =	swait.ge @!p0 [sflag:s0], s1  }
0x3c5: {  	s1 =	ssub.s32 @!p0 $0x0, s1;
	[sflag:s0] =	ssyncset.done @!p0 $0x0  }
0x3c6: {  	[sflag:s0] =	ssyncadd.s32 @!p0 s1  }
0x3c7: {  	[bflag:$0x3] =	sbarrier.arrive $0xFFFF  }
0x3c8: {  	_ =	shalt  }

</sc_bundles>
